<compile_context>
chip_gen: v7x
topology: tpu7x:2x2x1
jax: 0.10.2.dev20260603
libtpu: 0.0.44.dev20260713+nightly
codegen_flags: <defaults>
</compile_context>

<pallas_src>
import functools

import jax
import jax.numpy as jnp
from jax import lax
from jax.experimental import pallas as pl
from jax.experimental.pallas import tpu as pltpu
from jax.experimental.pallas import tpu_sc as plsc

N = 10000
E = 320000
D = 128

NC = 2
NS = 16
NW = NC * NS

NPAD = 10112
ROWS_PER_TILE = NPAD // NS
EPW = E // NW
CHUNK = 96
NBUF = 3
EPW_P = 10080
NCHUNK = EPW_P // CHUNK
GROUPS = NCHUNK // NBUF
ZFULL = ROWS_PER_TILE // CHUNK
ZTAIL = ROWS_PER_TILE % CHUNK
IDX_BITS = 14
IDX_MASK = (1 << IDX_BITS) - 1


def _sc_segment_sum_body(x_hbm, pidx_hbm, zeros_hbm, out_hbm,
                         sseg, rows, pidx, sidx, didx, gsem, ssem):
    cid = lax.axis_index("c")
    sid = lax.axis_index("s")
    wid = sid * NC + cid

    rbase = sid * ROWS_PER_TILE
    pltpu.sync_copy(zeros_hbm, rows.at[0])
    for j in range(ZFULL):
        pltpu.sync_copy(rows.at[0],
                        sseg.at[pl.ds(rbase + j * CHUNK, CHUNK)])
    if ZTAIL:
        pltpu.sync_copy(rows.at[0, pl.ds(0, ZTAIL)],
                        sseg.at[pl.ds(rbase + ZFULL * CHUNK, ZTAIL)])
    pltpu.sync_copy(pidx_hbm.at[wid], pidx)

    def unpack(c, b):
        for j in range(CHUNK // 16):
            sl = pl.ds(j * 16, 16)
            p = pidx[pl.ds(c * CHUNK + j * 16, 16)]
            sidx[b, sl] = jnp.bitwise_and(p, IDX_MASK)
            didx[b, sl] = lax.shift_right_logical(p, IDX_BITS)

    def gather(c, b):
        pltpu.async_copy(x_hbm.at[sidx.at[b]], rows.at[b], gsem.at[b])

    def gather_wait(b):
        pltpu.make_async_copy(x_hbm.at[sidx.at[b]], rows.at[b],
                              gsem.at[b]).wait()

    def scatter(c, b):
        pltpu.async_copy(rows.at[b], sseg.at[didx.at[b]], ssem.at[b],
                         add=True)

    def scatter_wait(b):
        pltpu.make_async_copy(rows.at[b], sseg.at[didx.at[b]],
                              ssem.at[b]).wait()

    for b in range(NBUF):
        unpack(b, b)
        gather(b, b)
    plsc.subcore_barrier()

    def group(g, carry):
        for b in range(NBUF):
            c = g * NBUF + b
            gather_wait(b)
            scatter(c, b)
            bp = (b - 1) % NBUF
            cp = c - 1

            @pl.when(jnp.logical_and(cp >= 0, cp + NBUF < NCHUNK))
            def _():
                scatter_wait(bp)
                unpack(cp + NBUF, bp)
                gather(cp + NBUF, bp)

        return carry

    lax.fori_loop(0, GROUPS, group, 0)
    for b in range(NBUF):
        scatter_wait(b)
    plsc.subcore_barrier()

    for j in range(ZFULL):
        sl = pl.ds(rbase + j * CHUNK, CHUNK)
        pltpu.sync_copy(sseg.at[sl], rows.at[0])
        pltpu.sync_copy(rows.at[0], out_hbm.at[cid, sl])
    if ZTAIL:
        sl = pl.ds(rbase + ZFULL * CHUNK, ZTAIL)
        pltpu.sync_copy(sseg.at[sl], rows.at[0, pl.ds(0, ZTAIL)])
        pltpu.sync_copy(rows.at[0, pl.ds(0, ZTAIL)], out_hbm.at[cid, sl])


@functools.partial(jax.jit, static_argnames=())
def _sc_segment_sum(x, pidx, zeros):
    mesh = plsc.VectorSubcoreMesh(core_axis_name="c", subcore_axis_name="s")
    return pl.kernel(
        _sc_segment_sum_body,
        out_type=jax.ShapeDtypeStruct((NC, NPAD, D), jnp.float32),
        mesh=mesh,
        scratch_types=[
            pltpu.VMEM_SHARED((NPAD, D), jnp.float32),
            pltpu.VMEM((NBUF, CHUNK, D), jnp.float32),
            pltpu.VMEM((NCHUNK * CHUNK,), jnp.int32),
            pltpu.VMEM((NBUF, CHUNK), jnp.int32),
            pltpu.VMEM((NBUF, CHUNK), jnp.int32),
            pltpu.SemaphoreType.DMA((NBUF,)),
            pltpu.SemaphoreType.DMA((NBUF,)),
        ],
    )(x, pidx, zeros)


ROW_BLK = 400
NBLK = N // ROW_BLK


def _tc_mlp_body(eps_ref, x_ref, s_ref, wa_ref, ba_ref, wb_ref, bb_ref, o_ref):
    z = (1.0 + eps_ref[0]) * x_ref[...] + s_ref[0] + s_ref[1]
    h = jnp.dot(z, wa_ref[...], preferred_element_type=jnp.float32) + ba_ref[...]
    h = jnp.maximum(h, 0.0)
    o_ref[...] = jnp.dot(h, wb_ref[...], preferred_element_type=jnp.float32) + bb_ref[...]


def _tc_mlp(eps, x, spair, wa, ba, wb, bb):
    return pl.pallas_call(
        _tc_mlp_body,
        grid=(NBLK,),
        in_specs=[
            pl.BlockSpec(memory_space=pltpu.SMEM),
            pl.BlockSpec((ROW_BLK, D), lambda i: (i, 0)),
            pl.BlockSpec((NC, ROW_BLK, D), lambda i: (0, i, 0)),
            pl.BlockSpec((D, D), lambda i: (0, 0)),
            pl.BlockSpec((1, D), lambda i: (0, 0)),
            pl.BlockSpec((D, D), lambda i: (0, 0)),
            pl.BlockSpec((1, D), lambda i: (0, 0)),
        ],
        out_specs=pl.BlockSpec((ROW_BLK, D), lambda i: (i, 0)),
        out_shape=jax.ShapeDtypeStruct((N, D), jnp.float32),
    )(eps, x, spair, wa, ba, wb, bb)


def kernel(X, edge_index, eps1, W1a, b1a, W1b, b1b, eps2, W2a, b2a, W2b, b2b):
    src = edge_index[0].reshape(NW, EPW)
    dst = edge_index[1].reshape(NW, EPW)
    src = jnp.pad(src, ((0, 0), (0, EPW_P - EPW)))
    dst = jnp.pad(dst, ((0, 0), (0, EPW_P - EPW)),
                  constant_values=NPAD - 1)
    pidx = (src + (dst << IDX_BITS)).reshape(NW, NCHUNK * CHUNK)
    zeros = jnp.zeros((CHUNK, D), jnp.float32)
    b1a2 = b1a.reshape(1, D)
    b1b2 = b1b.reshape(1, D)
    b2a2 = b2a.reshape(1, D)
    b2b2 = b2b.reshape(1, D)

    s1 = _sc_segment_sum(X, pidx, zeros)
    x1 = _tc_mlp(eps1, X, s1, W1a, b1a2, W1b, b1b2)
    s2 = _sc_segment_sum(x1, pidx, zeros)
    x2 = _tc_mlp(eps2, x1, s2, W2a, b2a2, W2b, b2b2)
    return x2

# --- scband reference (transcript-rebuilt; emitter-appended) ---
"""Pipeline reference for scband-gin-5033701670916 (READ-ONLY COPY).

The authoritative reference and input builder live on the scoring server;
editing this copy changes nothing except your own understanding.
"""

import jax, jax.numpy as jnp
import numpy as np

N = 10000
E = 320000
D = 128


def setup_inputs(seed: int = 0) -> dict:
    key = jax.random.key(seed)
    ks = jax.random.split(key, 12)
    X = jax.random.normal(ks[0], (N, D), dtype=jnp.float32)
    edge_index = jax.random.randint(ks[1], (2, E), 0, N, dtype=jnp.int32)
    eps1 = jax.random.normal(ks[2], (1,), dtype=jnp.float32)
    W1a = jax.random.normal(ks[3], (D, D), dtype=jnp.float32) * 0.05
    b1a = jnp.zeros((D,), dtype=jnp.float32)
    W1b = jax.random.normal(ks[4], (D, D), dtype=jnp.float32) * 0.05
    b1b = jnp.zeros((D,), dtype=jnp.float32)
    eps2 = jax.random.normal(ks[5], (1,), dtype=jnp.float32)
    W2a = jax.random.normal(ks[6], (D, D), dtype=jnp.float32) * 0.05
    b2a = jnp.zeros((D,), dtype=jnp.float32)
    W2b = jax.random.normal(ks[7], (D, D), dtype=jnp.float32) * 0.05
    b2b = jnp.zeros((D,), dtype=jnp.float32)
    return {"X": X, "edge_index": edge_index, "eps1": eps1, "W1a": W1a, "b1a": b1a, "W1b": W1b, "b1b": b1b, "eps2": eps2, "W2a": W2a, "b2a": b2a, "W2b": W2b, "b2b": b2b}


def reference(X, edge_index, eps1, W1a, b1a, W1b, b1b, eps2, W2a, b2a, W2b, b2b):
    def mlp(Z, Wa, ba, Wb, bb):
        h = jax.nn.relu(Z @ Wa + ba)
        return h @ Wb + bb

    def gin_layer(Xin, eps, Wa, ba, Wb, bb):
        # message: X_j gathered from edge sources (flow source_to_target)
        msgs = jnp.take(Xin, edge_index[0], axis=0)
        # aggr='add': scatter-add into destination nodes
        S = jax.ops.segment_sum(msgs, edge_index[1], num_segments=N)
        Z = (1.0 + eps) * Xin + S
        return mlp(Z, Wa, ba, Wb, bb)

    X1 = gin_layer(X, eps1, W1a, b1a, W1b, b1b)
    X2 = gin_layer(X1, eps2, W2a, b2a, W2b, b2b)
    return X2

if __name__ == "__main__":
    import jax
    _d = setup_inputs()
    print(jax.jit(kernel)(*tuple(_d.values())))

</pallas_src>

<mosaic_0001>
#map = affine_map<(d0, d1) -> (0, 0)>
#map1 = affine_map<(d0, d1) -> (0, 0, 0)>
module attributes {stable_mosaic.version = 14 : i64} {
  func.func @_sc_segment_sum_body(%arg0: i32, %arg1: i32, %arg2: memref<10000x128xf32, #tpu.memory_space<hbm>>, %arg3: memref<32x10080xi32, #tpu.memory_space<hbm>>, %arg4: memref<96x128xf32, #tpu.memory_space<hbm>>, %arg5: memref<2x10112x128xf32, #tpu.memory_space<hbm>>, %arg6: memref<10112x128xf32, #tpu.memory_space<vmem_shared>>, %arg7: memref<3x96x128xf32, #tpu.memory_space<vmem>>, %arg8: memref<10080xi32, #tpu.memory_space<vmem>>, %arg9: memref<3x96xi32, #tpu.memory_space<vmem>>, %arg10: memref<3x96xi32, #tpu.memory_space<vmem>>, %arg11: memref<3x!tpu.dma_semaphore, #tpu.memory_space<semaphore_mem>>, %arg12: memref<3x!tpu.dma_semaphore, #tpu.memory_space<semaphore_mem>>) attributes {dimension_semantics = [#tpu.dimension_semantics<core_parallel>, #tpu.dimension_semantics<subcore_parallel>], iteration_bounds = array<i64: 2, 16>, scalar_prefetch = 0 : i64, scratch_operands = 7 : i64, tpu.core_type = #tpu.core_type<sc_vector_subcore>, window_params = [{transform_indices = #map}, {transform_indices = #map}, {transform_indices = #map}, {transform_indices = #map1}]} {
    %mul3A = arith.constant 2 : i32
    %mul3A_0 = arith.muli %arg1, %mul3A : i32
    %add3A = arith.addi %mul3A_0, %arg0 : i32
    %mul3A_1 = arith.constant 632 : i32
    %mul3A_2 = arith.muli %arg1, %mul3A_1 : i32
    %run_scoped3A = arith.constant 0 : i32
    "tpu.region"() ({
      %run_scoped3A_520 = tpu.sem_alloc : memref<!tpu.dma_semaphore, #tpu.memory_space<semaphore_mem>>
      %dma_start3A_521 = arith.constant 0 : i32
      %dma_start3A_522 = arith.constant 0 : i32
      %dma_start3A_523 = tpu.memref_slice %arg7[%run_scoped3A, %dma_start3A_521, %dma_start3A_522] : memref<3x96x128xf32, #tpu.memory_space<vmem>> -> memref<1x96x128xf32, #tpu.memory_space<vmem>>
      %dma_start3A_524 = tpu.memref_squeeze %dma_start3A_523 : memref<1x96x128xf32, #tpu.memory_space<vmem>> -> memref<96x128xf32, #tpu.memory_space<vmem>>
      %dma_start3A_525 = arith.constant 0 : i32
      %dma_start3A_526 = arith.constant 0 : i32
      %dma_start3A_527 = tpu.memref_slice %arg7[%run_scoped3A, %dma_start3A_525, %dma_start3A_526] : memref<3x96x128xf32, #tpu.memory_space<vmem>> -> memref<1x96x128xf32, #tpu.memory_space<vmem>>
      %dma_start3A_528 = tpu.memref_squeeze %dma_start3A_527 : memref<1x96x128xf32, #tpu.memory_space<vmem>> -> memref<96x128xf32, #tpu.memory_space<vmem>>
      tpu.enqueue_dma source(%arg4 : memref<96x128xf32, #tpu.memory_space<hbm>>) target(%dma_start3A_528 : memref<96x128xf32, #tpu.memory_space<vmem>>) target_semaphore(%run_scoped3A_520 : memref<!tpu.dma_semaphore, #tpu.memory_space<semaphore_mem>>)
      %dma_wait3A_529 = arith.constant 0 : i32
      %dma_wait3A_530 = arith.constant 0 : i32
      %dma_wait3A_531 = tpu.memref_slice %arg7[%run_scoped3A, %dma_wait3A_529, %dma_wait3A_530] : memref<3x96x128xf32, #tpu.memory_space<vmem>> -> memref<1x96x128xf32, #tpu.memory_space<vmem>>
      %dma_wait3A_532 = tpu.memref_squeeze %dma_wait3A_531 : memref<1x96x128xf32, #tpu.memory_space<vmem>> -> memref<96x128xf32, #tpu.memory_space<vmem>>
      %dma_wait3A_533 = arith.constant 0 : i32
      %dma_wait3A_534 = arith.constant 0 : i32
      %dma_wait3A_535 = tpu.memref_slice %arg7[%run_scoped3A, %dma_wait3A_533, %dma_wait3A_534] : memref<3x96x128xf32, #tpu.memory_space<vmem>> -> memref<1x96x128xf32, #tpu.memory_space<vmem>>
      %dma_wait3A_536 = tpu.memref_squeeze %dma_wait3A_535 : memref<1x96x128xf32, #tpu.memory_space<vmem>> -> memref<96x128xf32, #tpu.memory_space<vmem>>
      tpu.wait_dma2 semaphore(%run_scoped3A_520 : memref<!tpu.dma_semaphore, #tpu.memory_space<semaphore_mem>>) src(%arg4 : memref<96x128xf32, #tpu.memory_space<hbm>>) dst(%dma_wait3A_536 : memref<96x128xf32, #tpu.memory_space<vmem>>)
      tpu.yield
    }) : () -> ()
    %add3A_3 = arith.constant 0 : i32
    %add3A_4 = arith.addi %mul3A_2, %add3A_3 : i32
    %run_scoped3A_5 = arith.constant 0 : i32
    "tpu.region"() ({
      %run_scoped3A_520 = tpu.sem_alloc : memref<!tpu.dma_semaphore, #tpu.memory_space<semaphore_mem>>
      %dma_start3A_521 = arith.constant 0 : i32
      %dma_start3A_522 = arith.constant 0 : i32
      %dma_start3A_523 = tpu.memref_slice %arg7[%run_scoped3A_5, %dma_start3A_521, %dma_start3A_522] : memref<3x96x128xf32, #tpu.memory_space<vmem>> -> memref<1x96x128xf32, #tpu.memory_space<vmem>>
      %dma_start3A_524 = tpu.memref_squeeze %dma_start3A_523 : memref<1x96x128xf32, #tpu.memory_space<vmem>> -> memref<96x128xf32, #tpu.memory_space<vmem>>
      %dma_start3A_525 = arith.constant 0 : i32
      %dma_start3A_526 = tpu.memref_slice %arg6[%add3A_4, %dma_start3A_525] : memref<10112x128xf32, #tpu.memory_space<vmem_shared>> -> memref<96x128xf32, #tpu.memory_space<vmem_shared>>
      %dma_start3A_527 = arith.constant 0 : i32
      %dma_start3A_528 = tpu.memref_slice %arg6[%add3A_4, %dma_start3A_527] : memref<10112x128xf32, #tpu.memory_space<vmem_shared>> -> memref<96x128xf32, #tpu.memory_space<vmem_shared>>
      %dma_start3A_529 = arith.constant 0 : i32
      %dma_start3A_530 = arith.constant 0 : i32
      %dma_start3A_531 = tpu.memref_slice %arg7[%run_scoped3A_5, %dma_start3A_529, %dma_start3A_530] : memref<3x96x128xf32, #tpu.memory_space<vmem>> -> memref<1x96x128xf32, #tpu.memory_space<vmem>>
      %dma_start3A_532 = tpu.memref_squeeze %dma_start3A_531 : memref<1x96x128xf32, #tpu.memory_space<vmem>> -> memref<96x128xf32, #tpu.memory_space<vmem>>
      tpu.enqueue_dma source(%dma_start3A_532 : memref<96x128xf32, #tpu.memory_space<vmem>>) target(%dma_start3A_528 : memref<96x128xf32, #tpu.memory_space<vmem_shared>>) target_semaphore(%run_scoped3A_520 : memref<!tpu.dma_semaphore, #tpu.memory_space<semaphore_mem>>)
      %dma_wait3A_533 = arith.constant 0 : i32
      %dma_wait3A_534 = arith.constant 0 : i32
      %dma_wait3A_535 = tpu.memref_slice %arg7[%run_scoped3A_5, %dma_wait3A_533, %dma_wait3A_534] : memref<3x96x128xf32, #tpu.memory_space<vmem>> -> memref<1x96x128xf32, #tpu.memory_space<vmem>>
      %dma_wait3A_536 = tpu.memref_squeeze %dma_wait3A_535 : memref<1x96x128xf32, #tpu.memory_space<vmem>> -> memref<96x128xf32, #tpu.memory_space<vmem>>
      %dma_wait3A_537 = arith.constant 0 : i32
      %dma_wait3A_538 = tpu.memref_slice %arg6[%add3A_4, %dma_wait3A_537] : memref<10112x128xf32, #tpu.memory_space<vmem_shared>> -> memref<96x128xf32, #tpu.memory_space<vmem_shared>>
      %dma_wait3A_539 = arith.constant 0 : i32
      %dma_wait3A_540 = tpu.memref_slice %arg6[%add3A_4, %dma_wait3A_539] : memref<10112x128xf32, #tpu.memory_space<vmem_shared>> -> memref<96x128xf32, #tpu.memory_space<vmem_shared>>
      %dma_wait3A_541 = arith.constant 0 : i32
      %dma_wait3A_542 = arith.constant 0 : i32
      %dma_wait3A_543 = tpu.memref_slice %arg7[%run_scoped3A_5, %dma_wait3A_541, %dma_wait3A_542] : memref<3x96x128xf32, #tpu.memory_space<vmem>> -> memref<1x96x128xf32, #tpu.memory_space<vmem>>
      %dma_wait3A_544 = tpu.memref_squeeze %dma_wait3A_543 : memref<1x96x128xf32, #tpu.memory_space<vmem>> -> memref<96x128xf32, #tpu.memory_space<vmem>>
      tpu.wait_dma2 semaphore(%run_scoped3A_520 : memref<!tpu.dma_semaphore, #tpu.memory_space<semaphore_mem>>) src(%dma_wait3A_544 : memref<96x128xf32, #tpu.memory_space<vmem>>) dst(%dma_wait3A_540 : memref<96x128xf32, #tpu.memory_space<vmem_shared>>)
      tpu.yield
    }) : () -> ()
    %add3A_6 = arith.constant 96 : i32
    %add3A_7 = arith.addi %mul3A_2, %add3A_6 : i32
    %run_scoped3A_8 = arith.constant 0 : i32
    "tpu.region"() ({
      %run_scoped3A_520 = tpu.sem_alloc : memref<!tpu.dma_semaphore, #tpu.memory_space<semaphore_mem>>
      %dma_start3A_521 = arith.constant 0 : i32
      %dma_start3A_522 = arith.constant 0 : i32
      %dma_start3A_523 = tpu.memref_slice %arg7[%run_scoped3A_8, %dma_start3A_521, %dma_start3A_522] : memref<3x96x128xf32, #tpu.memory_space<vmem>> -> memref<1x96x128xf32, #tpu.memory_space<vmem>>
      %dma_start3A_524 = tpu.memref_squeeze %dma_start3A_523 : memref<1x96x128xf32, #tpu.memory_space<vmem>> -> memref<96x128xf32, #tpu.memory_space<vmem>>
      %dma_start3A_525 = arith.constant 0 : i32
      %dma_start3A_526 = tpu.memref_slice %arg6[%add3A_7, %dma_start3A_525] : memref<10112x128xf32, #tpu.memory_space<vmem_shared>> -> memref<96x128xf32, #tpu.memory_space<vmem_shared>>
      %dma_start3A_527 = arith.constant 0 : i32
      %dma_start3A_528 = tpu.memref_slice %arg6[%add3A_7, %dma_start3A_527] : memref<10112x128xf32, #tpu.memory_space<vmem_shared>> -> memref<96x128xf32, #tpu.memory_space<vmem_shared>>
      %dma_start3A_529 = arith.constant 0 : i32
      %dma_start3A_530 = arith.constant 0 : i32
      %dma_start3A_531 = tpu.memref_slice %arg7[%run_scoped3A_8, %dma_start3A_529, %dma_start3A_530] : memref<3x96x128xf32, #tpu.memory_space<vmem>> -> memref<1x96x128xf32, #tpu.memory_space<vmem>>
      %dma_start3A_532 = tpu.memref_squeeze %dma_start3A_531 : memref<1x96x128xf32, #tpu.memory_space<vmem>> -> memref<96x128xf32, #tpu.memory_space<vmem>>
      tpu.enqueue_dma source(%dma_start3A_532 : memref<96x128xf32, #tpu.memory_space<vmem>>) target(%dma_start3A_528 : memref<96x128xf32, #tpu.memory_space<vmem_shared>>) target_semaphore(%run_scoped3A_520 : memref<!tpu.dma_semaphore, #tpu.memory_space<semaphore_mem>>)
      %dma_wait3A_533 = arith.constant 0 : i32
      %dma_wait3A_534 = arith.constant 0 : i32
      %dma_wait3A_535 = tpu.memref_slice %arg7[%run_scoped3A_8, %dma_wait3A_533, %dma_wait3A_534] : memref<3x96x128xf32, #tpu.memory_space<vmem>> -> memref<1x96x128xf32, #tpu.memory_space<vmem>>
      %dma_wait3A_536 = tpu.memref_squeeze %dma_wait3A_535 : memref<1x96x128xf32, #tpu.memory_space<vmem>> -> memref<96x128xf32, #tpu.memory_space<vmem>>
      %dma_wait3A_537 = arith.constant 0 : i32
      %dma_wait3A_538 = tpu.memref_slice %arg6[%add3A_7, %dma_wait3A_537] : memref<10112x128xf32, #tpu.memory_space<vmem_shared>> -> memref<96x128xf32, #tpu.memory_space<vmem_shared>>
      %dma_wait3A_539 = arith.constant 0 : i32
      %dma_wait3A_540 = tpu.memref_slice %arg6[%add3A_7, %dma_wait3A_539] : memref<10112x128xf32, #tpu.memory_space<vmem_shared>> -> memref<96x128xf32, #tpu.memory_space<vmem_shared>>
      %dma_wait3A_541 = arith.constant 0 : i32
      %dma_wait3A_542 = arith.constant 0 : i32
      %dma_wait3A_543 = tpu.memref_slice %arg7[%run_scoped3A_8, %dma_wait3A_541, %dma_wait3A_542] : memref<3x96x128xf32, #tpu.memory_space<vmem>> -> memref<1x96x128xf32, #tpu.memory_space<vmem>>
      %dma_wait3A_544 = tpu.memref_squeeze %dma_wait3A_543 : memref<1x96x128xf32, #tpu.memory_space<vmem>> -> memref<96x128xf32, #tpu.memory_space<vmem>>
      tpu.wait_dma2 semaphore(%run_scoped3A_520 : memref<!tpu.dma_semaphore, #tpu.memory_space<semaphore_mem>>) src(%dma_wait3A_544 : memref<96x128xf32, #tpu.memory_space<vmem>>) dst(%dma_wait3A_540 : memref<96x128xf32, #tpu.memory_space<vmem_shared>>)
      tpu.yield
    }) : () -> ()
    %add3A_9 = arith.constant 192 : i32
    %add3A_10 = arith.addi %mul3A_2, %add3A_9 : i32
    %run_scoped3A_11 = arith.constant 0 : i32
    "tpu.region"() ({
      %run_scoped3A_520 = tpu.sem_alloc : memref<!tpu.dma_semaphore, #tpu.memory_space<semaphore_mem>>
      %dma_start3A_521 = arith.constant 0 : i32
      %dma_start3A_522 = arith.constant 0 : i32
      %dma_start3A_523 = tpu.memref_slice %arg7[%run_scoped3A_11, %dma_start3A_521, %dma_start3A_522] : memref<3x96x128xf32, #tpu.memory_space<vmem>> -> memref<1x96x128xf32, #tpu.memory_space<vmem>>
      %dma_start3A_524 = tpu.memref_squeeze %dma_start3A_523 : memref<1x96x128xf32, #tpu.memory_space<vmem>> -> memref<96x128xf32, #tpu.memory_space<vmem>>
      %dma_start3A_525 = arith.constant 0 : i32
      %dma_start3A_526 = tpu.memref_slice %arg6[%add3A_10, %dma_start3A_525] : memref<10112x128xf32, #tpu.memory_space<vmem_shared>> -> memref<96x128xf32, #tpu.memory_space<vmem_shared>>
      %dma_start3A_527 = arith.constant 0 : i32
      %dma_start3A_528 = tpu.memref_slice %arg6[%add3A_10, %dma_start3A_527] : memref<10112x128xf32, #tpu.memory_space<vmem_shared>> -> memref<96x128xf32, #tpu.memory_space<vmem_shared>>
      %dma_start3A_529 = arith.constant 0 : i32
      %dma_start3A_530 = arith.constant 0 : i32
      %dma_start3A_531 = tpu.memref_slice %arg7[%run_scoped3A_11, %dma_start3A_529, %dma_start3A_530] : memref<3x96x128xf32, #tpu.memory_space<vmem>> -> memref<1x96x128xf32, #tpu.memory_space<vmem>>
      %dma_start3A_532 = tpu.memref_squeeze %dma_start3A_531 : memref<1x96x128xf32, #tpu.memory_space<vmem>> -> memref<96x128xf32, #tpu.memory_space<vmem>>
      tpu.enqueue_dma source(%dma_start3A_532 : memref<96x128xf32, #tpu.memory_space<vmem>>) target(%dma_start3A_528 : memref<96x128xf32, #tpu.memory_space<vmem_shared>>) target_semaphore(%run_scoped3A_520 : memref<!tpu.dma_semaphore, #tpu.memory_space<semaphore_mem>>)
      %dma_wait3A_533 = arith.constant 0 : i32
      %dma_wait3A_534 = arith.constant 0 : i32
      %dma_wait3A_535 = tpu.memref_slice %arg7[%run_scoped3A_11, %dma_wait3A_533, %dma_wait3A_534] : memref<3x96x128xf32, #tpu.memory_space<vmem>> -> memref<1x96x128xf32, #tpu.memory_space<vmem>>
      %dma_wait3A_536 = tpu.memref_squeeze %dma_wait3A_535 : memref<1x96x128xf32, #tpu.memory_space<vmem>> -> memref<96x128xf32, #tpu.memory_space<vmem>>
      %dma_wait3A_537 = arith.constant 0 : i32
      %dma_wait3A_538 = tpu.memref_slice %arg6[%add3A_10, %dma_wait3A_537] : memref<10112x128xf32, #tpu.memory_space<vmem_shared>> -> memref<96x128xf32, #tpu.memory_space<vmem_shared>>
      %dma_wait3A_539 = arith.constant 0 : i32
      %dma_wait3A_540 = tpu.memref_slice %arg6[%add3A_10, %dma_wait3A_539] : memref<10112x128xf32, #tpu.memory_space<vmem_shared>> -> memref<96x128xf32, #tpu.memory_space<vmem_shared>>
      %dma_wait3A_541 = arith.constant 0 : i32
      %dma_wait3A_542 = arith.constant 0 : i32
      %dma_wait3A_543 = tpu.memref_slice %arg7[%run_scoped3A_11, %dma_wait3A_541, %dma_wait3A_542] : memref<3x96x128xf32, #tpu.memory_space<vmem>> -> memref<1x96x128xf32, #tpu.memory_space<vmem>>
      %dma_wait3A_544 = tpu.memref_squeeze %dma_wait3A_543 : memref<1x96x128xf32, #tpu.memory_space<vmem>> -> memref<96x128xf32, #tpu.memory_space<vmem>>
      tpu.wait_dma2 semaphore(%run_scoped3A_520 : memref<!tpu.dma_semaphore, #tpu.memory_space<semaphore_mem>>) src(%dma_wait3A_544 : memref<96x128xf32, #tpu.memory_space<vmem>>) dst(%dma_wait3A_540 : memref<96x128xf32, #tpu.memory_space<vmem_shared>>)
      tpu.yield
    }) : () -> ()
    %add3A_12 = arith.constant 288 : i32
    %add3A_13 = arith.addi %mul3A_2, %add3A_12 : i32
    %run_scoped3A_14 = arith.constant 0 : i32
    "tpu.region"() ({
      %run_scoped3A_520 = tpu.sem_alloc : memref<!tpu.dma_semaphore, #tpu.memory_space<semaphore_mem>>
      %dma_start3A_521 = arith.constant 0 : i32
      %dma_start3A_522 = arith.constant 0 : i32
      %dma_start3A_523 = tpu.memref_slice %arg7[%run_scoped3A_14, %dma_start3A_521, %dma_start3A_522] : memref<3x96x128xf32, #tpu.memory_space<vmem>> -> memref<1x96x128xf32, #tpu.memory_space<vmem>>
      %dma_start3A_524 = tpu.memref_squeeze %dma_start3A_523 : memref<1x96x128xf32, #tpu.memory_space<vmem>> -> memref<96x128xf32, #tpu.memory_space<vmem>>
      %dma_start3A_525 = arith.constant 0 : i32
      %dma_start3A_526 = tpu.memref_slice %arg6[%add3A_13, %dma_start3A_525] : memref<10112x128xf32, #tpu.memory_space<vmem_shared>> -> memref<96x128xf32, #tpu.memory_space<vmem_shared>>
      %dma_start3A_527 = arith.constant 0 : i32
      %dma_start3A_528 = tpu.memref_slice %arg6[%add3A_13, %dma_start3A_527] : memref<10112x128xf32, #tpu.memory_space<vmem_shared>> -> memref<96x128xf32, #tpu.memory_space<vmem_shared>>
      %dma_start3A_529 = arith.constant 0 : i32
      %dma_start3A_530 = arith.constant 0 : i32
      %dma_start3A_531 = tpu.memref_slice %arg7[%run_scoped3A_14, %dma_start3A_529, %dma_start3A_530] : memref<3x96x128xf32, #tpu.memory_space<vmem>> -> memref<1x96x128xf32, #tpu.memory_space<vmem>>
      %dma_start3A_532 = tpu.memref_squeeze %dma_start3A_531 : memref<1x96x128xf32, #tpu.memory_space<vmem>> -> memref<96x128xf32, #tpu.memory_space<vmem>>
      tpu.enqueue_dma source(%dma_start3A_532 : memref<96x128xf32, #tpu.memory_space<vmem>>) target(%dma_start3A_528 : memref<96x128xf32, #tpu.memory_space<vmem_shared>>) target_semaphore(%run_scoped3A_520 : memref<!tpu.dma_semaphore, #tpu.memory_space<semaphore_mem>>)
      %dma_wait3A_533 = arith.constant 0 : i32
      %dma_wait3A_534 = arith.constant 0 : i32
      %dma_wait3A_535 = tpu.memref_slice %arg7[%run_scoped3A_14, %dma_wait3A_533, %dma_wait3A_534] : memref<3x96x128xf32, #tpu.memory_space<vmem>> -> memref<1x96x128xf32, #tpu.memory_space<vmem>>
      %dma_wait3A_536 = tpu.memref_squeeze %dma_wait3A_535 : memref<1x96x128xf32, #tpu.memory_space<vmem>> -> memref<96x128xf32, #tpu.memory_space<vmem>>
      %dma_wait3A_537 = arith.constant 0 : i32
      %dma_wait3A_538 = tpu.memref_slice %arg6[%add3A_13, %dma_wait3A_537] : memref<10112x128xf32, #tpu.memory_space<vmem_shared>> -> memref<96x128xf32, #tpu.memory_space<vmem_shared>>
      %dma_wait3A_539 = arith.constant 0 : i32
      %dma_wait3A_540 = tpu.memref_slice %arg6[%add3A_13, %dma_wait3A_539] : memref<10112x128xf32, #tpu.memory_space<vmem_shared>> -> memref<96x128xf32, #tpu.memory_space<vmem_shared>>
      %dma_wait3A_541 = arith.constant 0 : i32
      %dma_wait3A_542 = arith.constant 0 : i32
      %dma_wait3A_543 = tpu.memref_slice %arg7[%run_scoped3A_14, %dma_wait3A_541, %dma_wait3A_542] : memref<3x96x128xf32, #tpu.memory_space<vmem>> -> memref<1x96x128xf32, #tpu.memory_space<vmem>>
      %dma_wait3A_544 = tpu.memref_squeeze %dma_wait3A_543 : memref<1x96x128xf32, #tpu.memory_space<vmem>> -> memref<96x128xf32, #tpu.memory_space<vmem>>
      tpu.wait_dma2 semaphore(%run_scoped3A_520 : memref<!tpu.dma_semaphore, #tpu.memory_space<semaphore_mem>>) src(%dma_wait3A_544 : memref<96x128xf32, #tpu.memory_space<vmem>>) dst(%dma_wait3A_540 : memref<96x128xf32, #tpu.memory_space<vmem_shared>>)
      tpu.yield
    }) : () -> ()
    %add3A_15 = arith.constant 384 : i32
    %add3A_16 = arith.addi %mul3A_2, %add3A_15 : i32
    %run_scoped3A_17 = arith.constant 0 : i32
    "tpu.region"() ({
      %run_scoped3A_520 = tpu.sem_alloc : memref<!tpu.dma_semaphore, #tpu.memory_space<semaphore_mem>>
      %dma_start3A_521 = arith.constant 0 : i32
      %dma_start3A_522 = arith.constant 0 : i32
      %dma_start3A_523 = tpu.memref_slice %arg7[%run_scoped3A_17, %dma_start3A_521, %dma_start3A_522] : memref<3x96x128xf32, #tpu.memory_space<vmem>> -> memref<1x96x128xf32, #tpu.memory_space<vmem>>
      %dma_start3A_524 = tpu.memref_squeeze %dma_start3A_523 : memref<1x96x128xf32, #tpu.memory_space<vmem>> -> memref<96x128xf32, #tpu.memory_space<vmem>>
      %dma_start3A_525 = arith.constant 0 : i32
      %dma_start3A_526 = tpu.memref_slice %arg6[%add3A_16, %dma_start3A_525] : memref<10112x128xf32, #tpu.memory_space<vmem_shared>> -> memref<96x128xf32, #tpu.memory_space<vmem_shared>>
      %dma_start3A_527 = arith.constant 0 : i32
      %dma_start3A_528 = tpu.memref_slice %arg6[%add3A_16, %dma_start3A_527] : memref<10112x128xf32, #tpu.memory_space<vmem_shared>> -> memref<96x128xf32, #tpu.memory_space<vmem_shared>>
      %dma_start3A_529 = arith.constant 0 : i32
      %dma_start3A_530 = arith.constant 0 : i32
      %dma_start3A_531 = tpu.memref_slice %arg7[%run_scoped3A_17, %dma_start3A_529, %dma_start3A_530] : memref<3x96x128xf32, #tpu.memory_space<vmem>> -> memref<1x96x128xf32, #tpu.memory_space<vmem>>
      %dma_start3A_532 = tpu.memref_squeeze %dma_start3A_531 : memref<1x96x128xf32, #tpu.memory_space<vmem>> -> memref<96x128xf32, #tpu.memory_space<vmem>>
      tpu.enqueue_dma source(%dma_start3A_532 : memref<96x128xf32, #tpu.memory_space<vmem>>) target(%dma_start3A_528 : memref<96x128xf32, #tpu.memory_space<vmem_shared>>) target_semaphore(%run_scoped3A_520 : memref<!tpu.dma_semaphore, #tpu.memory_space<semaphore_mem>>)
      %dma_wait3A_533 = arith.constant 0 : i32
      %dma_wait3A_534 = arith.constant 0 : i32
      %dma_wait3A_535 = tpu.memref_slice %arg7[%run_scoped3A_17, %dma_wait3A_533, %dma_wait3A_534] : memref<3x96x128xf32, #tpu.memory_space<vmem>> -> memref<1x96x128xf32, #tpu.memory_space<vmem>>
      %dma_wait3A_536 = tpu.memref_squeeze %dma_wait3A_535 : memref<1x96x128xf32, #tpu.memory_space<vmem>> -> memref<96x128xf32, #tpu.memory_space<vmem>>
      %dma_wait3A_537 = arith.constant 0 : i32
      %dma_wait3A_538 = tpu.memref_slice %arg6[%add3A_16, %dma_wait3A_537] : memref<10112x128xf32, #tpu.memory_space<vmem_shared>> -> memref<96x128xf32, #tpu.memory_space<vmem_shared>>
      %dma_wait3A_539 = arith.constant 0 : i32
      %dma_wait3A_540 = tpu.memref_slice %arg6[%add3A_16, %dma_wait3A_539] : memref<10112x128xf32, #tpu.memory_space<vmem_shared>> -> memref<96x128xf32, #tpu.memory_space<vmem_shared>>
      %dma_wait3A_541 = arith.constant 0 : i32
      %dma_wait3A_542 = arith.constant 0 : i32
      %dma_wait3A_543 = tpu.memref_slice %arg7[%run_scoped3A_17, %dma_wait3A_541, %dma_wait3A_542] : memref<3x96x128xf32, #tpu.memory_space<vmem>> -> memref<1x96x128xf32, #tpu.memory_space<vmem>>
      %dma_wait3A_544 = tpu.memref_squeeze %dma_wait3A_543 : memref<1x96x128xf32, #tpu.memory_space<vmem>> -> memref<96x128xf32, #tpu.memory_space<vmem>>
      tpu.wait_dma2 semaphore(%run_scoped3A_520 : memref<!tpu.dma_semaphore, #tpu.memory_space<semaphore_mem>>) src(%dma_wait3A_544 : memref<96x128xf32, #tpu.memory_space<vmem>>) dst(%dma_wait3A_540 : memref<96x128xf32, #tpu.memory_space<vmem_shared>>)
      tpu.yield
    }) : () -> ()
    %add3A_18 = arith.constant 480 : i32
    %add3A_19 = arith.addi %mul3A_2, %add3A_18 : i32
    %run_scoped3A_20 = arith.constant 0 : i32
    "tpu.region"() ({
      %run_scoped3A_520 = tpu.sem_alloc : memref<!tpu.dma_semaphore, #tpu.memory_space<semaphore_mem>>
      %dma_start3A_521 = arith.constant 0 : i32
      %dma_start3A_522 = arith.constant 0 : i32
      %dma_start3A_523 = tpu.memref_slice %arg7[%run_scoped3A_20, %dma_start3A_521, %dma_start3A_522] : memref<3x96x128xf32, #tpu.memory_space<vmem>> -> memref<1x96x128xf32, #tpu.memory_space<vmem>>
      %dma_start3A_524 = tpu.memref_squeeze %dma_start3A_523 : memref<1x96x128xf32, #tpu.memory_space<vmem>> -> memref<96x128xf32, #tpu.memory_space<vmem>>
      %dma_start3A_525 = arith.constant 0 : i32
      %dma_start3A_526 = tpu.memref_slice %arg6[%add3A_19, %dma_start3A_525] : memref<10112x128xf32, #tpu.memory_space<vmem_shared>> -> memref<96x128xf32, #tpu.memory_space<vmem_shared>>
      %dma_start3A_527 = arith.constant 0 : i32
      %dma_start3A_528 = tpu.memref_slice %arg6[%add3A_19, %dma_start3A_527] : memref<10112x128xf32, #tpu.memory_space<vmem_shared>> -> memref<96x128xf32, #tpu.memory_space<vmem_shared>>
      %dma_start3A_529 = arith.constant 0 : i32
      %dma_start3A_530 = arith.constant 0 : i32
      %dma_start3A_531 = tpu.memref_slice %arg7[%run_scoped3A_20, %dma_start3A_529, %dma_start3A_530] : memref<3x96x128xf32, #tpu.memory_space<vmem>> -> memref<1x96x128xf32, #tpu.memory_space<vmem>>
      %dma_start3A_532 = tpu.memref_squeeze %dma_start3A_531 : memref<1x96x128xf32, #tpu.memory_space<vmem>> -> memref<96x128xf32, #tpu.memory_space<vmem>>
      tpu.enqueue_dma source(%dma_start3A_532 : memref<96x128xf32, #tpu.memory_space<vmem>>) target(%dma_start3A_528 : memref<96x128xf32, #tpu.memory_space<vmem_shared>>) target_semaphore(%run_scoped3A_520 : memref<!tpu.dma_semaphore, #tpu.memory_space<semaphore_mem>>)
      %dma_wait3A_533 = arith.constant 0 : i32
      %dma_wait3A_534 = arith.constant 0 : i32
      %dma_wait3A_535 = tpu.memref_slice %arg7[%run_scoped3A_20, %dma_wait3A_533, %dma_wait3A_534] : memref<3x96x128xf32, #tpu.memory_space<vmem>> -> memref<1x96x128xf32, #tpu.memory_space<vmem>>
      %dma_wait3A_536 = tpu.memref_squeeze %dma_wait3A_535 : memref<1x96x128xf32, #tpu.memory_space<vmem>> -> memref<96x128xf32, #tpu.memory_space<vmem>>
      %dma_wait3A_537 = arith.constant 0 : i32
      %dma_wait3A_538 = tpu.memref_slice %arg6[%add3A_19, %dma_wait3A_537] : memref<10112x128xf32, #tpu.memory_space<vmem_shared>> -> memref<96x128xf32, #tpu.memory_space<vmem_shared>>
      %dma_wait3A_539 = arith.constant 0 : i32
      %dma_wait3A_540 = tpu.memref_slice %arg6[%add3A_19, %dma_wait3A_539] : memref<10112x128xf32, #tpu.memory_space<vmem_shared>> -> memref<96x128xf32, #tpu.memory_space<vmem_shared>>
      %dma_wait3A_541 = arith.constant 0 : i32
      %dma_wait3A_542 = arith.constant 0 : i32
      %dma_wait3A_543 = tpu.memref_slice %arg7[%run_scoped3A_20, %dma_wait3A_541, %dma_wait3A_542] : memref<3x96x128xf32, #tpu.memory_space<vmem>> -> memref<1x96x128xf32, #tpu.memory_space<vmem>>
      %dma_wait3A_544 = tpu.memref_squeeze %dma_wait3A_543 : memref<1x96x128xf32, #tpu.memory_space<vmem>> -> memref<96x128xf32, #tpu.memory_space<vmem>>
      tpu.wait_dma2 semaphore(%run_scoped3A_520 : memref<!tpu.dma_semaphore, #tpu.memory_space<semaphore_mem>>) src(%dma_wait3A_544 : memref<96x128xf32, #tpu.memory_space<vmem>>) dst(%dma_wait3A_540 : memref<96x128xf32, #tpu.memory_space<vmem_shared>>)
      tpu.yield
    }) : () -> ()
    %add3A_21 = arith.constant 576 : i32
    %add3A_22 = arith.addi %mul3A_2, %add3A_21 : i32
    %run_scoped3A_23 = arith.constant 0 : i32
    "tpu.region"() ({
      %run_scoped3A_520 = tpu.sem_alloc : memref<!tpu.dma_semaphore, #tpu.memory_space<semaphore_mem>>
      %dma_start3A_521 = arith.constant 0 : i32
      %dma_start3A_522 = arith.constant 0 : i32
      %dma_start3A_523 = tpu.memref_slice %arg7[%run_scoped3A_23, %dma_start3A_521, %dma_start3A_522] : memref<3x96x128xf32, #tpu.memory_space<vmem>> -> memref<1x56x128xf32, #tpu.memory_space<vmem>>
      %dma_start3A_524 = tpu.memref_squeeze %dma_start3A_523 : memref<1x56x128xf32, #tpu.memory_space<vmem>> -> memref<56x128xf32, #tpu.memory_space<vmem>>
      %dma_start3A_525 = arith.constant 0 : i32
      %dma_start3A_526 = tpu.memref_slice %arg6[%add3A_22, %dma_start3A_525] : memref<10112x128xf32, #tpu.memory_space<vmem_shared>> -> memref<56x128xf32, #tpu.memory_space<vmem_shared>>
      %dma_start3A_527 = arith.constant 0 : i32
      %dma_start3A_528 = tpu.memref_slice %arg6[%add3A_22, %dma_start3A_527] : memref<10112x128xf32, #tpu.memory_space<vmem_shared>> -> memref<56x128xf32, #tpu.memory_space<vmem_shared>>
      %dma_start3A_529 = arith.constant 0 : i32
      %dma_start3A_530 = arith.constant 0 : i32
      %dma_start3A_531 = tpu.memref_slice %arg7[%run_scoped3A_23, %dma_start3A_529, %dma_start3A_530] : memref<3x96x128xf32, #tpu.memory_space<vmem>> -> memref<1x56x128xf32, #tpu.memory_space<vmem>>
      %dma_start3A_532 = tpu.memref_squeeze %dma_start3A_531 : memref<1x56x128xf32, #tpu.memory_space<vmem>> -> memref<56x128xf32, #tpu.memory_space<vmem>>
      tpu.enqueue_dma source(%dma_start3A_532 : memref<56x128xf32, #tpu.memory_space<vmem>>) target(%dma_start3A_528 : memref<56x128xf32, #tpu.memory_space<vmem_shared>>) target_semaphore(%run_scoped3A_520 : memref<!tpu.dma_semaphore, #tpu.memory_space<semaphore_mem>>)
      %dma_wait3A_533 = arith.constant 0 : i32
      %dma_wait3A_534 = arith.constant 0 : i32
      %dma_wait3A_535 = tpu.memref_slice %arg7[%run_scoped3A_23, %dma_wait3A_533, %dma_wait3A_534] : memref<3x96x128xf32, #tpu.memory_space<vmem>> -> memref<1x56x128xf32, #tpu.memory_space<vmem>>
      %dma_wait3A_536 = tpu.memref_squeeze %dma_wait3A_535 : memref<1x56x128xf32, #tpu.memory_space<vmem>> -> memref<56x128xf32, #tpu.memory_space<vmem>>
      %dma_wait3A_537 = arith.constant 0 : i32
      %dma_wait3A_538 = tpu.memref_slice %arg6[%add3A_22, %dma_wait3A_537] : memref<10112x128xf32, #tpu.memory_space<vmem_shared>> -> memref<56x128xf32, #tpu.memory_space<vmem_shared>>
      %dma_wait3A_539 = arith.constant 0 : i32
      %dma_wait3A_540 = tpu.memref_slice %arg6[%add3A_22, %dma_wait3A_539] : memref<10112x128xf32, #tpu.memory_space<vmem_shared>> -> memref<56x128xf32, #tpu.memory_space<vmem_shared>>
      %dma_wait3A_541 = arith.constant 0 : i32
      %dma_wait3A_542 = arith.constant 0 : i32
      %dma_wait3A_543 = tpu.memref_slice %arg7[%run_scoped3A_23, %dma_wait3A_541, %dma_wait3A_542] : memref<3x96x128xf32, #tpu.memory_space<vmem>> -> memref<1x56x128xf32, #tpu.memory_space<vmem>>
      %dma_wait3A_544 = tpu.memref_squeeze %dma_wait3A_543 : memref<1x56x128xf32, #tpu.memory_space<vmem>> -> memref<56x128xf32, #tpu.memory_space<vmem>>
      tpu.wait_dma2 semaphore(%run_scoped3A_520 : memref<!tpu.dma_semaphore, #tpu.memory_space<semaphore_mem>>) src(%dma_wait3A_544 : memref<56x128xf32, #tpu.memory_space<vmem>>) dst(%dma_wait3A_540 : memref<56x128xf32, #tpu.memory_space<vmem_shared>>)
      tpu.yield
    }) : () -> ()
    "tpu.region"() ({
      %run_scoped3A_520 = tpu.sem_alloc : memref<!tpu.dma_semaphore, #tpu.memory_space<semaphore_mem>>
      %dma_start3A_521 = arith.constant 0 : i32
      %dma_start3A_522 = tpu.memref_slice %arg3[%add3A, %dma_start3A_521] : memref<32x10080xi32, #tpu.memory_space<hbm>> -> memref<1x10080xi32, #tpu.memory_space<hbm>>
      %dma_start3A_523 = tpu.memref_squeeze %dma_start3A_522 : memref<1x10080xi32, #tpu.memory_space<hbm>> -> memref<10080xi32, #tpu.memory_space<hbm>>
      %dma_start3A_524 = arith.constant 0 : i32
      %dma_start3A_525 = tpu.memref_slice %arg3[%add3A, %dma_start3A_524] : memref<32x10080xi32, #tpu.memory_space<hbm>> -> memref<1x10080xi32, #tpu.memory_space<hbm>>
      %dma_start3A_526 = tpu.memref_squeeze %dma_start3A_525 : memref<1x10080xi32, #tpu.memory_space<hbm>> -> memref<10080xi32, #tpu.memory_space<hbm>>
      tpu.enqueue_dma source(%dma_start3A_526 : memref<10080xi32, #tpu.memory_space<hbm>>) target(%arg8 : memref<10080xi32, #tpu.memory_space<vmem>>) target_semaphore(%run_scoped3A_520 : memref<!tpu.dma_semaphore, #tpu.memory_space<semaphore_mem>>)
      %dma_wait3A_527 = arith.constant 0 : i32
      %dma_wait3A_528 = tpu.memref_slice %arg3[%add3A, %dma_wait3A_527] : memref<32x10080xi32, #tpu.memory_space<hbm>> -> memref<1x10080xi32, #tpu.memory_space<hbm>>
      %dma_wait3A_529 = tpu.memref_squeeze %dma_wait3A_528 : memref<1x10080xi32, #tpu.memory_space<hbm>> -> memref<10080xi32, #tpu.memory_space<hbm>>
      %dma_wait3A_530 = arith.constant 0 : i32
      %dma_wait3A_531 = tpu.memref_slice %arg3[%add3A, %dma_wait3A_530] : memref<32x10080xi32, #tpu.memory_space<hbm>> -> memref<1x10080xi32, #tpu.memory_space<hbm>>
      %dma_wait3A_532 = tpu.memref_squeeze %dma_wait3A_531 : memref<1x10080xi32, #tpu.memory_space<hbm>> -> memref<10080xi32, #tpu.memory_space<hbm>>
      tpu.wait_dma2 semaphore(%run_scoped3A_520 : memref<!tpu.dma_semaphore, #tpu.memory_space<semaphore_mem>>) src(%dma_wait3A_532 : memref<10080xi32, #tpu.memory_space<hbm>>) dst(%arg8 : memref<10080xi32, #tpu.memory_space<vmem>>)
      tpu.yield
    }) : () -> ()
    %get3A = arith.constant 0 : index
    %get3A_24 = tpu.vector_load %arg8[%get3A] {strides = array<i32>} : memref<10080xi32, #tpu.memory_space<vmem>>, vector<16xi32>,
    %get3A_25 = vector.shape_cast %get3A_24 : vector<16xi32> to vector<16xi32>
    %and3A = arith.constant 16383 : i32
    %and3A_26 = vector.broadcast %and3A : i32 to vector<16xi32>
    %and3A_27 = arith.andi %get3A_25, %and3A_26 : vector<16xi32>
    %swap3A = arith.constant 0 : i32
    %swap3A_28 = arith.index_cast %swap3A : i32 to index
    %swap3A_29 = arith.constant 0 : index
    %swap3A_30 = tpu.vector_load %arg9[%swap3A_28, %swap3A_29] {strides = array<i32>} : memref<3x96xi32, #tpu.memory_space<vmem>>, vector<1x16xi32>,
    %swap3A_31 = vector.shape_cast %swap3A_30 : vector<1x16xi32> to vector<16xi32>
    %swap3A_32 = vector.shape_cast %and3A_27 : vector<16xi32> to vector<1x16xi32>
    tpu.vector_store %arg9[%swap3A_28, %swap3A_29], %swap3A_32 {strides = array<i32>} : memref<3x96xi32, #tpu.memory_space<vmem>>, vector<1x16xi32>,
    %shift_right_logical3A = arith.constant 14 : i32
    %shift_right_logical3A_33 = vector.broadcast %shift_right_logical3A : i32 to vector<16xi32>
    %shift_right_logical3A_34 = arith.shrui %get3A_25, %shift_right_logical3A_33 : vector<16xi32>
    %swap3A_35 = arith.constant 0 : i32
    %swap3A_36 = arith.index_cast %swap3A_35 : i32 to index
    %swap3A_37 = arith.constant 0 : index
    %swap3A_38 = tpu.vector_load %arg10[%swap3A_36, %swap3A_37] {strides = array<i32>} : memref<3x96xi32, #tpu.memory_space<vmem>>, vector<1x16xi32>,
    %swap3A_39 = vector.shape_cast %swap3A_38 : vector<1x16xi32> to vector<16xi32>
    %swap3A_40 = vector.shape_cast %shift_right_logical3A_34 : vector<16xi32> to vector<1x16xi32>
    tpu.vector_store %arg10[%swap3A_36, %swap3A_37], %swap3A_40 {strides = array<i32>} : memref<3x96xi32, #tpu.memory_space<vmem>>, vector<1x16xi32>,
    %get3A_41 = arith.constant 16 : index
    %get3A_42 = tpu.vector_load %arg8[%get3A_41] {strides = array<i32>} : memref<10080xi32, #tpu.memory_space<vmem>>, vector<16xi32>,
    %get3A_43 = vector.shape_cast %get3A_42 : vector<16xi32> to vector<16xi32>
    %and3A_44 = arith.constant 16383 : i32
    %and3A_45 = vector.broadcast %and3A_44 : i32 to vector<16xi32>
    %and3A_46 = arith.andi %get3A_43, %and3A_45 : vector<16xi32>
    %swap3A_47 = arith.constant 0 : i32
    %swap3A_48 = arith.index_cast %swap3A_47 : i32 to index
    %swap3A_49 = arith.constant 16 : index
    %swap3A_50 = tpu.vector_load %arg9[%swap3A_48, %swap3A_49] {strides = array<i32>} : memref<3x96xi32, #tpu.memory_space<vmem>>, vector<1x16xi32>,
    %swap3A_51 = vector.shape_cast %swap3A_50 : vector<1x16xi32> to vector<16xi32>
    %swap3A_52 = vector.shape_cast %and3A_46 : vector<16xi32> to vector<1x16xi32>
    tpu.vector_store %arg9[%swap3A_48, %swap3A_49], %swap3A_52 {strides = array<i32>} : memref<3x96xi32, #tpu.memory_space<vmem>>, vector<1x16xi32>,
    %shift_right_logical3A_53 = arith.constant 14 : i32
    %shift_right_logical3A_54 = vector.broadcast %shift_right_logical3A_53 : i32 to vector<16xi32>
    %shift_right_logical3A_55 = arith.shrui %get3A_43, %shift_right_logical3A_54 : vector<16xi32>
    %swap3A_56 = arith.constant 0 : i32
    %swap3A_57 = arith.index_cast %swap3A_56 : i32 to index
    %swap3A_58 = arith.constant 16 : index
    %swap3A_59 = tpu.vector_load %arg10[%swap3A_57, %swap3A_58] {strides = array<i32>} : memref<3x96xi32, #tpu.memory_space<vmem>>, vector<1x16xi32>,
    %swap3A_60 = vector.shape_cast %swap3A_59 : vector<1x16xi32> to vector<16xi32>
    %swap3A_61 = vector.shape_cast %shift_right_logical3A_55 : vector<16xi32> to vector<1x16xi32>
    tpu.vector_store %arg10[%swap3A_57, %swap3A_58], %swap3A_61 {strides = array<i32>} : memref<3x96xi32, #tpu.memory_space<vmem>>, vector<1x16xi32>,
    %get3A_62 = arith.constant 32 : index
    %get3A_63 = tpu.vector_load %arg8[%get3A_62] {strides = array<i32>} : memref<10080xi32, #tpu.memory_space<vmem>>, vector<16xi32>,
    %get3A_64 = vector.shape_cast %get3A_63 : vector<16xi32> to vector<16xi32>
    %and3A_65 = arith.constant 16383 : i32
    %and3A_66 = vector.broadcast %and3A_65 : i32 to vector<16xi32>
    %and3A_67 = arith.andi %get3A_64, %and3A_66 : vector<16xi32>
    %swap3A_68 = arith.constant 0 : i32
    %swap3A_69 = arith.index_cast %swap3A_68 : i32 to index
    %swap3A_70 = arith.constant 32 : index
    %swap3A_71 = tpu.vector_load %arg9[%swap3A_69, %swap3A_70] {strides = array<i32>} : memref<3x96xi32, #tpu.memory_space<vmem>>, vector<1x16xi32>,
    %swap3A_72 = vector.shape_cast %swap3A_71 : vector<1x16xi32> to vector<16xi32>
    %swap3A_73 = vector.shape_cast %and3A_67 : vector<16xi32> to vector<1x16xi32>
    tpu.vector_store %arg9[%swap3A_69, %swap3A_70], %swap3A_73 {strides = array<i32>} : memref<3x96xi32, #tpu.memory_space<vmem>>, vector<1x16xi32>,
    %shift_right_logical3A_74 = arith.constant 14 : i32
    %shift_right_logical3A_75 = vector.broadcast %shift_right_logical3A_74 : i32 to vector<16xi32>
    %shift_right_logical3A_76 = arith.shrui %get3A_64, %shift_right_logical3A_75 : vector<16xi32>
    %swap3A_77 = arith.constant 0 : i32
    %swap3A_78 = arith.index_cast %swap3A_77 : i32 to index
    %swap3A_79 = arith.constant 32 : index
    %swap3A_80 = tpu.vector_load %arg10[%swap3A_78, %swap3A_79] {strides = array<i32>} : memref<3x96xi32, #tpu.memory_space<vmem>>, vector<1x16xi32>,
    %swap3A_81 = vector.shape_cast %swap3A_80 : vector<1x16xi32> to vector<16xi32>
    %swap3A_82 = vector.shape_cast %shift_right_logical3A_76 : vector<16xi32> to vector<1x16xi32>
    tpu.vector_store %arg10[%swap3A_78, %swap3A_79], %swap3A_82 {strides = array<i32>} : memref<3x96xi32, #tpu.memory_space<vmem>>, vector<1x16xi32>,
    %get3A_83 = arith.constant 48 : index
    %get3A_84 = tpu.vector_load %arg8[%get3A_83] {strides = array<i32>} : memref<10080xi32, #tpu.memory_space<vmem>>, vector<16xi32>,
    %get3A_85 = vector.shape_cast %get3A_84 : vector<16xi32> to vector<16xi32>
    %and3A_86 = arith.constant 16383 : i32
    %and3A_87 = vector.broadcast %and3A_86 : i32 to vector<16xi32>
    %and3A_88 = arith.andi %get3A_85, %and3A_87 : vector<16xi32>
    %swap3A_89 = arith.constant 0 : i32
    %swap3A_90 = arith.index_cast %swap3A_89 : i32 to index
    %swap3A_91 = arith.constant 48 : index
    %swap3A_92 = tpu.vector_load %arg9[%swap3A_90, %swap3A_91] {strides = array<i32>} : memref<3x96xi32, #tpu.memory_space<vmem>>, vector<1x16xi32>,
    %swap3A_93 = vector.shape_cast %swap3A_92 : vector<1x16xi32> to vector<16xi32>
    %swap3A_94 = vector.shape_cast %and3A_88 : vector<16xi32> to vector<1x16xi32>
    tpu.vector_store %arg9[%swap3A_90, %swap3A_91], %swap3A_94 {strides = array<i32>} : memref<3x96xi32, #tpu.memory_space<vmem>>, vector<1x16xi32>,
    %shift_right_logical3A_95 = arith.constant 14 : i32
    %shift_right_logical3A_96 = vector.broadcast %shift_right_logical3A_95 : i32 to vector<16xi32>
    %shift_right_logical3A_97 = arith.shrui %get3A_85, %shift_right_logical3A_96 : vector<16xi32>
    %swap3A_98 = arith.constant 0 : i32
    %swap3A_99 = arith.index_cast %swap3A_98 : i32 to index
    %swap3A_100 = arith.constant 48 : index
    %swap3A_101 = tpu.vector_load %arg10[%swap3A_99, %swap3A_100] {strides = array<i32>} : memref<3x96xi32, #tpu.memory_space<vmem>>, vector<1x16xi32>,
    %swap3A_102 = vector.shape_cast %swap3A_101 : vector<1x16xi32> to vector<16xi32>
    %swap3A_103 = vector.shape_cast %shift_right_logical3A_97 : vector<16xi32> to vector<1x16xi32>
    tpu.vector_store %arg10[%swap3A_99, %swap3A_100], %swap3A_103 {strides = array<i32>} : memref<3x96xi32, #tpu.memory_space<vmem>>, vector<1x16xi32>,
    %get3A_104 = arith.constant 64 : index
    %get3A_105 = tpu.vector_load %arg8[%get3A_104] {strides = array<i32>} : memref<10080xi32, #tpu.memory_space<vmem>>, vector<16xi32>,
    %get3A_106 = vector.shape_cast %get3A_105 : vector<16xi32> to vector<16xi32>
    %and3A_107 = arith.constant 16383 : i32
    %and3A_108 = vector.broadcast %and3A_107 : i32 to vector<16xi32>
    %and3A_109 = arith.andi %get3A_106, %and3A_108 : vector<16xi32>
    %swap3A_110 = arith.constant 0 : i32
    %swap3A_111 = arith.index_cast %swap3A_110 : i32 to index
    %swap3A_112 = arith.constant 64 : index
    %swap3A_113 = tpu.vector_load %arg9[%swap3A_111, %swap3A_112] {strides = array<i32>} : memref<3x96xi32, #tpu.memory_space<vmem>>, vector<1x16xi32>,
    %swap3A_114 = vector.shape_cast %swap3A_113 : vector<1x16xi32> to vector<16xi32>
    %swap3A_115 = vector.shape_cast %and3A_109 : vector<16xi32> to vector<1x16xi32>
    tpu.vector_store %arg9[%swap3A_111, %swap3A_112], %swap3A_115 {strides = array<i32>} : memref<3x96xi32, #tpu.memory_space<vmem>>, vector<1x16xi32>,
    %shift_right_logical3A_116 = arith.constant 14 : i32
    %shift_right_logical3A_117 = vector.broadcast %shift_right_logical3A_116 : i32 to vector<16xi32>
    %shift_right_logical3A_118 = arith.shrui %get3A_106, %shift_right_logical3A_117 : vector<16xi32>
    %swap3A_119 = arith.constant 0 : i32
    %swap3A_120 = arith.index_cast %swap3A_119 : i32 to index
    %swap3A_121 = arith.constant 64 : index
    %swap3A_122 = tpu.vector_load %arg10[%swap3A_120, %swap3A_121] {strides = array<i32>} : memref<3x96xi32, #tpu.memory_space<vmem>>, vector<1x16xi32>,
    %swap3A_123 = vector.shape_cast %swap3A_122 : vector<1x16xi32> to vector<16xi32>
    %swap3A_124 = vector.shape_cast %shift_right_logical3A_118 : vector<16xi32> to vector<1x16xi32>
    tpu.vector_store %arg10[%swap3A_120, %swap3A_121], %swap3A_124 {strides = array<i32>} : memref<3x96xi32, #tpu.memory_space<vmem>>, vector<1x16xi32>,
    %get3A_125 = arith.constant 80 : index
    %get3A_126 = tpu.vector_load %arg8[%get3A_125] {strides = array<i32>} : memref<10080xi32, #tpu.memory_space<vmem>>, vector<16xi32>,
    %get3A_127 = vector.shape_cast %get3A_126 : vector<16xi32> to vector<16xi32>
    %and3A_128 = arith.constant 16383 : i32
    %and3A_129 = vector.broadcast %and3A_128 : i32 to vector<16xi32>
    %and3A_130 = arith.andi %get3A_127, %and3A_129 : vector<16xi32>
    %swap3A_131 = arith.constant 0 : i32
    %swap3A_132 = arith.index_cast %swap3A_131 : i32 to index
    %swap3A_133 = arith.constant 80 : index
    %swap3A_134 = tpu.vector_load %arg9[%swap3A_132, %swap3A_133] {strides = array<i32>} : memref<3x96xi32, #tpu.memory_space<vmem>>, vector<1x16xi32>,
    %swap3A_135 = vector.shape_cast %swap3A_134 : vector<1x16xi32> to vector<16xi32>
    %swap3A_136 = vector.shape_cast %and3A_130 : vector<16xi32> to vector<1x16xi32>
    tpu.vector_store %arg9[%swap3A_132, %swap3A_133], %swap3A_136 {strides = array<i32>} : memref<3x96xi32, #tpu.memory_space<vmem>>, vector<1x16xi32>,
    %shift_right_logical3A_137 = arith.constant 14 : i32
    %shift_right_logical3A_138 = vector.broadcast %shift_right_logical3A_137 : i32 to vector<16xi32>
    %shift_right_logical3A_139 = arith.shrui %get3A_127, %shift_right_logical3A_138 : vector<16xi32>
    %swap3A_140 = arith.constant 0 : i32
    %swap3A_141 = arith.index_cast %swap3A_140 : i32 to index
    %swap3A_142 = arith.constant 80 : index
    %swap3A_143 = tpu.vector_load %arg10[%swap3A_141, %swap3A_142] {strides = array<i32>} : memref<3x96xi32, #tpu.memory_space<vmem>>, vector<1x16xi32>,
    %swap3A_144 = vector.shape_cast %swap3A_143 : vector<1x16xi32> to vector<16xi32>
    %swap3A_145 = vector.shape_cast %shift_right_logical3A_139 : vector<16xi32> to vector<1x16xi32>
    tpu.vector_store %arg10[%swap3A_141, %swap3A_142], %swap3A_145 {strides = array<i32>} : memref<3x96xi32, #tpu.memory_space<vmem>>, vector<1x16xi32>,
    %dma_start3A = arith.constant 0 : i32
    %dma_start3A_146 = arith.constant 0 : i32
    %dma_start3A_147 = arith.constant 0 : i32
    %dma_start3A_148 = arith.constant 0 : i32
    %dma_start3A_149 = arith.constant 0 : i32
    %dma_start3A_150 = tpu.memref_slice %arg7[%dma_start3A_146, %dma_start3A_148, %dma_start3A_149] : memref<3x96x128xf32, #tpu.memory_space<vmem>> -> memref<1x96x128xf32, #tpu.memory_space<vmem>>
    %dma_start3A_151 = tpu.memref_squeeze %dma_start3A_150 : memref<1x96x128xf32, #tpu.memory_space<vmem>> -> memref<96x128xf32, #tpu.memory_space<vmem>>
    %dma_start3A_152 = arith.constant 0 : i32
    %dma_start3A_153 = tpu.memref_slice %arg9[%dma_start3A, %dma_start3A_152] : memref<3x96xi32, #tpu.memory_space<vmem>> -> memref<1x96xi32, #tpu.memory_space<vmem>>
    %dma_start3A_154 = tpu.memref_squeeze %dma_start3A_153 : memref<1x96xi32, #tpu.memory_space<vmem>> -> memref<96xi32, #tpu.memory_space<vmem>>
    %dma_start3A_155 = arith.constant 0 : i32
    %dma_start3A_156 = arith.constant 0 : i32
    %dma_start3A_157 = tpu.memref_slice %arg2[%dma_start3A_155, %dma_start3A_156] : memref<10000x128xf32, #tpu.memory_space<hbm>> -> memref<10000x128xf32, #tpu.memory_space<hbm>>
    %dma_start3A_158 = tpu.memref_slice %arg11[%dma_start3A_147] : memref<3x!tpu.dma_semaphore, #tpu.memory_space<semaphore_mem>> -> memref<1x!tpu.dma_semaphore, #tpu.memory_space<semaphore_mem>>
    %dma_start3A_159 = tpu.memref_squeeze %dma_start3A_158 : memref<1x!tpu.dma_semaphore, #tpu.memory_space<semaphore_mem>> -> memref<!tpu.dma_semaphore, #tpu.memory_space<semaphore_mem>>
    tpu.enqueue_indirect_dma source(%dma_start3A_157 : memref<10000x128xf32, #tpu.memory_space<hbm>>) target(%dma_start3A_151 : memref<96x128xf32, #tpu.memory_space<vmem>>) offsets(%dma_start3A_154 : memref<96xi32, #tpu.memory_space<vmem>>) semaphore(%dma_start3A_159 : memref<!tpu.dma_semaphore, #tpu.memory_space<semaphore_mem>>)
    %get3A_160 = arith.constant 96 : index
    %get3A_161 = tpu.vector_load %arg8[%get3A_160] {strides = array<i32>} : memref<10080xi32, #tpu.memory_space<vmem>>, vector<16xi32>,
    %get3A_162 = vector.shape_cast %get3A_161 : vector<16xi32> to vector<16xi32>
    %and3A_163 = arith.constant 16383 : i32
    %and3A_164 = vector.broadcast %and3A_163 : i32 to vector<16xi32>
    %and3A_165 = arith.andi %get3A_162, %and3A_164 : vector<16xi32>
    %swap3A_166 = arith.constant 1 : i32
    %swap3A_167 = arith.index_cast %swap3A_166 : i32 to index
    %swap3A_168 = arith.constant 0 : index
    %swap3A_169 = tpu.vector_load %arg9[%swap3A_167, %swap3A_168] {strides = array<i32>} : memref<3x96xi32, #tpu.memory_space<vmem>>, vector<1x16xi32>,
    %swap3A_170 = vector.shape_cast %swap3A_169 : vector<1x16xi32> to vector<16xi32>
    %swap3A_171 = vector.shape_cast %and3A_165 : vector<16xi32> to vector<1x16xi32>
    tpu.vector_store %arg9[%swap3A_167, %swap3A_168], %swap3A_171 {strides = array<i32>} : memref<3x96xi32, #tpu.memory_space<vmem>>, vector<1x16xi32>,
    %shift_right_logical3A_172 = arith.constant 14 : i32
    %shift_right_logical3A_173 = vector.broadcast %shift_right_logical3A_172 : i32 to vector<16xi32>
    %shift_right_logical3A_174 = arith.shrui %get3A_162, %shift_right_logical3A_173 : vector<16xi32>
    %swap3A_175 = arith.constant 1 : i32
    %swap3A_176 = arith.index_cast %swap3A_175 : i32 to index
    %swap3A_177 = arith.constant 0 : index
    %swap3A_178 = tpu.vector_load %arg10[%swap3A_176, %swap3A_177] {strides = array<i32>} : memref<3x96xi32, #tpu.memory_space<vmem>>, vector<1x16xi32>,
    %swap3A_179 = vector.shape_cast %swap3A_178 : vector<1x16xi32> to vector<16xi32>
    %swap3A_180 = vector.shape_cast %shift_right_logical3A_174 : vector<16xi32> to vector<1x16xi32>
    tpu.vector_store %arg10[%swap3A_176, %swap3A_177], %swap3A_180 {strides = array<i32>} : memref<3x96xi32, #tpu.memory_space<vmem>>, vector<1x16xi32>,
    %get3A_181 = arith.constant 112 : index
    %get3A_182 = tpu.vector_load %arg8[%get3A_181] {strides = array<i32>} : memref<10080xi32, #tpu.memory_space<vmem>>, vector<16xi32>,
    %get3A_183 = vector.shape_cast %get3A_182 : vector<16xi32> to vector<16xi32>
    %and3A_184 = arith.constant 16383 : i32
    %and3A_185 = vector.broadcast %and3A_184 : i32 to vector<16xi32>
    %and3A_186 = arith.andi %get3A_183, %and3A_185 : vector<16xi32>
    %swap3A_187 = arith.constant 1 : i32
    %swap3A_188 = arith.index_cast %swap3A_187 : i32 to index
    %swap3A_189 = arith.constant 16 : index
    %swap3A_190 = tpu.vector_load %arg9[%swap3A_188, %swap3A_189] {strides = array<i32>} : memref<3x96xi32, #tpu.memory_space<vmem>>, vector<1x16xi32>,
    %swap3A_191 = vector.shape_cast %swap3A_190 : vector<1x16xi32> to vector<16xi32>
    %swap3A_192 = vector.shape_cast %and3A_186 : vector<16xi32> to vector<1x16xi32>
    tpu.vector_store %arg9[%swap3A_188, %swap3A_189], %swap3A_192 {strides = array<i32>} : memref<3x96xi32, #tpu.memory_space<vmem>>, vector<1x16xi32>,
    %shift_right_logical3A_193 = arith.constant 14 : i32
    %shift_right_logical3A_194 = vector.broadcast %shift_right_logical3A_193 : i32 to vector<16xi32>
    %shift_right_logical3A_195 = arith.shrui %get3A_183, %shift_right_logical3A_194 : vector<16xi32>
    %swap3A_196 = arith.constant 1 : i32
    %swap3A_197 = arith.index_cast %swap3A_196 : i32 to index
    %swap3A_198 = arith.constant 16 : index
    %swap3A_199 = tpu.vector_load %arg10[%swap3A_197, %swap3A_198] {strides = array<i32>} : memref<3x96xi32, #tpu.memory_space<vmem>>, vector<1x16xi32>,
    %swap3A_200 = vector.shape_cast %swap3A_199 : vector<1x16xi32> to vector<16xi32>
    %swap3A_201 = vector.shape_cast %shift_right_logical3A_195 : vector<16xi32> to vector<1x16xi32>
    tpu.vector_store %arg10[%swap3A_197, %swap3A_198], %swap3A_201 {strides = array<i32>} : memref<3x96xi32, #tpu.memory_space<vmem>>, vector<1x16xi32>,
    %get3A_202 = arith.constant 128 : index
    %get3A_203 = tpu.vector_load %arg8[%get3A_202] {strides = array<i32>} : memref<10080xi32, #tpu.memory_space<vmem>>, vector<16xi32>,
    %get3A_204 = vector.shape_cast %get3A_203 : vector<16xi32> to vector<16xi32>
    %and3A_205 = arith.constant 16383 : i32
    %and3A_206 = vector.broadcast %and3A_205 : i32 to vector<16xi32>
    %and3A_207 = arith.andi %get3A_204, %and3A_206 : vector<16xi32>
    %swap3A_208 = arith.constant 1 : i32
    %swap3A_209 = arith.index_cast %swap3A_208 : i32 to index
    %swap3A_210 = arith.constant 32 : index
    %swap3A_211 = tpu.vector_load %arg9[%swap3A_209, %swap3A_210] {strides = array<i32>} : memref<3x96xi32, #tpu.memory_space<vmem>>, vector<1x16xi32>,
    %swap3A_212 = vector.shape_cast %swap3A_211 : vector<1x16xi32> to vector<16xi32>
    %swap3A_213 = vector.shape_cast %and3A_207 : vector<16xi32> to vector<1x16xi32>
    tpu.vector_store %arg9[%swap3A_209, %swap3A_210], %swap3A_213 {strides = array<i32>} : memref<3x96xi32, #tpu.memory_space<vmem>>, vector<1x16xi32>,
    %shift_right_logical3A_214 = arith.constant 14 : i32
    %shift_right_logical3A_215 = vector.broadcast %shift_right_logical3A_214 : i32 to vector<16xi32>
    %shift_right_logical3A_216 = arith.shrui %get3A_204, %shift_right_logical3A_215 : vector<16xi32>
    %swap3A_217 = arith.constant 1 : i32
    %swap3A_218 = arith.index_cast %swap3A_217 : i32 to index
    %swap3A_219 = arith.constant 32 : index
    %swap3A_220 = tpu.vector_load %arg10[%swap3A_218, %swap3A_219] {strides = array<i32>} : memref<3x96xi32, #tpu.memory_space<vmem>>, vector<1x16xi32>,
    %swap3A_221 = vector.shape_cast %swap3A_220 : vector<1x16xi32> to vector<16xi32>
    %swap3A_222 = vector.shape_cast %shift_right_logical3A_216 : vector<16xi32> to vector<1x16xi32>
    tpu.vector_store %arg10[%swap3A_218, %swap3A_219], %swap3A_222 {strides = array<i32>} : memref<3x96xi32, #tpu.memory_space<vmem>>, vector<1x16xi32>,
    %get3A_223 = arith.constant 144 : index
    %get3A_224 = tpu.vector_load %arg8[%get3A_223] {strides = array<i32>} : memref<10080xi32, #tpu.memory_space<vmem>>, vector<16xi32>,
    %get3A_225 = vector.shape_cast %get3A_224 : vector<16xi32> to vector<16xi32>
    %and3A_226 = arith.constant 16383 : i32
    %and3A_227 = vector.broadcast %and3A_226 : i32 to vector<16xi32>
    %and3A_228 = arith.andi %get3A_225, %and3A_227 : vector<16xi32>
    %swap3A_229 = arith.constant 1 : i32
    %swap3A_230 = arith.index_cast %swap3A_229 : i32 to index
    %swap3A_231 = arith.constant 48 : index
    %swap3A_232 = tpu.vector_load %arg9[%swap3A_230, %swap3A_231] {strides = array<i32>} : memref<3x96xi32, #tpu.memory_space<vmem>>, vector<1x16xi32>,
    %swap3A_233 = vector.shape_cast %swap3A_232 : vector<1x16xi32> to vector<16xi32>
    %swap3A_234 = vector.shape_cast %and3A_228 : vector<16xi32> to vector<1x16xi32>
    tpu.vector_store %arg9[%swap3A_230, %swap3A_231], %swap3A_234 {strides = array<i32>} : memref<3x96xi32, #tpu.memory_space<vmem>>, vector<1x16xi32>,
    %shift_right_logical3A_235 = arith.constant 14 : i32
    %shift_right_logical3A_236 = vector.broadcast %shift_right_logical3A_235 : i32 to vector<16xi32>
    %shift_right_logical3A_237 = arith.shrui %get3A_225, %shift_right_logical3A_236 : vector<16xi32>
    %swap3A_238 = arith.constant 1 : i32
    %swap3A_239 = arith.index_cast %swap3A_238 : i32 to index
    %swap3A_240 = arith.constant 48 : index
    %swap3A_241 = tpu.vector_load %arg10[%swap3A_239, %swap3A_240] {strides = array<i32>} : memref<3x96xi32, #tpu.memory_space<vmem>>, vector<1x16xi32>,
    %swap3A_242 = vector.shape_cast %swap3A_241 : vector<1x16xi32> to vector<16xi32>
    %swap3A_243 = vector.shape_cast %shift_right_logical3A_237 : vector<16xi32> to vector<1x16xi32>
    tpu.vector_store %arg10[%swap3A_239, %swap3A_240], %swap3A_243 {strides = array<i32>} : memref<3x96xi32, #tpu.memory_space<vmem>>, vector<1x16xi32>,
    %get3A_244 = arith.constant 160 : index
    %get3A_245 = tpu.vector_load %arg8[%get3A_244] {strides = array<i32>} : memref<10080xi32, #tpu.memory_space<vmem>>, vector<16xi32>,
    %get3A_246 = vector.shape_cast %get3A_245 : vector<16xi32> to vector<16xi32>
    %and3A_247 = arith.constant 16383 : i32
    %and3A_248 = vector.broadcast %and3A_247 : i32 to vector<16xi32>
    %and3A_249 = arith.andi %get3A_246, %and3A_248 : vector<16xi32>
    %swap3A_250 = arith.constant 1 : i32
    %swap3A_251 = arith.index_cast %swap3A_250 : i32 to index
    %swap3A_252 = arith.constant 64 : index
    %swap3A_253 = tpu.vector_load %arg9[%swap3A_251, %swap3A_252] {strides = array<i32>} : memref<3x96xi32, #tpu.memory_space<vmem>>, vector<1x16xi32>,
    %swap3A_254 = vector.shape_cast %swap3A_253 : vector<1x16xi32> to vector<16xi32>
    %swap3A_255 = vector.shape_cast %and3A_249 : vector<16xi32> to vector<1x16xi32>
    tpu.vector_store %arg9[%swap3A_251, %swap3A_252], %swap3A_255 {strides = array<i32>} : memref<3x96xi32, #tpu.memory_space<vmem>>, vector<1x16xi32>,
    %shift_right_logical3A_256 = arith.constant 14 : i32
    %shift_right_logical3A_257 = vector.broadcast %shift_right_logical3A_256 : i32 to vector<16xi32>
    %shift_right_logical3A_258 = arith.shrui %get3A_246, %shift_right_logical3A_257 : vector<16xi32>
    %swap3A_259 = arith.constant 1 : i32
    %swap3A_260 = arith.index_cast %swap3A_259 : i32 to index
    %swap3A_261 = arith.constant 64 : index
    %swap3A_262 = tpu.vector_load %arg10[%swap3A_260, %swap3A_261] {strides = array<i32>} : memref<3x96xi32, #tpu.memory_space<vmem>>, vector<1x16xi32>,
    %swap3A_263 = vector.shape_cast %swap3A_262 : vector<1x16xi32> to vector<16xi32>
    %swap3A_264 = vector.shape_cast %shift_right_logical3A_258 : vector<16xi32> to vector<1x16xi32>
    tpu.vector_store %arg10[%swap3A_260, %swap3A_261], %swap3A_264 {strides = array<i32>} : memref<3x96xi32, #tpu.memory_space<vmem>>, vector<1x16xi32>,
    %get3A_265 = arith.constant 176 : index
    %get3A_266 = tpu.vector_load %arg8[%get3A_265] {strides = array<i32>} : memref<10080xi32, #tpu.memory_space<vmem>>, vector<16xi32>,
    %get3A_267 = vector.shape_cast %get3A_266 : vector<16xi32> to vector<16xi32>
    %and3A_268 = arith.constant 16383 : i32
    %and3A_269 = vector.broadcast %and3A_268 : i32 to vector<16xi32>
    %and3A_270 = arith.andi %get3A_267, %and3A_269 : vector<16xi32>
    %swap3A_271 = arith.constant 1 : i32
    %swap3A_272 = arith.index_cast %swap3A_271 : i32 to index
    %swap3A_273 = arith.constant 80 : index
    %swap3A_274 = tpu.vector_load %arg9[%swap3A_272, %swap3A_273] {strides = array<i32>} : memref<3x96xi32, #tpu.memory_space<vmem>>, vector<1x16xi32>,
    %swap3A_275 = vector.shape_cast %swap3A_274 : vector<1x16xi32> to vector<16xi32>
    %swap3A_276 = vector.shape_cast %and3A_270 : vector<16xi32> to vector<1x16xi32>
    tpu.vector_store %arg9[%swap3A_272, %swap3A_273], %swap3A_276 {strides = array<i32>} : memref<3x96xi32, #tpu.memory_space<vmem>>, vector<1x16xi32>,
    %shift_right_logical3A_277 = arith.constant 14 : i32
    %shift_right_logical3A_278 = vector.broadcast %shift_right_logical3A_277 : i32 to vector<16xi32>
    %shift_right_logical3A_279 = arith.shrui %get3A_267, %shift_right_logical3A_278 : vector<16xi32>
    %swap3A_280 = arith.constant 1 : i32
    %swap3A_281 = arith.index_cast %swap3A_280 : i32 to index
    %swap3A_282 = arith.constant 80 : index
    %swap3A_283 = tpu.vector_load %arg10[%swap3A_281, %swap3A_282] {strides = array<i32>} : memref<3x96xi32, #tpu.memory_space<vmem>>, vector<1x16xi32>,
    %swap3A_284 = vector.shape_cast %swap3A_283 : vector<1x16xi32> to vector<16xi32>
    %swap3A_285 = vector.shape_cast %shift_right_logical3A_279 : vector<16xi32> to vector<1x16xi32>
    tpu.vector_store %arg10[%swap3A_281, %swap3A_282], %swap3A_285 {strides = array<i32>} : memref<3x96xi32, #tpu.memory_space<vmem>>, vector<1x16xi32>,
    %dma_start3A_286 = arith.constant 1 : i32
    %dma_start3A_287 = arith.constant 1 : i32
    %dma_start3A_288 = arith.constant 1 : i32
    %dma_start3A_289 = arith.constant 0 : i32
    %dma_start3A_290 = arith.constant 0 : i32
    %dma_start3A_291 = tpu.memref_slice %arg7[%dma_start3A_287, %dma_start3A_289, %dma_start3A_290] : memref<3x96x128xf32, #tpu.memory_space<vmem>> -> memref<1x96x128xf32, #tpu.memory_space<vmem>>
    %dma_start3A_292 = tpu.memref_squeeze %dma_start3A_291 : memref<1x96x128xf32, #tpu.memory_space<vmem>> -> memref<96x128xf32, #tpu.memory_space<vmem>>
    %dma_start3A_293 = arith.constant 0 : i32
    %dma_start3A_294 = tpu.memref_slice %arg9[%dma_start3A_286, %dma_start3A_293] : memref<3x96xi32, #tpu.memory_space<vmem>> -> memref<1x96xi32, #tpu.memory_space<vmem>>
    %dma_start3A_295 = tpu.memref_squeeze %dma_start3A_294 : memref<1x96xi32, #tpu.memory_space<vmem>> -> memref<96xi32, #tpu.memory_space<vmem>>
    %dma_start3A_296 = arith.constant 0 : i32
    %dma_start3A_297 = arith.constant 0 : i32
    %dma_start3A_298 = tpu.memref_slice %arg2[%dma_start3A_296, %dma_start3A_297] : memref<10000x128xf32, #tpu.memory_space<hbm>> -> memref<10000x128xf32, #tpu.memory_space<hbm>>
    %dma_start3A_299 = tpu.memref_slice %arg11[%dma_start3A_288] : memref<3x!tpu.dma_semaphore, #tpu.memory_space<semaphore_mem>> -> memref<1x!tpu.dma_semaphore, #tpu.memory_space<semaphore_mem>>
    %dma_start3A_300 = tpu.memref_squeeze %dma_start3A_299 : memref<1x!tpu.dma_semaphore, #tpu.memory_space<semaphore_mem>> -> memref<!tpu.dma_semaphore, #tpu.memory_space<semaphore_mem>>
    tpu.enqueue_indirect_dma source(%dma_start3A_298 : memref<10000x128xf32, #tpu.memory_space<hbm>>) target(%dma_start3A_292 : memref<96x128xf32, #tpu.memory_space<vmem>>) offsets(%dma_start3A_295 : memref<96xi32, #tpu.memory_space<vmem>>) semaphore(%dma_start3A_300 : memref<!tpu.dma_semaphore, #tpu.memory_space<semaphore_mem>>)
    %get3A_301 = arith.constant 192 : index
    %get3A_302 = tpu.vector_load %arg8[%get3A_301] {strides = array<i32>} : memref<10080xi32, #tpu.memory_space<vmem>>, vector<16xi32>,
    %get3A_303 = vector.shape_cast %get3A_302 : vector<16xi32> to vector<16xi32>
    %and3A_304 = arith.constant 16383 : i32
    %and3A_305 = vector.broadcast %and3A_304 : i32 to vector<16xi32>
    %and3A_306 = arith.andi %get3A_303, %and3A_305 : vector<16xi32>
    %swap3A_307 = arith.constant 2 : i32
    %swap3A_308 = arith.index_cast %swap3A_307 : i32 to index
    %swap3A_309 = arith.constant 0 : index
    %swap3A_310 = tpu.vector_load %arg9[%swap3A_308, %swap3A_309] {strides = array<i32>} : memref<3x96xi32, #tpu.memory_space<vmem>>, vector<1x16xi32>,
    %swap3A_311 = vector.shape_cast %swap3A_310 : vector<1x16xi32> to vector<16xi32>
    %swap3A_312 = vector.shape_cast %and3A_306 : vector<16xi32> to vector<1x16xi32>
    tpu.vector_store %arg9[%swap3A_308, %swap3A_309], %swap3A_312 {strides = array<i32>} : memref<3x96xi32, #tpu.memory_space<vmem>>, vector<1x16xi32>,
    %shift_right_logical3A_313 = arith.constant 14 : i32
    %shift_right_logical3A_314 = vector.broadcast %shift_right_logical3A_313 : i32 to vector<16xi32>
    %shift_right_logical3A_315 = arith.shrui %get3A_303, %shift_right_logical3A_314 : vector<16xi32>
    %swap3A_316 = arith.constant 2 : i32
    %swap3A_317 = arith.index_cast %swap3A_316 : i32 to index
    %swap3A_318 = arith.constant 0 : index
    %swap3A_319 = tpu.vector_load %arg10[%swap3A_317, %swap3A_318] {strides = array<i32>} : memref<3x96xi32, #tpu.memory_space<vmem>>, vector<1x16xi32>,
    %swap3A_320 = vector.shape_cast %swap3A_319 : vector<1x16xi32> to vector<16xi32>
    %swap3A_321 = vector.shape_cast %shift_right_logical3A_315 : vector<16xi32> to vector<1x16xi32>
    tpu.vector_store %arg10[%swap3A_317, %swap3A_318], %swap3A_321 {strides = array<i32>} : memref<3x96xi32, #tpu.memory_space<vmem>>, vector<1x16xi32>,
    %get3A_322 = arith.constant 208 : index
    %get3A_323 = tpu.vector_load %arg8[%get3A_322] {strides = array<i32>} : memref<10080xi32, #tpu.memory_space<vmem>>, vector<16xi32>,
    %get3A_324 = vector.shape_cast %get3A_323 : vector<16xi32> to vector<16xi32>
    %and3A_325 = arith.constant 16383 : i32
    %and3A_326 = vector.broadcast %and3A_325 : i32 to vector<16xi32>
    %and3A_327 = arith.andi %get3A_324, %and3A_326 : vector<16xi32>
    %swap3A_328 = arith.constant 2 : i32
    %swap3A_329 = arith.index_cast %swap3A_328 : i32 to index
    %swap3A_330 = arith.constant 16 : index
    %swap3A_331 = tpu.vector_load %arg9[%swap3A_329, %swap3A_330] {strides = array<i32>} : memref<3x96xi32, #tpu.memory_space<vmem>>, vector<1x16xi32>,
    %swap3A_332 = vector.shape_cast %swap3A_331 : vector<1x16xi32> to vector<16xi32>
    %swap3A_333 = vector.shape_cast %and3A_327 : vector<16xi32> to vector<1x16xi32>
    tpu.vector_store %arg9[%swap3A_329, %swap3A_330], %swap3A_333 {strides = array<i32>} : memref<3x96xi32, #tpu.memory_space<vmem>>, vector<1x16xi32>,
    %shift_right_logical3A_334 = arith.constant 14 : i32
    %shift_right_logical3A_335 = vector.broadcast %shift_right_logical3A_334 : i32 to vector<16xi32>
    %shift_right_logical3A_336 = arith.shrui %get3A_324, %shift_right_logical3A_335 : vector<16xi32>
    %swap3A_337 = arith.constant 2 : i32
    %swap3A_338 = arith.index_cast %swap3A_337 : i32 to index
    %swap3A_339 = arith.constant 16 : index
    %swap3A_340 = tpu.vector_load %arg10[%swap3A_338, %swap3A_339] {strides = array<i32>} : memref<3x96xi32, #tpu.memory_space<vmem>>, vector<1x16xi32>,
    %swap3A_341 = vector.shape_cast %swap3A_340 : vector<1x16xi32> to vector<16xi32>
    %swap3A_342 = vector.shape_cast %shift_right_logical3A_336 : vector<16xi32> to vector<1x16xi32>
    tpu.vector_store %arg10[%swap3A_338, %swap3A_339], %swap3A_342 {strides = array<i32>} : memref<3x96xi32, #tpu.memory_space<vmem>>, vector<1x16xi32>,
    %get3A_343 = arith.constant 224 : index
    %get3A_344 = tpu.vector_load %arg8[%get3A_343] {strides = array<i32>} : memref<10080xi32, #tpu.memory_space<vmem>>, vector<16xi32>,
    %get3A_345 = vector.shape_cast %get3A_344 : vector<16xi32> to vector<16xi32>
    %and3A_346 = arith.constant 16383 : i32
    %and3A_347 = vector.broadcast %and3A_346 : i32 to vector<16xi32>
    %and3A_348 = arith.andi %get3A_345, %and3A_347 : vector<16xi32>
    %swap3A_349 = arith.constant 2 : i32
    %swap3A_350 = arith.index_cast %swap3A_349 : i32 to index
    %swap3A_351 = arith.constant 32 : index
    %swap3A_352 = tpu.vector_load %arg9[%swap3A_350, %swap3A_351] {strides = array<i32>} : memref<3x96xi32, #tpu.memory_space<vmem>>, vector<1x16xi32>,
    %swap3A_353 = vector.shape_cast %swap3A_352 : vector<1x16xi32> to vector<16xi32>
    %swap3A_354 = vector.shape_cast %and3A_348 : vector<16xi32> to vector<1x16xi32>
    tpu.vector_store %arg9[%swap3A_350, %swap3A_351], %swap3A_354 {strides = array<i32>} : memref<3x96xi32, #tpu.memory_space<vmem>>, vector<1x16xi32>,
    %shift_right_logical3A_355 = arith.constant 14 : i32
    %shift_right_logical3A_356 = vector.broadcast %shift_right_logical3A_355 : i32 to vector<16xi32>
    %shift_right_logical3A_357 = arith.shrui %get3A_345, %shift_right_logical3A_356 : vector<16xi32>
    %swap3A_358 = arith.constant 2 : i32
    %swap3A_359 = arith.index_cast %swap3A_358 : i32 to index
    %swap3A_360 = arith.constant 32 : index
    %swap3A_361 = tpu.vector_load %arg10[%swap3A_359, %swap3A_360] {strides = array<i32>} : memref<3x96xi32, #tpu.memory_space<vmem>>, vector<1x16xi32>,
    %swap3A_362 = vector.shape_cast %swap3A_361 : vector<1x16xi32> to vector<16xi32>
    %swap3A_363 = vector.shape_cast %shift_right_logical3A_357 : vector<16xi32> to vector<1x16xi32>
    tpu.vector_store %arg10[%swap3A_359, %swap3A_360], %swap3A_363 {strides = array<i32>} : memref<3x96xi32, #tpu.memory_space<vmem>>, vector<1x16xi32>,
    %get3A_364 = arith.constant 240 : index
    %get3A_365 = tpu.vector_load %arg8[%get3A_364] {strides = array<i32>} : memref<10080xi32, #tpu.memory_space<vmem>>, vector<16xi32>,
    %get3A_366 = vector.shape_cast %get3A_365 : vector<16xi32> to vector<16xi32>
    %and3A_367 = arith.constant 16383 : i32
    %and3A_368 = vector.broadcast %and3A_367 : i32 to vector<16xi32>
    %and3A_369 = arith.andi %get3A_366, %and3A_368 : vector<16xi32>
    %swap3A_370 = arith.constant 2 : i32
    %swap3A_371 = arith.index_cast %swap3A_370 : i32 to index
    %swap3A_372 = arith.constant 48 : index
    %swap3A_373 = tpu.vector_load %arg9[%swap3A_371, %swap3A_372] {strides = array<i32>} : memref<3x96xi32, #tpu.memory_space<vmem>>, vector<1x16xi32>,
    %swap3A_374 = vector.shape_cast %swap3A_373 : vector<1x16xi32> to vector<16xi32>
    %swap3A_375 = vector.shape_cast %and3A_369 : vector<16xi32> to vector<1x16xi32>
    tpu.vector_store %arg9[%swap3A_371, %swap3A_372], %swap3A_375 {strides = array<i32>} : memref<3x96xi32, #tpu.memory_space<vmem>>, vector<1x16xi32>,
    %shift_right_logical3A_376 = arith.constant 14 : i32
    %shift_right_logical3A_377 = vector.broadcast %shift_right_logical3A_376 : i32 to vector<16xi32>
    %shift_right_logical3A_378 = arith.shrui %get3A_366, %shift_right_logical3A_377 : vector<16xi32>
    %swap3A_379 = arith.constant 2 : i32
    %swap3A_380 = arith.index_cast %swap3A_379 : i32 to index
    %swap3A_381 = arith.constant 48 : index
    %swap3A_382 = tpu.vector_load %arg10[%swap3A_380, %swap3A_381] {strides = array<i32>} : memref<3x96xi32, #tpu.memory_space<vmem>>, vector<1x16xi32>,
    %swap3A_383 = vector.shape_cast %swap3A_382 : vector<1x16xi32> to vector<16xi32>
    %swap3A_384 = vector.shape_cast %shift_right_logical3A_378 : vector<16xi32> to vector<1x16xi32>
    tpu.vector_store %arg10[%swap3A_380, %swap3A_381], %swap3A_384 {strides = array<i32>} : memref<3x96xi32, #tpu.memory_space<vmem>>, vector<1x16xi32>,
    %get3A_385 = arith.constant 256 : index
    %get3A_386 = tpu.vector_load %arg8[%get3A_385] {strides = array<i32>} : memref<10080xi32, #tpu.memory_space<vmem>>, vector<16xi32>,
    %get3A_387 = vector.shape_cast %get3A_386 : vector<16xi32> to vector<16xi32>
    %and3A_388 = arith.constant 16383 : i32
    %and3A_389 = vector.broadcast %and3A_388 : i32 to vector<16xi32>
    %and3A_390 = arith.andi %get3A_387, %and3A_389 : vector<16xi32>
    %swap3A_391 = arith.constant 2 : i32
    %swap3A_392 = arith.index_cast %swap3A_391 : i32 to index
    %swap3A_393 = arith.constant 64 : index
    %swap3A_394 = tpu.vector_load %arg9[%swap3A_392, %swap3A_393] {strides = array<i32>} : memref<3x96xi32, #tpu.memory_space<vmem>>, vector<1x16xi32>,
    %swap3A_395 = vector.shape_cast %swap3A_394 : vector<1x16xi32> to vector<16xi32>
    %swap3A_396 = vector.shape_cast %and3A_390 : vector<16xi32> to vector<1x16xi32>
    tpu.vector_store %arg9[%swap3A_392, %swap3A_393], %swap3A_396 {strides = array<i32>} : memref<3x96xi32, #tpu.memory_space<vmem>>, vector<1x16xi32>,
    %shift_right_logical3A_397 = arith.constant 14 : i32
    %shift_right_logical3A_398 = vector.broadcast %shift_right_logical3A_397 : i32 to vector<16xi32>
    %shift_right_logical3A_399 = arith.shrui %get3A_387, %shift_right_logical3A_398 : vector<16xi32>
    %swap3A_400 = arith.constant 2 : i32
    %swap3A_401 = arith.index_cast %swap3A_400 : i32 to index
    %swap3A_402 = arith.constant 64 : index
    %swap3A_403 = tpu.vector_load %arg10[%swap3A_401, %swap3A_402] {strides = array<i32>} : memref<3x96xi32, #tpu.memory_space<vmem>>, vector<1x16xi32>,
    %swap3A_404 = vector.shape_cast %swap3A_403 : vector<1x16xi32> to vector<16xi32>
    %swap3A_405 = vector.shape_cast %shift_right_logical3A_399 : vector<16xi32> to vector<1x16xi32>
    tpu.vector_store %arg10[%swap3A_401, %swap3A_402], %swap3A_405 {strides = array<i32>} : memref<3x96xi32, #tpu.memory_space<vmem>>, vector<1x16xi32>,
    %get3A_406 = arith.constant 272 : index
    %get3A_407 = tpu.vector_load %arg8[%get3A_406] {strides = array<i32>} : memref<10080xi32, #tpu.memory_space<vmem>>, vector<16xi32>,
    %get3A_408 = vector.shape_cast %get3A_407 : vector<16xi32> to vector<16xi32>
    %and3A_409 = arith.constant 16383 : i32
    %and3A_410 = vector.broadcast %and3A_409 : i32 to vector<16xi32>
    %and3A_411 = arith.andi %get3A_408, %and3A_410 : vector<16xi32>
    %swap3A_412 = arith.constant 2 : i32
    %swap3A_413 = arith.index_cast %swap3A_412 : i32 to index
    %swap3A_414 = arith.constant 80 : index
    %swap3A_415 = tpu.vector_load %arg9[%swap3A_413, %swap3A_414] {strides = array<i32>} : memref<3x96xi32, #tpu.memory_space<vmem>>, vector<1x16xi32>,
    %swap3A_416 = vector.shape_cast %swap3A_415 : vector<1x16xi32> to vector<16xi32>
    %swap3A_417 = vector.shape_cast %and3A_411 : vector<16xi32> to vector<1x16xi32>
    tpu.vector_store %arg9[%swap3A_413, %swap3A_414], %swap3A_417 {strides = array<i32>} : memref<3x96xi32, #tpu.memory_space<vmem>>, vector<1x16xi32>,
    %shift_right_logical3A_418 = arith.constant 14 : i32
    %shift_right_logical3A_419 = vector.broadcast %shift_right_logical3A_418 : i32 to vector<16xi32>
    %shift_right_logical3A_420 = arith.shrui %get3A_408, %shift_right_logical3A_419 : vector<16xi32>
    %swap3A_421 = arith.constant 2 : i32
    %swap3A_422 = arith.index_cast %swap3A_421 : i32 to index
    %swap3A_423 = arith.constant 80 : index
    %swap3A_424 = tpu.vector_load %arg10[%swap3A_422, %swap3A_423] {strides = array<i32>} : memref<3x96xi32, #tpu.memory_space<vmem>>, vector<1x16xi32>,
    %swap3A_425 = vector.shape_cast %swap3A_424 : vector<1x16xi32> to vector<16xi32>
    %swap3A_426 = vector.shape_cast %shift_right_logical3A_420 : vector<16xi32> to vector<1x16xi32>
    tpu.vector_store %arg10[%swap3A_422, %swap3A_423], %swap3A_426 {strides = array<i32>} : memref<3x96xi32, #tpu.memory_space<vmem>>, vector<1x16xi32>,
    %dma_start3A_427 = arith.constant 2 : i32
    %dma_start3A_428 = arith.constant 2 : i32
    %dma_start3A_429 = arith.constant 2 : i32
    %dma_start3A_430 = arith.constant 0 : i32
    %dma_start3A_431 = arith.constant 0 : i32
    %dma_start3A_432 = tpu.memref_slice %arg7[%dma_start3A_428, %dma_start3A_430, %dma_start3A_431] : memref<3x96x128xf32, #tpu.memory_space<vmem>> -> memref<1x96x128xf32, #tpu.memory_space<vmem>>
    %dma_start3A_433 = tpu.memref_squeeze %dma_start3A_432 : memref<1x96x128xf32, #tpu.memory_space<vmem>> -> memref<96x128xf32, #tpu.memory_space<vmem>>
    %dma_start3A_434 = arith.constant 0 : i32
    %dma_start3A_435 = tpu.memref_slice %arg9[%dma_start3A_427, %dma_start3A_434] : memref<3x96xi32, #tpu.memory_space<vmem>> -> memref<1x96xi32, #tpu.memory_space<vmem>>
    %dma_start3A_436 = tpu.memref_squeeze %dma_start3A_435 : memref<1x96xi32, #tpu.memory_space<vmem>> -> memref<96xi32, #tpu.memory_space<vmem>>
    %dma_start3A_437 = arith.constant 0 : i32
    %dma_start3A_438 = arith.constant 0 : i32
    %dma_start3A_439 = tpu.memref_slice %arg2[%dma_start3A_437, %dma_start3A_438] : memref<10000x128xf32, #tpu.memory_space<hbm>> -> memref<10000x128xf32, #tpu.memory_space<hbm>>
    %dma_start3A_440 = tpu.memref_slice %arg11[%dma_start3A_429] : memref<3x!tpu.dma_semaphore, #tpu.memory_space<semaphore_mem>> -> memref<1x!tpu.dma_semaphore, #tpu.memory_space<semaphore_mem>>
    %dma_start3A_441 = tpu.memref_squeeze %dma_start3A_440 : memref<1x!tpu.dma_semaphore, #tpu.memory_space<semaphore_mem>> -> memref<!tpu.dma_semaphore, #tpu.memory_space<semaphore_mem>>
    tpu.enqueue_indirect_dma source(%dma_start3A_439 : memref<10000x128xf32, #tpu.memory_space<hbm>>) target(%dma_start3A_433 : memref<96x128xf32, #tpu.memory_space<vmem>>) offsets(%dma_start3A_436 : memref<96xi32, #tpu.memory_space<vmem>>) semaphore(%dma_start3A_441 : memref<!tpu.dma_semaphore, #tpu.memory_space<semaphore_mem>>)
    %barrier3A = arith.constant 0 : index
    tpu.barrier barrier_id(%barrier3A)
    %scan3A = arith.constant 0 : i32
    %scan3A_442 = arith.constant 0 : i32
    %scan3A_443 = arith.constant 35 : i32
    %scan3A_444 = arith.addi %scan3A_442, %scan3A_443 : i32
    %scan3A_445 = arith.constant 1 : i32
    scf.for %scan3A_520 = %scan3A_442 to %scan3A_444 step %scan3A_445  : i32 {
      %mul3A_521 = arith.constant 3 : i32
      %mul3A_522 = arith.muli %scan3A_520, %mul3A_521 : i32
      %add3A_523 = arith.constant 0 : i32
      %add3A_524 = arith.addi %mul3A_522, %add3A_523 : i32
      %dma_wait3A_525 = arith.constant 0 : i32
      %dma_wait3A_526 = arith.constant 0 : i32
      %dma_wait3A_527 = arith.constant 0 : i32
      %dma_wait3A_528 = arith.constant 0 : i32
      %dma_wait3A_529 = arith.constant 0 : i32
      %dma_wait3A_530 = tpu.memref_slice %arg7[%dma_wait3A_526, %dma_wait3A_528, %dma_wait3A_529] : memref<3x96x128xf32, #tpu.memory_space<vmem>> -> memref<1x96x128xf32, #tpu.memory_space<vmem>>
      %dma_wait3A_531 = tpu.memref_squeeze %dma_wait3A_530 : memref<1x96x128xf32, #tpu.memory_space<vmem>> -> memref<96x128xf32, #tpu.memory_space<vmem>>
      %dma_wait3A_532 = arith.constant 0 : i32
      %dma_wait3A_533 = tpu.memref_slice %arg9[%dma_wait3A_525, %dma_wait3A_532] : memref<3x96xi32, #tpu.memory_space<vmem>> -> memref<1x96xi32, #tpu.memory_space<vmem>>
      %dma_wait3A_534 = tpu.memref_squeeze %dma_wait3A_533 : memref<1x96xi32, #tpu.memory_space<vmem>> -> memref<96xi32, #tpu.memory_space<vmem>>
      %dma_wait3A_535 = arith.constant 0 : i32
      %dma_wait3A_536 = arith.constant 0 : i32
      %dma_wait3A_537 = tpu.memref_slice %arg2[%dma_wait3A_535, %dma_wait3A_536] : memref<10000x128xf32, #tpu.memory_space<hbm>> -> memref<10000x128xf32, #tpu.memory_space<hbm>>
      %dma_wait3A_538 = tpu.memref_slice %arg11[%dma_wait3A_527] : memref<3x!tpu.dma_semaphore, #tpu.memory_space<semaphore_mem>> -> memref<1x!tpu.dma_semaphore, #tpu.memory_space<semaphore_mem>>
      %dma_wait3A_539 = tpu.memref_squeeze %dma_wait3A_538 : memref<1x!tpu.dma_semaphore, #tpu.memory_space<semaphore_mem>> -> memref<!tpu.dma_semaphore, #tpu.memory_space<semaphore_mem>>
      tpu.wait_indirect_dma semaphore(%dma_wait3A_539 : memref<!tpu.dma_semaphore, #tpu.memory_space<semaphore_mem>>) src(%dma_wait3A_537 : memref<10000x128xf32, #tpu.memory_space<hbm>>) dst(%dma_wait3A_531 : memref<96x128xf32, #tpu.memory_space<vmem>>)
      %dma_start3A_540 = arith.constant 0 : i32
      %dma_start3A_541 = arith.constant 0 : i32
      %dma_start3A_542 = arith.constant 0 : i32
      %dma_start3A_543 = arith.constant 0 : i32
      %dma_start3A_544 = arith.constant 0 : i32
      %dma_start3A_545 = tpu.memref_slice %arg7[%dma_start3A_540, %dma_start3A_543, %dma_start3A_544] : memref<3x96x128xf32, #tpu.memory_space<vmem>> -> memref<1x96x128xf32, #tpu.memory_space<vmem>>
      %dma_start3A_546 = tpu.memref_squeeze %dma_start3A_545 : memref<1x96x128xf32, #tpu.memory_space<vmem>> -> memref<96x128xf32, #tpu.memory_space<vmem>>
      %dma_start3A_547 = arith.constant 0 : i32
      %dma_start3A_548 = tpu.memref_slice %arg10[%dma_start3A_541, %dma_start3A_547] : memref<3x96xi32, #tpu.memory_space<vmem>> -> memref<1x96xi32, #tpu.memory_space<vmem>>
      %dma_start3A_549 = tpu.memref_squeeze %dma_start3A_548 : memref<1x96xi32, #tpu.memory_space<vmem>> -> memref<96xi32, #tpu.memory_space<vmem>>
      %dma_start3A_550 = arith.constant 0 : i32
      %dma_start3A_551 = arith.constant 0 : i32
      %dma_start3A_552 = tpu.memref_slice %arg6[%dma_start3A_550, %dma_start3A_551] : memref<10112x128xf32, #tpu.memory_space<vmem_shared>> -> memref<10112x128xf32, #tpu.memory_space<vmem_shared>>
      %dma_start3A_553 = tpu.memref_slice %arg12[%dma_start3A_542] : memref<3x!tpu.dma_semaphore, #tpu.memory_space<semaphore_mem>> -> memref<1x!tpu.dma_semaphore, #tpu.memory_space<semaphore_mem>>
      %dma_start3A_554 = tpu.memref_squeeze %dma_start3A_553 : memref<1x!tpu.dma_semaphore, #tpu.memory_space<semaphore_mem>> -> memref<!tpu.dma_semaphore, #tpu.memory_space<semaphore_mem>>
      tpu.enqueue_indirect_dma source(%dma_start3A_546 : memref<96x128xf32, #tpu.memory_space<vmem>>) target(%dma_start3A_552 : memref<10112x128xf32, #tpu.memory_space<vmem_shared>>) offsets(%dma_start3A_549 : memref<96xi32, #tpu.memory_space<vmem>>) semaphore(%dma_start3A_554 : memref<!tpu.dma_semaphore, #tpu.memory_space<semaphore_mem>>) {add = true}
      %sub3A = arith.constant 1 : i32
      %sub3A_555 = arith.subi %add3A_524, %sub3A : i32
      %ge3A = arith.constant 0 : i32
      %ge3A_556 = arith.cmpi sge, %sub3A_555, %ge3A : i32
      %add3A_557 = arith.constant 3 : i32
      %add3A_558 = arith.addi %sub3A_555, %add3A_557 : i32
      %lt3A = arith.constant 105 : i32
      %lt3A_559 = arith.cmpi slt, %add3A_558, %lt3A : i32
      %and3A_560 = arith.andi %ge3A_556, %lt3A_559 : i1
      %convert_element_type3A = arith.extui %and3A_560 : i1 to i32
      %cond3A = arith.constant 0 : i32
      %cond3A_561 = arith.cmpi ne, %convert_element_type3A, %cond3A : i32
      scf.if %cond3A_561 {
        %dma_wait3A_654 = arith.constant 2 : i32
        %dma_wait3A_655 = arith.constant 2 : i32
        %dma_wait3A_656 = arith.constant 2 : i32
        %dma_wait3A_657 = arith.constant 0 : i32
        %dma_wait3A_658 = arith.constant 0 : i32
        %dma_wait3A_659 = tpu.memref_slice %arg7[%dma_wait3A_654, %dma_wait3A_657, %dma_wait3A_658] : memref<3x96x128xf32, #tpu.memory_space<vmem>> -> memref<1x96x128xf32, #tpu.memory_space<vmem>>
        %dma_wait3A_660 = tpu.memref_squeeze %dma_wait3A_659 : memref<1x96x128xf32, #tpu.memory_space<vmem>> -> memref<96x128xf32, #tpu.memory_space<vmem>>
        %dma_wait3A_661 = arith.constant 0 : i32
        %dma_wait3A_662 = tpu.memref_slice %arg10[%dma_wait3A_655, %dma_wait3A_661] : memref<3x96xi32, #tpu.memory_space<vmem>> -> memref<1x96xi32, #tpu.memory_space<vmem>>
        %dma_wait3A_663 = tpu.memref_squeeze %dma_wait3A_662 : memref<1x96xi32, #tpu.memory_space<vmem>> -> memref<96xi32, #tpu.memory_space<vmem>>
        %dma_wait3A_664 = arith.constant 0 : i32
        %dma_wait3A_665 = arith.constant 0 : i32
        %dma_wait3A_666 = tpu.memref_slice %arg6[%dma_wait3A_664, %dma_wait3A_665] : memref<10112x128xf32, #tpu.memory_space<vmem_shared>> -> memref<10112x128xf32, #tpu.memory_space<vmem_shared>>
        %dma_wait3A_667 = tpu.memref_slice %arg12[%dma_wait3A_656] : memref<3x!tpu.dma_semaphore, #tpu.memory_space<semaphore_mem>> -> memref<1x!tpu.dma_semaphore, #tpu.memory_space<semaphore_mem>>
        %dma_wait3A_668 = tpu.memref_squeeze %dma_wait3A_667 : memref<1x!tpu.dma_semaphore, #tpu.memory_space<semaphore_mem>> -> memref<!tpu.dma_semaphore, #tpu.memory_space<semaphore_mem>>
        tpu.wait_indirect_dma semaphore(%dma_wait3A_668 : memref<!tpu.dma_semaphore, #tpu.memory_space<semaphore_mem>>) src(%dma_wait3A_660 : memref<96x128xf32, #tpu.memory_space<vmem>>) dst(%dma_wait3A_666 : memref<10112x128xf32, #tpu.memory_space<vmem_shared>>)
        %add3A_669 = arith.constant 3 : i32
        %add3A_670 = arith.addi %sub3A_555, %add3A_669 : i32
        %mul3A_671 = arith.constant 96 : i32
        %mul3A_672 = arith.muli %add3A_670, %mul3A_671 : i32
        %add3A_673 = arith.constant 0 : i32
        %add3A_674 = arith.addi %mul3A_672, %add3A_673 : i32
        %get3A_675 = arith.index_cast %add3A_674 : i32 to index
        %get3A_676 = tpu.vector_load %arg8[%get3A_675] {strides = array<i32>} : memref<10080xi32, #tpu.memory_space<vmem>>, vector<16xi32>,
        %get3A_677 = vector.shape_cast %get3A_676 : vector<16xi32> to vector<16xi32>
        %and3A_678 = arith.constant 16383 : i32
        %and3A_679 = vector.broadcast %and3A_678 : i32 to vector<16xi32>
        %and3A_680 = arith.andi %get3A_677, %and3A_679 : vector<16xi32>
        %swap3A_681 = arith.constant 2 : i32
        %swap3A_682 = arith.index_cast %swap3A_681 : i32 to index
        %swap3A_683 = arith.constant 0 : index
        %swap3A_684 = tpu.vector_load %arg9[%swap3A_682, %swap3A_683] {strides = array<i32>} : memref<3x96xi32, #tpu.memory_space<vmem>>, vector<1x16xi32>,
        %swap3A_685 = vector.shape_cast %swap3A_684 : vector<1x16xi32> to vector<16xi32>
        %swap3A_686 = vector.shape_cast %and3A_680 : vector<16xi32> to vector<1x16xi32>
        tpu.vector_store %arg9[%swap3A_682, %swap3A_683], %swap3A_686 {strides = array<i32>} : memref<3x96xi32, #tpu.memory_space<vmem>>, vector<1x16xi32>,
        %shift_right_logical3A_687 = arith.constant 14 : i32
        %shift_right_logical3A_688 = vector.broadcast %shift_right_logical3A_687 : i32 to vector<16xi32>
        %shift_right_logical3A_689 = arith.shrui %get3A_677, %shift_right_logical3A_688 : vector<16xi32>
        %swap3A_690 = arith.constant 2 : i32
        %swap3A_691 = arith.index_cast %swap3A_690 : i32 to index
        %swap3A_692 = arith.constant 0 : index
        %swap3A_693 = tpu.vector_load %arg10[%swap3A_691, %swap3A_692] {strides = array<i32>} : memref<3x96xi32, #tpu.memory_space<vmem>>, vector<1x16xi32>,
        %swap3A_694 = vector.shape_cast %swap3A_693 : vector<1x16xi32> to vector<16xi32>
        %swap3A_695 = vector.shape_cast %shift_right_logical3A_689 : vector<16xi32> to vector<1x16xi32>
        tpu.vector_store %arg10[%swap3A_691, %swap3A_692], %swap3A_695 {strides = array<i32>} : memref<3x96xi32, #tpu.memory_space<vmem>>, vector<1x16xi32>,
        %mul3A_696 = arith.constant 96 : i32
        %mul3A_697 = arith.muli %add3A_670, %mul3A_696 : i32
        %add3A_698 = arith.constant 16 : i32
        %add3A_699 = arith.addi %mul3A_697, %add3A_698 : i32
        %get3A_700 = arith.index_cast %add3A_699 : i32 to index
        %get3A_701 = tpu.vector_load %arg8[%get3A_700] {strides = array<i32>} : memref<10080xi32, #tpu.memory_space<vmem>>, vector<16xi32>,
        %get3A_702 = vector.shape_cast %get3A_701 : vector<16xi32> to vector<16xi32>
        %and3A_703 = arith.constant 16383 : i32
        %and3A_704 = vector.broadcast %and3A_703 : i32 to vector<16xi32>
        %and3A_705 = arith.andi %get3A_702, %and3A_704 : vector<16xi32>
        %swap3A_706 = arith.constant 2 : i32
        %swap3A_707 = arith.index_cast %swap3A_706 : i32 to index
        %swap3A_708 = arith.constant 16 : index
        %swap3A_709 = tpu.vector_load %arg9[%swap3A_707, %swap3A_708] {strides = array<i32>} : memref<3x96xi32, #tpu.memory_space<vmem>>, vector<1x16xi32>,
        %swap3A_710 = vector.shape_cast %swap3A_709 : vector<1x16xi32> to vector<16xi32>
        %swap3A_711 = vector.shape_cast %and3A_705 : vector<16xi32> to vector<1x16xi32>
        tpu.vector_store %arg9[%swap3A_707, %swap3A_708], %swap3A_711 {strides = array<i32>} : memref<3x96xi32, #tpu.memory_space<vmem>>, vector<1x16xi32>,
        %shift_right_logical3A_712 = arith.constant 14 : i32
        %shift_right_logical3A_713 = vector.broadcast %shift_right_logical3A_712 : i32 to vector<16xi32>
        %shift_right_logical3A_714 = arith.shrui %get3A_702, %shift_right_logical3A_713 : vector<16xi32>
        %swap3A_715 = arith.constant 2 : i32
        %swap3A_716 = arith.index_cast %swap3A_715 : i32 to index
        %swap3A_717 = arith.constant 16 : index
        %swap3A_718 = tpu.vector_load %arg10[%swap3A_716, %swap3A_717] {strides = array<i32>} : memref<3x96xi32, #tpu.memory_space<vmem>>, vector<1x16xi32>,
        %swap3A_719 = vector.shape_cast %swap3A_718 : vector<1x16xi32> to vector<16xi32>
        %swap3A_720 = vector.shape_cast %shift_right_logical3A_714 : vector<16xi32> to vector<1x16xi32>
        tpu.vector_store %arg10[%swap3A_716, %swap3A_717], %swap3A_720 {strides = array<i32>} : memref<3x96xi32, #tpu.memory_space<vmem>>, vector<1x16xi32>,
        %mul3A_721 = arith.constant 96 : i32
        %mul3A_722 = arith.muli %add3A_670, %mul3A_721 : i32
        %add3A_723 = arith.constant 32 : i32
        %add3A_724 = arith.addi %mul3A_722, %add3A_723 : i32
        %get3A_725 = arith.index_cast %add3A_724 : i32 to index
        %get3A_726 = tpu.vector_load %arg8[%get3A_725] {strides = array<i32>} : memref<10080xi32, #tpu.memory_space<vmem>>, vector<16xi32>,
        %get3A_727 = vector.shape_cast %get3A_726 : vector<16xi32> to vector<16xi32>
        %and3A_728 = arith.constant 16383 : i32
        %and3A_729 = vector.broadcast %and3A_728 : i32 to vector<16xi32>
        %and3A_730 = arith.andi %get3A_727, %and3A_729 : vector<16xi32>
        %swap3A_731 = arith.constant 2 : i32
        %swap3A_732 = arith.index_cast %swap3A_731 : i32 to index
        %swap3A_733 = arith.constant 32 : index
        %swap3A_734 = tpu.vector_load %arg9[%swap3A_732, %swap3A_733] {strides = array<i32>} : memref<3x96xi32, #tpu.memory_space<vmem>>, vector<1x16xi32>,
        %swap3A_735 = vector.shape_cast %swap3A_734 : vector<1x16xi32> to vector<16xi32>
        %swap3A_736 = vector.shape_cast %and3A_730 : vector<16xi32> to vector<1x16xi32>
        tpu.vector_store %arg9[%swap3A_732, %swap3A_733], %swap3A_736 {strides = array<i32>} : memref<3x96xi32, #tpu.memory_space<vmem>>, vector<1x16xi32>,
        %shift_right_logical3A_737 = arith.constant 14 : i32
        %shift_right_logical3A_738 = vector.broadcast %shift_right_logical3A_737 : i32 to vector<16xi32>
        %shift_right_logical3A_739 = arith.shrui %get3A_727, %shift_right_logical3A_738 : vector<16xi32>
        %swap3A_740 = arith.constant 2 : i32
        %swap3A_741 = arith.index_cast %swap3A_740 : i32 to index
        %swap3A_742 = arith.constant 32 : index
        %swap3A_743 = tpu.vector_load %arg10[%swap3A_741, %swap3A_742] {strides = array<i32>} : memref<3x96xi32, #tpu.memory_space<vmem>>, vector<1x16xi32>,
        %swap3A_744 = vector.shape_cast %swap3A_743 : vector<1x16xi32> to vector<16xi32>
        %swap3A_745 = vector.shape_cast %shift_right_logical3A_739 : vector<16xi32> to vector<1x16xi32>
        tpu.vector_store %arg10[%swap3A_741, %swap3A_742], %swap3A_745 {strides = array<i32>} : memref<3x96xi32, #tpu.memory_space<vmem>>, vector<1x16xi32>,
        %mul3A_746 = arith.constant 96 : i32
        %mul3A_747 = arith.muli %add3A_670, %mul3A_746 : i32
        %add3A_748 = arith.constant 48 : i32
        %add3A_749 = arith.addi %mul3A_747, %add3A_748 : i32
        %get3A_750 = arith.index_cast %add3A_749 : i32 to index
        %get3A_751 = tpu.vector_load %arg8[%get3A_750] {strides = array<i32>} : memref<10080xi32, #tpu.memory_space<vmem>>, vector<16xi32>,
        %get3A_752 = vector.shape_cast %get3A_751 : vector<16xi32> to vector<16xi32>
        %and3A_753 = arith.constant 16383 : i32
        %and3A_754 = vector.broadcast %and3A_753 : i32 to vector<16xi32>
        %and3A_755 = arith.andi %get3A_752, %and3A_754 : vector<16xi32>
        %swap3A_756 = arith.constant 2 : i32
        %swap3A_757 = arith.index_cast %swap3A_756 : i32 to index
        %swap3A_758 = arith.constant 48 : index
        %swap3A_759 = tpu.vector_load %arg9[%swap3A_757, %swap3A_758] {strides = array<i32>} : memref<3x96xi32, #tpu.memory_space<vmem>>, vector<1x16xi32>,
        %swap3A_760 = vector.shape_cast %swap3A_759 : vector<1x16xi32> to vector<16xi32>
        %swap3A_761 = vector.shape_cast %and3A_755 : vector<16xi32> to vector<1x16xi32>
        tpu.vector_store %arg9[%swap3A_757, %swap3A_758], %swap3A_761 {strides = array<i32>} : memref<3x96xi32, #tpu.memory_space<vmem>>, vector<1x16xi32>,
        %shift_right_logical3A_762 = arith.constant 14 : i32
        %shift_right_logical3A_763 = vector.broadcast %shift_right_logical3A_762 : i32 to vector<16xi32>
        %shift_right_logical3A_764 = arith.shrui %get3A_752, %shift_right_logical3A_763 : vector<16xi32>
        %swap3A_765 = arith.constant 2 : i32
        %swap3A_766 = arith.index_cast %swap3A_765 : i32 to index
        %swap3A_767 = arith.constant 48 : index
        %swap3A_768 = tpu.vector_load %arg10[%swap3A_766, %swap3A_767] {strides = array<i32>} : memref<3x96xi32, #tpu.memory_space<vmem>>, vector<1x16xi32>,
        %swap3A_769 = vector.shape_cast %swap3A_768 : vector<1x16xi32> to vector<16xi32>
        %swap3A_770 = vector.shape_cast %shift_right_logical3A_764 : vector<16xi32> to vector<1x16xi32>
        tpu.vector_store %arg10[%swap3A_766, %swap3A_767], %swap3A_770 {strides = array<i32>} : memref<3x96xi32, #tpu.memory_space<vmem>>, vector<1x16xi32>,
        %mul3A_771 = arith.constant 96 : i32
        %mul3A_772 = arith.muli %add3A_670, %mul3A_771 : i32
        %add3A_773 = arith.constant 64 : i32
        %add3A_774 = arith.addi %mul3A_772, %add3A_773 : i32
        %get3A_775 = arith.index_cast %add3A_774 : i32 to index
        %get3A_776 = tpu.vector_load %arg8[%get3A_775] {strides = array<i32>} : memref<10080xi32, #tpu.memory_space<vmem>>, vector<16xi32>,
        %get3A_777 = vector.shape_cast %get3A_776 : vector<16xi32> to vector<16xi32>
        %and3A_778 = arith.constant 16383 : i32
        %and3A_779 = vector.broadcast %and3A_778 : i32 to vector<16xi32>
        %and3A_780 = arith.andi %get3A_777, %and3A_779 : vector<16xi32>
        %swap3A_781 = arith.constant 2 : i32
        %swap3A_782 = arith.index_cast %swap3A_781 : i32 to index
        %swap3A_783 = arith.constant 64 : index
        %swap3A_784 = tpu.vector_load %arg9[%swap3A_782, %swap3A_783] {strides = array<i32>} : memref<3x96xi32, #tpu.memory_space<vmem>>, vector<1x16xi32>,
        %swap3A_785 = vector.shape_cast %swap3A_784 : vector<1x16xi32> to vector<16xi32>
        %swap3A_786 = vector.shape_cast %and3A_780 : vector<16xi32> to vector<1x16xi32>
        tpu.vector_store %arg9[%swap3A_782, %swap3A_783], %swap3A_786 {strides = array<i32>} : memref<3x96xi32, #tpu.memory_space<vmem>>, vector<1x16xi32>,
        %shift_right_logical3A_787 = arith.constant 14 : i32
        %shift_right_logical3A_788 = vector.broadcast %shift_right_logical3A_787 : i32 to vector<16xi32>
        %shift_right_logical3A_789 = arith.shrui %get3A_777, %shift_right_logical3A_788 : vector<16xi32>
        %swap3A_790 = arith.constant 2 : i32
        %swap3A_791 = arith.index_cast %swap3A_790 : i32 to index
        %swap3A_792 = arith.constant 64 : index
        %swap3A_793 = tpu.vector_load %arg10[%swap3A_791, %swap3A_792] {strides = array<i32>} : memref<3x96xi32, #tpu.memory_space<vmem>>, vector<1x16xi32>,
        %swap3A_794 = vector.shape_cast %swap3A_793 : vector<1x16xi32> to vector<16xi32>
        %swap3A_795 = vector.shape_cast %shift_right_logical3A_789 : vector<16xi32> to vector<1x16xi32>
        tpu.vector_store %arg10[%swap3A_791, %swap3A_792], %swap3A_795 {strides = array<i32>} : memref<3x96xi32, #tpu.memory_space<vmem>>, vector<1x16xi32>,
        %mul3A_796 = arith.constant 96 : i32
        %mul3A_797 = arith.muli %add3A_670, %mul3A_796 : i32
        %add3A_798 = arith.constant 80 : i32
        %add3A_799 = arith.addi %mul3A_797, %add3A_798 : i32
        %get3A_800 = arith.index_cast %add3A_799 : i32 to index
        %get3A_801 = tpu.vector_load %arg8[%get3A_800] {strides = array<i32>} : memref<10080xi32, #tpu.memory_space<vmem>>, vector<16xi32>,
        %get3A_802 = vector.shape_cast %get3A_801 : vector<16xi32> to vector<16xi32>
        %and3A_803 = arith.constant 16383 : i32
        %and3A_804 = vector.broadcast %and3A_803 : i32 to vector<16xi32>
        %and3A_805 = arith.andi %get3A_802, %and3A_804 : vector<16xi32>
        %swap3A_806 = arith.constant 2 : i32
        %swap3A_807 = arith.index_cast %swap3A_806 : i32 to index
        %swap3A_808 = arith.constant 80 : index
        %swap3A_809 = tpu.vector_load %arg9[%swap3A_807, %swap3A_808] {strides = array<i32>} : memref<3x96xi32, #tpu.memory_space<vmem>>, vector<1x16xi32>,
        %swap3A_810 = vector.shape_cast %swap3A_809 : vector<1x16xi32> to vector<16xi32>
        %swap3A_811 = vector.shape_cast %and3A_805 : vector<16xi32> to vector<1x16xi32>
        tpu.vector_store %arg9[%swap3A_807, %swap3A_808], %swap3A_811 {strides = array<i32>} : memref<3x96xi32, #tpu.memory_space<vmem>>, vector<1x16xi32>,
        %shift_right_logical3A_812 = arith.constant 14 : i32
        %shift_right_logical3A_813 = vector.broadcast %shift_right_logical3A_812 : i32 to vector<16xi32>
        %shift_right_logical3A_814 = arith.shrui %get3A_802, %shift_right_logical3A_813 : vector<16xi32>
        %swap3A_815 = arith.constant 2 : i32
        %swap3A_816 = arith.index_cast %swap3A_815 : i32 to index
        %swap3A_817 = arith.constant 80 : index
        %swap3A_818 = tpu.vector_load %arg10[%swap3A_816, %swap3A_817] {strides = array<i32>} : memref<3x96xi32, #tpu.memory_space<vmem>>, vector<1x16xi32>,
        %swap3A_819 = vector.shape_cast %swap3A_818 : vector<1x16xi32> to vector<16xi32>
        %swap3A_820 = vector.shape_cast %shift_right_logical3A_814 : vector<16xi32> to vector<1x16xi32>
        tpu.vector_store %arg10[%swap3A_816, %swap3A_817], %swap3A_820 {strides = array<i32>} : memref<3x96xi32, #tpu.memory_space<vmem>>, vector<1x16xi32>,
        %add3A_821 = arith.constant 3 : i32
        %add3A_822 = arith.addi %sub3A_555, %add3A_821 : i32
        %dma_start3A_823 = arith.constant 2 : i32
        %dma_start3A_824 = arith.constant 2 : i32
        %dma_start3A_825 = arith.constant 2 : i32
        %dma_start3A_826 = arith.constant 0 : i32
        %dma_start3A_827 = arith.constant 0 : i32
        %dma_start3A_828 = tpu.memref_slice %arg7[%dma_start3A_824, %dma_start3A_826, %dma_start3A_827] : memref<3x96x128xf32, #tpu.memory_space<vmem>> -> memref<1x96x128xf32, #tpu.memory_space<vmem>>
        %dma_start3A_829 = tpu.memref_squeeze %dma_start3A_828 : memref<1x96x128xf32, #tpu.memory_space<vmem>> -> memref<96x128xf32, #tpu.memory_space<vmem>>
        %dma_start3A_830 = arith.constant 0 : i32
        %dma_start3A_831 = tpu.memref_slice %arg9[%dma_start3A_823, %dma_start3A_830] : memref<3x96xi32, #tpu.memory_space<vmem>> -> memref<1x96xi32, #tpu.memory_space<vmem>>
        %dma_start3A_832 = tpu.memref_squeeze %dma_start3A_831 : memref<1x96xi32, #tpu.memory_space<vmem>> -> memref<96xi32, #tpu.memory_space<vmem>>
        %dma_start3A_833 = arith.constant 0 : i32
        %dma_start3A_834 = arith.constant 0 : i32
        %dma_start3A_835 = tpu.memref_slice %arg2[%dma_start3A_833, %dma_start3A_834] : memref<10000x128xf32, #tpu.memory_space<hbm>> -> memref<10000x128xf32, #tpu.memory_space<hbm>>
        %dma_start3A_836 = tpu.memref_slice %arg11[%dma_start3A_825] : memref<3x!tpu.dma_semaphore, #tpu.memory_space<semaphore_mem>> -> memref<1x!tpu.dma_semaphore, #tpu.memory_space<semaphore_mem>>
        %dma_start3A_837 = tpu.memref_squeeze %dma_start3A_836 : memref<1x!tpu.dma_semaphore, #tpu.memory_space<semaphore_mem>> -> memref<!tpu.dma_semaphore, #tpu.memory_space<semaphore_mem>>
        tpu.enqueue_indirect_dma source(%dma_start3A_835 : memref<10000x128xf32, #tpu.memory_space<hbm>>) target(%dma_start3A_829 : memref<96x128xf32, #tpu.memory_space<vmem>>) offsets(%dma_start3A_832 : memref<96xi32, #tpu.memory_space<vmem>>) semaphore(%dma_start3A_837 : memref<!tpu.dma_semaphore, #tpu.memory_space<semaphore_mem>>)
      } else {
      }
      %mul3A_562 = arith.constant 3 : i32
      %mul3A_563 = arith.muli %scan3A_520, %mul3A_562 : i32
      %add3A_564 = arith.constant 1 : i32
      %add3A_565 = arith.addi %mul3A_563, %add3A_564 : i32
      %dma_wait3A_566 = arith.constant 1 : i32
      %dma_wait3A_567 = arith.constant 1 : i32
      %dma_wait3A_568 = arith.constant 1 : i32
      %dma_wait3A_569 = arith.constant 0 : i32
      %dma_wait3A_570 = arith.constant 0 : i32
      %dma_wait3A_571 = tpu.memref_slice %arg7[%dma_wait3A_567, %dma_wait3A_569, %dma_wait3A_570] : memref<3x96x128xf32, #tpu.memory_space<vmem>> -> memref<1x96x128xf32, #tpu.memory_space<vmem>>
      %dma_wait3A_572 = tpu.memref_squeeze %dma_wait3A_571 : memref<1x96x128xf32, #tpu.memory_space<vmem>> -> memref<96x128xf32, #tpu.memory_space<vmem>>
      %dma_wait3A_573 = arith.constant 0 : i32
      %dma_wait3A_574 = tpu.memref_slice %arg9[%dma_wait3A_566, %dma_wait3A_573] : memref<3x96xi32, #tpu.memory_space<vmem>> -> memref<1x96xi32, #tpu.memory_space<vmem>>
      %dma_wait3A_575 = tpu.memref_squeeze %dma_wait3A_574 : memref<1x96xi32, #tpu.memory_space<vmem>> -> memref<96xi32, #tpu.memory_space<vmem>>
      %dma_wait3A_576 = arith.constant 0 : i32
      %dma_wait3A_577 = arith.constant 0 : i32
      %dma_wait3A_578 = tpu.memref_slice %arg2[%dma_wait3A_576, %dma_wait3A_577] : memref<10000x128xf32, #tpu.memory_space<hbm>> -> memref<10000x128xf32, #tpu.memory_space<hbm>>
      %dma_wait3A_579 = tpu.memref_slice %arg11[%dma_wait3A_568] : memref<3x!tpu.dma_semaphore, #tpu.memory_space<semaphore_mem>> -> memref<1x!tpu.dma_semaphore, #tpu.memory_space<semaphore_mem>>
      %dma_wait3A_580 = tpu.memref_squeeze %dma_wait3A_579 : memref<1x!tpu.dma_semaphore, #tpu.memory_space<semaphore_mem>> -> memref<!tpu.dma_semaphore, #tpu.memory_space<semaphore_mem>>
      tpu.wait_indirect_dma semaphore(%dma_wait3A_580 : memref<!tpu.dma_semaphore, #tpu.memory_space<semaphore_mem>>) src(%dma_wait3A_578 : memref<10000x128xf32, #tpu.memory_space<hbm>>) dst(%dma_wait3A_572 : memref<96x128xf32, #tpu.memory_space<vmem>>)
      %dma_start3A_581 = arith.constant 1 : i32
      %dma_start3A_582 = arith.constant 1 : i32
      %dma_start3A_583 = arith.constant 1 : i32
      %dma_start3A_584 = arith.constant 0 : i32
      %dma_start3A_585 = arith.constant 0 : i32
      %dma_start3A_586 = tpu.memref_slice %arg7[%dma_start3A_581, %dma_start3A_584, %dma_start3A_585] : memref<3x96x128xf32, #tpu.memory_space<vmem>> -> memref<1x96x128xf32, #tpu.memory_space<vmem>>
      %dma_start3A_587 = tpu.memref_squeeze %dma_start3A_586 : memref<1x96x128xf32, #tpu.memory_space<vmem>> -> memref<96x128xf32, #tpu.memory_space<vmem>>
      %dma_start3A_588 = arith.constant 0 : i32
      %dma_start3A_589 = tpu.memref_slice %arg10[%dma_start3A_582, %dma_start3A_588] : memref<3x96xi32, #tpu.memory_space<vmem>> -> memref<1x96xi32, #tpu.memory_space<vmem>>
      %dma_start3A_590 = tpu.memref_squeeze %dma_start3A_589 : memref<1x96xi32, #tpu.memory_space<vmem>> -> memref<96xi32, #tpu.memory_space<vmem>>
      %dma_start3A_591 = arith.constant 0 : i32
      %dma_start3A_592 = arith.constant 0 : i32
      %dma_start3A_593 = tpu.memref_slice %arg6[%dma_start3A_591, %dma_start3A_592] : memref<10112x128xf32, #tpu.memory_space<vmem_shared>> -> memref<10112x128xf32, #tpu.memory_space<vmem_shared>>
      %dma_start3A_594 = tpu.memref_slice %arg12[%dma_start3A_583] : memref<3x!tpu.dma_semaphore, #tpu.memory_space<semaphore_mem>> -> memref<1x!tpu.dma_semaphore, #tpu.memory_space<semaphore_mem>>
      %dma_start3A_595 = tpu.memref_squeeze %dma_start3A_594 : memref<1x!tpu.dma_semaphore, #tpu.memory_space<semaphore_mem>> -> memref<!tpu.dma_semaphore, #tpu.memory_space<semaphore_mem>>
      tpu.enqueue_indirect_dma source(%dma_start3A_587 : memref<96x128xf32, #tpu.memory_space<vmem>>) target(%dma_start3A_593 : memref<10112x128xf32, #tpu.memory_space<vmem_shared>>) offsets(%dma_start3A_590 : memref<96xi32, #tpu.memory_space<vmem>>) semaphore(%dma_start3A_595 : memref<!tpu.dma_semaphore, #tpu.memory_space<semaphore_mem>>) {add = true}
      %sub3A_596 = arith.constant 1 : i32
      %sub3A_597 = arith.subi %add3A_565, %sub3A_596 : i32
      %ge3A_598 = arith.constant 0 : i32
      %ge3A_599 = arith.cmpi sge, %sub3A_597, %ge3A_598 : i32
      %add3A_600 = arith.constant 3 : i32
      %add3A_601 = arith.addi %sub3A_597, %add3A_600 : i32
      %lt3A_602 = arith.constant 105 : i32
      %lt3A_603 = arith.cmpi slt, %add3A_601, %lt3A_602 : i32
      %and3A_604 = arith.andi %ge3A_599, %lt3A_603 : i1
      %convert_element_type3A_605 = arith.extui %and3A_604 : i1 to i32
      %cond3A_606 = arith.constant 0 : i32
      %cond3A_607 = arith.cmpi ne, %convert_element_type3A_605, %cond3A_606 : i32
      scf.if %cond3A_607 {
        %dma_wait3A_654 = arith.constant 0 : i32
        %dma_wait3A_655 = arith.constant 0 : i32
        %dma_wait3A_656 = arith.constant 0 : i32
        %dma_wait3A_657 = arith.constant 0 : i32
        %dma_wait3A_658 = arith.constant 0 : i32
        %dma_wait3A_659 = tpu.memref_slice %arg7[%dma_wait3A_654, %dma_wait3A_657, %dma_wait3A_658] : memref<3x96x128xf32, #tpu.memory_space<vmem>> -> memref<1x96x128xf32, #tpu.memory_space<vmem>>
        %dma_wait3A_660 = tpu.memref_squeeze %dma_wait3A_659 : memref<1x96x128xf32, #tpu.memory_space<vmem>> -> memref<96x128xf32, #tpu.memory_space<vmem>>
        %dma_wait3A_661 = arith.constant 0 : i32
        %dma_wait3A_662 = tpu.memref_slice %arg10[%dma_wait3A_655, %dma_wait3A_661] : memref<3x96xi32, #tpu.memory_space<vmem>> -> memref<1x96xi32, #tpu.memory_space<vmem>>
        %dma_wait3A_663 = tpu.memref_squeeze %dma_wait3A_662 : memref<1x96xi32, #tpu.memory_space<vmem>> -> memref<96xi32, #tpu.memory_space<vmem>>
        %dma_wait3A_664 = arith.constant 0 : i32
        %dma_wait3A_665 = arith.constant 0 : i32
        %dma_wait3A_666 = tpu.memref_slice %arg6[%dma_wait3A_664, %dma_wait3A_665] : memref<10112x128xf32, #tpu.memory_space<vmem_shared>> -> memref<10112x128xf32, #tpu.memory_space<vmem_shared>>
        %dma_wait3A_667 = tpu.memref_slice %arg12[%dma_wait3A_656] : memref<3x!tpu.dma_semaphore, #tpu.memory_space<semaphore_mem>> -> memref<1x!tpu.dma_semaphore, #tpu.memory_space<semaphore_mem>>
        %dma_wait3A_668 = tpu.memref_squeeze %dma_wait3A_667 : memref<1x!tpu.dma_semaphore, #tpu.memory_space<semaphore_mem>> -> memref<!tpu.dma_semaphore, #tpu.memory_space<semaphore_mem>>
        tpu.wait_indirect_dma semaphore(%dma_wait3A_668 : memref<!tpu.dma_semaphore, #tpu.memory_space<semaphore_mem>>) src(%dma_wait3A_660 : memref<96x128xf32, #tpu.memory_space<vmem>>) dst(%dma_wait3A_666 : memref<10112x128xf32, #tpu.memory_space<vmem_shared>>)
        %add3A_669 = arith.constant 3 : i32
        %add3A_670 = arith.addi %sub3A_597, %add3A_669 : i32
        %mul3A_671 = arith.constant 96 : i32
        %mul3A_672 = arith.muli %add3A_670, %mul3A_671 : i32
        %add3A_673 = arith.constant 0 : i32
        %add3A_674 = arith.addi %mul3A_672, %add3A_673 : i32
        %get3A_675 = arith.index_cast %add3A_674 : i32 to index
        %get3A_676 = tpu.vector_load %arg8[%get3A_675] {strides = array<i32>} : memref<10080xi32, #tpu.memory_space<vmem>>, vector<16xi32>,
        %get3A_677 = vector.shape_cast %get3A_676 : vector<16xi32> to vector<16xi32>
        %and3A_678 = arith.constant 16383 : i32
        %and3A_679 = vector.broadcast %and3A_678 : i32 to vector<16xi32>
        %and3A_680 = arith.andi %get3A_677, %and3A_679 : vector<16xi32>
        %swap3A_681 = arith.constant 0 : i32
        %swap3A_682 = arith.index_cast %swap3A_681 : i32 to index
        %swap3A_683 = arith.constant 0 : index
        %swap3A_684 = tpu.vector_load %arg9[%swap3A_682, %swap3A_683] {strides = array<i32>} : memref<3x96xi32, #tpu.memory_space<vmem>>, vector<1x16xi32>,
        %swap3A_685 = vector.shape_cast %swap3A_684 : vector<1x16xi32> to vector<16xi32>
        %swap3A_686 = vector.shape_cast %and3A_680 : vector<16xi32> to vector<1x16xi32>
        tpu.vector_store %arg9[%swap3A_682, %swap3A_683], %swap3A_686 {strides = array<i32>} : memref<3x96xi32, #tpu.memory_space<vmem>>, vector<1x16xi32>,
        %shift_right_logical3A_687 = arith.constant 14 : i32
        %shift_right_logical3A_688 = vector.broadcast %shift_right_logical3A_687 : i32 to vector<16xi32>
        %shift_right_logical3A_689 = arith.shrui %get3A_677, %shift_right_logical3A_688 : vector<16xi32>
        %swap3A_690 = arith.constant 0 : i32
        %swap3A_691 = arith.index_cast %swap3A_690 : i32 to index
        %swap3A_692 = arith.constant 0 : index
        %swap3A_693 = tpu.vector_load %arg10[%swap3A_691, %swap3A_692] {strides = array<i32>} : memref<3x96xi32, #tpu.memory_space<vmem>>, vector<1x16xi32>,
        %swap3A_694 = vector.shape_cast %swap3A_693 : vector<1x16xi32> to vector<16xi32>
        %swap3A_695 = vector.shape_cast %shift_right_logical3A_689 : vector<16xi32> to vector<1x16xi32>
        tpu.vector_store %arg10[%swap3A_691, %swap3A_692], %swap3A_695 {strides = array<i32>} : memref<3x96xi32, #tpu.memory_space<vmem>>, vector<1x16xi32>,
        %mul3A_696 = arith.constant 96 : i32
        %mul3A_697 = arith.muli %add3A_670, %mul3A_696 : i32
        %add3A_698 = arith.constant 16 : i32
        %add3A_699 = arith.addi %mul3A_697, %add3A_698 : i32
        %get3A_700 = arith.index_cast %add3A_699 : i32 to index
        %get3A_701 = tpu.vector_load %arg8[%get3A_700] {strides = array<i32>} : memref<10080xi32, #tpu.memory_space<vmem>>, vector<16xi32>,
        %get3A_702 = vector.shape_cast %get3A_701 : vector<16xi32> to vector<16xi32>
        %and3A_703 = arith.constant 16383 : i32
        %and3A_704 = vector.broadcast %and3A_703 : i32 to vector<16xi32>
        %and3A_705 = arith.andi %get3A_702, %and3A_704 : vector<16xi32>
        %swap3A_706 = arith.constant 0 : i32
        %swap3A_707 = arith.index_cast %swap3A_706 : i32 to index
        %swap3A_708 = arith.constant 16 : index
        %swap3A_709 = tpu.vector_load %arg9[%swap3A_707, %swap3A_708] {strides = array<i32>} : memref<3x96xi32, #tpu.memory_space<vmem>>, vector<1x16xi32>,
        %swap3A_710 = vector.shape_cast %swap3A_709 : vector<1x16xi32> to vector<16xi32>
        %swap3A_711 = vector.shape_cast %and3A_705 : vector<16xi32> to vector<1x16xi32>
        tpu.vector_store %arg9[%swap3A_707, %swap3A_708], %swap3A_711 {strides = array<i32>} : memref<3x96xi32, #tpu.memory_space<vmem>>, vector<1x16xi32>,
        %shift_right_logical3A_712 = arith.constant 14 : i32
        %shift_right_logical3A_713 = vector.broadcast %shift_right_logical3A_712 : i32 to vector<16xi32>
        %shift_right_logical3A_714 = arith.shrui %get3A_702, %shift_right_logical3A_713 : vector<16xi32>
        %swap3A_715 = arith.constant 0 : i32
        %swap3A_716 = arith.index_cast %swap3A_715 : i32 to index
        %swap3A_717 = arith.constant 16 : index
        %swap3A_718 = tpu.vector_load %arg10[%swap3A_716, %swap3A_717] {strides = array<i32>} : memref<3x96xi32, #tpu.memory_space<vmem>>, vector<1x16xi32>,
        %swap3A_719 = vector.shape_cast %swap3A_718 : vector<1x16xi32> to vector<16xi32>
        %swap3A_720 = vector.shape_cast %shift_right_logical3A_714 : vector<16xi32> to vector<1x16xi32>
        tpu.vector_store %arg10[%swap3A_716, %swap3A_717], %swap3A_720 {strides = array<i32>} : memref<3x96xi32, #tpu.memory_space<vmem>>, vector<1x16xi32>,
        %mul3A_721 = arith.constant 96 : i32
        %mul3A_722 = arith.muli %add3A_670, %mul3A_721 : i32
        %add3A_723 = arith.constant 32 : i32
        %add3A_724 = arith.addi %mul3A_722, %add3A_723 : i32
        %get3A_725 = arith.index_cast %add3A_724 : i32 to index
        %get3A_726 = tpu.vector_load %arg8[%get3A_725] {strides = array<i32>} : memref<10080xi32, #tpu.memory_space<vmem>>, vector<16xi32>,
        %get3A_727 = vector.shape_cast %get3A_726 : vector<16xi32> to vector<16xi32>
        %and3A_728 = arith.constant 16383 : i32
        %and3A_729 = vector.broadcast %and3A_728 : i32 to vector<16xi32>
        %and3A_730 = arith.andi %get3A_727, %and3A_729 : vector<16xi32>
        %swap3A_731 = arith.constant 0 : i32
        %swap3A_732 = arith.index_cast %swap3A_731 : i32 to index
        %swap3A_733 = arith.constant 32 : index
        %swap3A_734 = tpu.vector_load %arg9[%swap3A_732, %swap3A_733] {strides = array<i32>} : memref<3x96xi32, #tpu.memory_space<vmem>>, vector<1x16xi32>,
        %swap3A_735 = vector.shape_cast %swap3A_734 : vector<1x16xi32> to vector<16xi32>
        %swap3A_736 = vector.shape_cast %and3A_730 : vector<16xi32> to vector<1x16xi32>
        tpu.vector_store %arg9[%swap3A_732, %swap3A_733], %swap3A_736 {strides = array<i32>} : memref<3x96xi32, #tpu.memory_space<vmem>>, vector<1x16xi32>,
        %shift_right_logical3A_737 = arith.constant 14 : i32
        %shift_right_logical3A_738 = vector.broadcast %shift_right_logical3A_737 : i32 to vector<16xi32>
        %shift_right_logical3A_739 = arith.shrui %get3A_727, %shift_right_logical3A_738 : vector<16xi32>
        %swap3A_740 = arith.constant 0 : i32
        %swap3A_741 = arith.index_cast %swap3A_740 : i32 to index
        %swap3A_742 = arith.constant 32 : index
        %swap3A_743 = tpu.vector_load %arg10[%swap3A_741, %swap3A_742] {strides = array<i32>} : memref<3x96xi32, #tpu.memory_space<vmem>>, vector<1x16xi32>,
        %swap3A_744 = vector.shape_cast %swap3A_743 : vector<1x16xi32> to vector<16xi32>
        %swap3A_745 = vector.shape_cast %shift_right_logical3A_739 : vector<16xi32> to vector<1x16xi32>
        tpu.vector_store %arg10[%swap3A_741, %swap3A_742], %swap3A_745 {strides = array<i32>} : memref<3x96xi32, #tpu.memory_space<vmem>>, vector<1x16xi32>,
        %mul3A_746 = arith.constant 96 : i32
        %mul3A_747 = arith.muli %add3A_670, %mul3A_746 : i32
        %add3A_748 = arith.constant 48 : i32
        %add3A_749 = arith.addi %mul3A_747, %add3A_748 : i32
        %get3A_750 = arith.index_cast %add3A_749 : i32 to index
        %get3A_751 = tpu.vector_load %arg8[%get3A_750] {strides = array<i32>} : memref<10080xi32, #tpu.memory_space<vmem>>, vector<16xi32>,
        %get3A_752 = vector.shape_cast %get3A_751 : vector<16xi32> to vector<16xi32>
        %and3A_753 = arith.constant 16383 : i32
        %and3A_754 = vector.broadcast %and3A_753 : i32 to vector<16xi32>
        %and3A_755 = arith.andi %get3A_752, %and3A_754 : vector<16xi32>
        %swap3A_756 = arith.constant 0 : i32
        %swap3A_757 = arith.index_cast %swap3A_756 : i32 to index
        %swap3A_758 = arith.constant 48 : index
        %swap3A_759 = tpu.vector_load %arg9[%swap3A_757, %swap3A_758] {strides = array<i32>} : memref<3x96xi32, #tpu.memory_space<vmem>>, vector<1x16xi32>,
        %swap3A_760 = vector.shape_cast %swap3A_759 : vector<1x16xi32> to vector<16xi32>
        %swap3A_761 = vector.shape_cast %and3A_755 : vector<16xi32> to vector<1x16xi32>
        tpu.vector_store %arg9[%swap3A_757, %swap3A_758], %swap3A_761 {strides = array<i32>} : memref<3x96xi32, #tpu.memory_space<vmem>>, vector<1x16xi32>,
        %shift_right_logical3A_762 = arith.constant 14 : i32
        %shift_right_logical3A_763 = vector.broadcast %shift_right_logical3A_762 : i32 to vector<16xi32>
        %shift_right_logical3A_764 = arith.shrui %get3A_752, %shift_right_logical3A_763 : vector<16xi32>
        %swap3A_765 = arith.constant 0 : i32
        %swap3A_766 = arith.index_cast %swap3A_765 : i32 to index
        %swap3A_767 = arith.constant 48 : index
        %swap3A_768 = tpu.vector_load %arg10[%swap3A_766, %swap3A_767] {strides = array<i32>} : memref<3x96xi32, #tpu.memory_space<vmem>>, vector<1x16xi32>,
        %swap3A_769 = vector.shape_cast %swap3A_768 : vector<1x16xi32> to vector<16xi32>
        %swap3A_770 = vector.shape_cast %shift_right_logical3A_764 : vector<16xi32> to vector<1x16xi32>
        tpu.vector_store %arg10[%swap3A_766, %swap3A_767], %swap3A_770 {strides = array<i32>} : memref<3x96xi32, #tpu.memory_space<vmem>>, vector<1x16xi32>,
        %mul3A_771 = arith.constant 96 : i32
        %mul3A_772 = arith.muli %add3A_670, %mul3A_771 : i32
        %add3A_773 = arith.constant 64 : i32
        %add3A_774 = arith.addi %mul3A_772, %add3A_773 : i32
        %get3A_775 = arith.index_cast %add3A_774 : i32 to index
        %get3A_776 = tpu.vector_load %arg8[%get3A_775] {strides = array<i32>} : memref<10080xi32, #tpu.memory_space<vmem>>, vector<16xi32>,
        %get3A_777 = vector.shape_cast %get3A_776 : vector<16xi32> to vector<16xi32>
        %and3A_778 = arith.constant 16383 : i32
        %and3A_779 = vector.broadcast %and3A_778 : i32 to vector<16xi32>
        %and3A_780 = arith.andi %get3A_777, %and3A_779 : vector<16xi32>
        %swap3A_781 = arith.constant 0 : i32
        %swap3A_782 = arith.index_cast %swap3A_781 : i32 to index
        %swap3A_783 = arith.constant 64 : index
        %swap3A_784 = tpu.vector_load %arg9[%swap3A_782, %swap3A_783] {strides = array<i32>} : memref<3x96xi32, #tpu.memory_space<vmem>>, vector<1x16xi32>,
        %swap3A_785 = vector.shape_cast %swap3A_784 : vector<1x16xi32> to vector<16xi32>
        %swap3A_786 = vector.shape_cast %and3A_780 : vector<16xi32> to vector<1x16xi32>
        tpu.vector_store %arg9[%swap3A_782, %swap3A_783], %swap3A_786 {strides = array<i32>} : memref<3x96xi32, #tpu.memory_space<vmem>>, vector<1x16xi32>,
        %shift_right_logical3A_787 = arith.constant 14 : i32
        %shift_right_logical3A_788 = vector.broadcast %shift_right_logical3A_787 : i32 to vector<16xi32>
        %shift_right_logical3A_789 = arith.shrui %get3A_777, %shift_right_logical3A_788 : vector<16xi32>
        %swap3A_790 = arith.constant 0 : i32
        %swap3A_791 = arith.index_cast %swap3A_790 : i32 to index
        %swap3A_792 = arith.constant 64 : index
        %swap3A_793 = tpu.vector_load %arg10[%swap3A_791, %swap3A_792] {strides = array<i32>} : memref<3x96xi32, #tpu.memory_space<vmem>>, vector<1x16xi32>,
        %swap3A_794 = vector.shape_cast %swap3A_793 : vector<1x16xi32> to vector<16xi32>
        %swap3A_795 = vector.shape_cast %shift_right_logical3A_789 : vector<16xi32> to vector<1x16xi32>
        tpu.vector_store %arg10[%swap3A_791, %swap3A_792], %swap3A_795 {strides = array<i32>} : memref<3x96xi32, #tpu.memory_space<vmem>>, vector<1x16xi32>,
        %mul3A_796 = arith.constant 96 : i32
        %mul3A_797 = arith.muli %add3A_670, %mul3A_796 : i32
        %add3A_798 = arith.constant 80 : i32
        %add3A_799 = arith.addi %mul3A_797, %add3A_798 : i32
        %get3A_800 = arith.index_cast %add3A_799 : i32 to index
        %get3A_801 = tpu.vector_load %arg8[%get3A_800] {strides = array<i32>} : memref<10080xi32, #tpu.memory_space<vmem>>, vector<16xi32>,
        %get3A_802 = vector.shape_cast %get3A_801 : vector<16xi32> to vector<16xi32>
        %and3A_803 = arith.constant 16383 : i32
        %and3A_804 = vector.broadcast %and3A_803 : i32 to vector<16xi32>
        %and3A_805 = arith.andi %get3A_802, %and3A_804 : vector<16xi32>
        %swap3A_806 = arith.constant 0 : i32
        %swap3A_807 = arith.index_cast %swap3A_806 : i32 to index
        %swap3A_808 = arith.constant 80 : index
        %swap3A_809 = tpu.vector_load %arg9[%swap3A_807, %swap3A_808] {strides = array<i32>} : memref<3x96xi32, #tpu.memory_space<vmem>>, vector<1x16xi32>,
        %swap3A_810 = vector.shape_cast %swap3A_809 : vector<1x16xi32> to vector<16xi32>
        %swap3A_811 = vector.shape_cast %and3A_805 : vector<16xi32> to vector<1x16xi32>
        tpu.vector_store %arg9[%swap3A_807, %swap3A_808], %swap3A_811 {strides = array<i32>} : memref<3x96xi32, #tpu.memory_space<vmem>>, vector<1x16xi32>,
        %shift_right_logical3A_812 = arith.constant 14 : i32
        %shift_right_logical3A_813 = vector.broadcast %shift_right_logical3A_812 : i32 to vector<16xi32>
        %shift_right_logical3A_814 = arith.shrui %get3A_802, %shift_right_logical3A_813 : vector<16xi32>
        %swap3A_815 = arith.constant 0 : i32
        %swap3A_816 = arith.index_cast %swap3A_815 : i32 to index
        %swap3A_817 = arith.constant 80 : index
        %swap3A_818 = tpu.vector_load %arg10[%swap3A_816, %swap3A_817] {strides = array<i32>} : memref<3x96xi32, #tpu.memory_space<vmem>>, vector<1x16xi32>,
        %swap3A_819 = vector.shape_cast %swap3A_818 : vector<1x16xi32> to vector<16xi32>
        %swap3A_820 = vector.shape_cast %shift_right_logical3A_814 : vector<16xi32> to vector<1x16xi32>
        tpu.vector_store %arg10[%swap3A_816, %swap3A_817], %swap3A_820 {strides = array<i32>} : memref<3x96xi32, #tpu.memory_space<vmem>>, vector<1x16xi32>,
        %add3A_821 = arith.constant 3 : i32
        %add3A_822 = arith.addi %sub3A_597, %add3A_821 : i32
        %dma_start3A_823 = arith.constant 0 : i32
        %dma_start3A_824 = arith.constant 0 : i32
        %dma_start3A_825 = arith.constant 0 : i32
        %dma_start3A_826 = arith.constant 0 : i32
        %dma_start3A_827 = arith.constant 0 : i32
        %dma_start3A_828 = tpu.memref_slice %arg7[%dma_start3A_824, %dma_start3A_826, %dma_start3A_827] : memref<3x96x128xf32, #tpu.memory_space<vmem>> -> memref<1x96x128xf32, #tpu.memory_space<vmem>>
        %dma_start3A_829 = tpu.memref_squeeze %dma_start3A_828 : memref<1x96x128xf32, #tpu.memory_space<vmem>> -> memref<96x128xf32, #tpu.memory_space<vmem>>
        %dma_start3A_830 = arith.constant 0 : i32
        %dma_start3A_831 = tpu.memref_slice %arg9[%dma_start3A_823, %dma_start3A_830] : memref<3x96xi32, #tpu.memory_space<vmem>> -> memref<1x96xi32, #tpu.memory_space<vmem>>
        %dma_start3A_832 = tpu.memref_squeeze %dma_start3A_831 : memref<1x96xi32, #tpu.memory_space<vmem>> -> memref<96xi32, #tpu.memory_space<vmem>>
        %dma_start3A_833 = arith.constant 0 : i32
        %dma_start3A_834 = arith.constant 0 : i32
        %dma_start3A_835 = tpu.memref_slice %arg2[%dma_start3A_833, %dma_start3A_834] : memref<10000x128xf32, #tpu.memory_space<hbm>> -> memref<10000x128xf32, #tpu.memory_space<hbm>>
        %dma_start3A_836 = tpu.memref_slice %arg11[%dma_start3A_825] : memref<3x!tpu.dma_semaphore, #tpu.memory_space<semaphore_mem>> -> memref<1x!tpu.dma_semaphore, #tpu.memory_space<semaphore_mem>>
        %dma_start3A_837 = tpu.memref_squeeze %dma_start3A_836 : memref<1x!tpu.dma_semaphore, #tpu.memory_space<semaphore_mem>> -> memref<!tpu.dma_semaphore, #tpu.memory_space<semaphore_mem>>
        tpu.enqueue_indirect_dma source(%dma_start3A_835 : memref<10000x128xf32, #tpu.memory_space<hbm>>) target(%dma_start3A_829 : memref<96x128xf32, #tpu.memory_space<vmem>>) offsets(%dma_start3A_832 : memref<96xi32, #tpu.memory_space<vmem>>) semaphore(%dma_start3A_837 : memref<!tpu.dma_semaphore, #tpu.memory_space<semaphore_mem>>)
      } else {
      }
      %mul3A_608 = arith.constant 3 : i32
      %mul3A_609 = arith.muli %scan3A_520, %mul3A_608 : i32
      %add3A_610 = arith.constant 2 : i32
      %add3A_611 = arith.addi %mul3A_609, %add3A_610 : i32
      %dma_wait3A_612 = arith.constant 2 : i32
      %dma_wait3A_613 = arith.constant 2 : i32
      %dma_wait3A_614 = arith.constant 2 : i32
      %dma_wait3A_615 = arith.constant 0 : i32
      %dma_wait3A_616 = arith.constant 0 : i32
      %dma_wait3A_617 = tpu.memref_slice %arg7[%dma_wait3A_613, %dma_wait3A_615, %dma_wait3A_616] : memref<3x96x128xf32, #tpu.memory_space<vmem>> -> memref<1x96x128xf32, #tpu.memory_space<vmem>>
      %dma_wait3A_618 = tpu.memref_squeeze %dma_wait3A_617 : memref<1x96x128xf32, #tpu.memory_space<vmem>> -> memref<96x128xf32, #tpu.memory_space<vmem>>
      %dma_wait3A_619 = arith.constant 0 : i32
      %dma_wait3A_620 = tpu.memref_slice %arg9[%dma_wait3A_612, %dma_wait3A_619] : memref<3x96xi32, #tpu.memory_space<vmem>> -> memref<1x96xi32, #tpu.memory_space<vmem>>
      %dma_wait3A_621 = tpu.memref_squeeze %dma_wait3A_620 : memref<1x96xi32, #tpu.memory_space<vmem>> -> memref<96xi32, #tpu.memory_space<vmem>>
      %dma_wait3A_622 = arith.constant 0 : i32
      %dma_wait3A_623 = arith.constant 0 : i32
      %dma_wait3A_624 = tpu.memref_slice %arg2[%dma_wait3A_622, %dma_wait3A_623] : memref<10000x128xf32, #tpu.memory_space<hbm>> -> memref<10000x128xf32, #tpu.memory_space<hbm>>
      %dma_wait3A_625 = tpu.memref_slice %arg11[%dma_wait3A_614] : memref<3x!tpu.dma_semaphore, #tpu.memory_space<semaphore_mem>> -> memref<1x!tpu.dma_semaphore, #tpu.memory_space<semaphore_mem>>
      %dma_wait3A_626 = tpu.memref_squeeze %dma_wait3A_625 : memref<1x!tpu.dma_semaphore, #tpu.memory_space<semaphore_mem>> -> memref<!tpu.dma_semaphore, #tpu.memory_space<semaphore_mem>>
      tpu.wait_indirect_dma semaphore(%dma_wait3A_626 : memref<!tpu.dma_semaphore, #tpu.memory_space<semaphore_mem>>) src(%dma_wait3A_624 : memref<10000x128xf32, #tpu.memory_space<hbm>>) dst(%dma_wait3A_618 : memref<96x128xf32, #tpu.memory_space<vmem>>)
      %dma_start3A_627 = arith.constant 2 : i32
      %dma_start3A_628 = arith.constant 2 : i32
      %dma_start3A_629 = arith.constant 2 : i32
      %dma_start3A_630 = arith.constant 0 : i32
      %dma_start3A_631 = arith.constant 0 : i32
      %dma_start3A_632 = tpu.memref_slice %arg7[%dma_start3A_627, %dma_start3A_630, %dma_start3A_631] : memref<3x96x128xf32, #tpu.memory_space<vmem>> -> memref<1x96x128xf32, #tpu.memory_space<vmem>>
      %dma_start3A_633 = tpu.memref_squeeze %dma_start3A_632 : memref<1x96x128xf32, #tpu.memory_space<vmem>> -> memref<96x128xf32, #tpu.memory_space<vmem>>
      %dma_start3A_634 = arith.constant 0 : i32
      %dma_start3A_635 = tpu.memref_slice %arg10[%dma_start3A_628, %dma_start3A_634] : memref<3x96xi32, #tpu.memory_space<vmem>> -> memref<1x96xi32, #tpu.memory_space<vmem>>
      %dma_start3A_636 = tpu.memref_squeeze %dma_start3A_635 : memref<1x96xi32, #tpu.memory_space<vmem>> -> memref<96xi32, #tpu.memory_space<vmem>>
      %dma_start3A_637 = arith.constant 0 : i32
      %dma_start3A_638 = arith.constant 0 : i32
      %dma_start3A_639 = tpu.memref_slice %arg6[%dma_start3A_637, %dma_start3A_638] : memref<10112x128xf32, #tpu.memory_space<vmem_shared>> -> memref<10112x128xf32, #tpu.memory_space<vmem_shared>>
      %dma_start3A_640 = tpu.memref_slice %arg12[%dma_start3A_629] : memref<3x!tpu.dma_semaphore, #tpu.memory_space<semaphore_mem>> -> memref<1x!tpu.dma_semaphore, #tpu.memory_space<semaphore_mem>>
      %dma_start3A_641 = tpu.memref_squeeze %dma_start3A_640 : memref<1x!tpu.dma_semaphore, #tpu.memory_space<semaphore_mem>> -> memref<!tpu.dma_semaphore, #tpu.memory_space<semaphore_mem>>
      tpu.enqueue_indirect_dma source(%dma_start3A_633 : memref<96x128xf32, #tpu.memory_space<vmem>>) target(%dma_start3A_639 : memref<10112x128xf32, #tpu.memory_space<vmem_shared>>) offsets(%dma_start3A_636 : memref<96xi32, #tpu.memory_space<vmem>>) semaphore(%dma_start3A_641 : memref<!tpu.dma_semaphore, #tpu.memory_space<semaphore_mem>>) {add = true}
      %sub3A_642 = arith.constant 1 : i32
      %sub3A_643 = arith.subi %add3A_611, %sub3A_642 : i32
      %ge3A_644 = arith.constant 0 : i32
      %ge3A_645 = arith.cmpi sge, %sub3A_643, %ge3A_644 : i32
      %add3A_646 = arith.constant 3 : i32
      %add3A_647 = arith.addi %sub3A_643, %add3A_646 : i32
      %lt3A_648 = arith.constant 105 : i32
      %lt3A_649 = arith.cmpi slt, %add3A_647, %lt3A_648 : i32
      %and3A_650 = arith.andi %ge3A_645, %lt3A_649 : i1
      %convert_element_type3A_651 = arith.extui %and3A_650 : i1 to i32
      %cond3A_652 = arith.constant 0 : i32
      %cond3A_653 = arith.cmpi ne, %convert_element_type3A_651, %cond3A_652 : i32
      scf.if %cond3A_653 {
        %dma_wait3A_654 = arith.constant 1 : i32
        %dma_wait3A_655 = arith.constant 1 : i32
        %dma_wait3A_656 = arith.constant 1 : i32
        %dma_wait3A_657 = arith.constant 0 : i32
        %dma_wait3A_658 = arith.constant 0 : i32
        %dma_wait3A_659 = tpu.memref_slice %arg7[%dma_wait3A_654, %dma_wait3A_657, %dma_wait3A_658] : memref<3x96x128xf32, #tpu.memory_space<vmem>> -> memref<1x96x128xf32, #tpu.memory_space<vmem>>
        %dma_wait3A_660 = tpu.memref_squeeze %dma_wait3A_659 : memref<1x96x128xf32, #tpu.memory_space<vmem>> -> memref<96x128xf32, #tpu.memory_space<vmem>>
        %dma_wait3A_661 = arith.constant 0 : i32
        %dma_wait3A_662 = tpu.memref_slice %arg10[%dma_wait3A_655, %dma_wait3A_661] : memref<3x96xi32, #tpu.memory_space<vmem>> -> memref<1x96xi32, #tpu.memory_space<vmem>>
        %dma_wait3A_663 = tpu.memref_squeeze %dma_wait3A_662 : memref<1x96xi32, #tpu.memory_space<vmem>> -> memref<96xi32, #tpu.memory_space<vmem>>
        %dma_wait3A_664 = arith.constant 0 : i32
        %dma_wait3A_665 = arith.constant 0 : i32
        %dma_wait3A_666 = tpu.memref_slice %arg6[%dma_wait3A_664, %dma_wait3A_665] : memref<10112x128xf32, #tpu.memory_space<vmem_shared>> -> memref<10112x128xf32, #tpu.memory_space<vmem_shared>>
        %dma_wait3A_667 = tpu.memref_slice %arg12[%dma_wait3A_656] : memref<3x!tpu.dma_semaphore, #tpu.memory_space<semaphore_mem>> -> memref<1x!tpu.dma_semaphore, #tpu.memory_space<semaphore_mem>>
        %dma_wait3A_668 = tpu.memref_squeeze %dma_wait3A_667 : memref<1x!tpu.dma_semaphore, #tpu.memory_space<semaphore_mem>> -> memref<!tpu.dma_semaphore, #tpu.memory_space<semaphore_mem>>
        tpu.wait_indirect_dma semaphore(%dma_wait3A_668 : memref<!tpu.dma_semaphore, #tpu.memory_space<semaphore_mem>>) src(%dma_wait3A_660 : memref<96x128xf32, #tpu.memory_space<vmem>>) dst(%dma_wait3A_666 : memref<10112x128xf32, #tpu.memory_space<vmem_shared>>)
        %add3A_669 = arith.constant 3 : i32
        %add3A_670 = arith.addi %sub3A_643, %add3A_669 : i32
        %mul3A_671 = arith.constant 96 : i32
        %mul3A_672 = arith.muli %add3A_670, %mul3A_671 : i32
        %add3A_673 = arith.constant 0 : i32
        %add3A_674 = arith.addi %mul3A_672, %add3A_673 : i32
        %get3A_675 = arith.index_cast %add3A_674 : i32 to index
        %get3A_676 = tpu.vector_load %arg8[%get3A_675] {strides = array<i32>} : memref<10080xi32, #tpu.memory_space<vmem>>, vector<16xi32>,
        %get3A_677 = vector.shape_cast %get3A_676 : vector<16xi32> to vector<16xi32>
        %and3A_678 = arith.constant 16383 : i32
        %and3A_679 = vector.broadcast %and3A_678 : i32 to vector<16xi32>
        %and3A_680 = arith.andi %get3A_677, %and3A_679 : vector<16xi32>
        %swap3A_681 = arith.constant 1 : i32
        %swap3A_682 = arith.index_cast %swap3A_681 : i32 to index
        %swap3A_683 = arith.constant 0 : index
        %swap3A_684 = tpu.vector_load %arg9[%swap3A_682, %swap3A_683] {strides = array<i32>} : memref<3x96xi32, #tpu.memory_space<vmem>>, vector<1x16xi32>,
        %swap3A_685 = vector.shape_cast %swap3A_684 : vector<1x16xi32> to vector<16xi32>
        %swap3A_686 = vector.shape_cast %and3A_680 : vector<16xi32> to vector<1x16xi32>
        tpu.vector_store %arg9[%swap3A_682, %swap3A_683], %swap3A_686 {strides = array<i32>} : memref<3x96xi32, #tpu.memory_space<vmem>>, vector<1x16xi32>,
        %shift_right_logical3A_687 = arith.constant 14 : i32
        %shift_right_logical3A_688 = vector.broadcast %shift_right_logical3A_687 : i32 to vector<16xi32>
        %shift_right_logical3A_689 = arith.shrui %get3A_677, %shift_right_logical3A_688 : vector<16xi32>
        %swap3A_690 = arith.constant 1 : i32
        %swap3A_691 = arith.index_cast %swap3A_690 : i32 to index
        %swap3A_692 = arith.constant 0 : index
        %swap3A_693 = tpu.vector_load %arg10[%swap3A_691, %swap3A_692] {strides = array<i32>} : memref<3x96xi32, #tpu.memory_space<vmem>>, vector<1x16xi32>,
        %swap3A_694 = vector.shape_cast %swap3A_693 : vector<1x16xi32> to vector<16xi32>
        %swap3A_695 = vector.shape_cast %shift_right_logical3A_689 : vector<16xi32> to vector<1x16xi32>
        tpu.vector_store %arg10[%swap3A_691, %swap3A_692], %swap3A_695 {strides = array<i32>} : memref<3x96xi32, #tpu.memory_space<vmem>>, vector<1x16xi32>,
        %mul3A_696 = arith.constant 96 : i32
        %mul3A_697 = arith.muli %add3A_670, %mul3A_696 : i32
        %add3A_698 = arith.constant 16 : i32
        %add3A_699 = arith.addi %mul3A_697, %add3A_698 : i32
        %get3A_700 = arith.index_cast %add3A_699 : i32 to index
        %get3A_701 = tpu.vector_load %arg8[%get3A_700] {strides = array<i32>} : memref<10080xi32, #tpu.memory_space<vmem>>, vector<16xi32>,
        %get3A_702 = vector.shape_cast %get3A_701 : vector<16xi32> to vector<16xi32>
        %and3A_703 = arith.constant 16383 : i32
        %and3A_704 = vector.broadcast %and3A_703 : i32 to vector<16xi32>
        %and3A_705 = arith.andi %get3A_702, %and3A_704 : vector<16xi32>
        %swap3A_706 = arith.constant 1 : i32
        %swap3A_707 = arith.index_cast %swap3A_706 : i32 to index
        %swap3A_708 = arith.constant 16 : index
        %swap3A_709 = tpu.vector_load %arg9[%swap3A_707, %swap3A_708] {strides = array<i32>} : memref<3x96xi32, #tpu.memory_space<vmem>>, vector<1x16xi32>,
        %swap3A_710 = vector.shape_cast %swap3A_709 : vector<1x16xi32> to vector<16xi32>
        %swap3A_711 = vector.shape_cast %and3A_705 : vector<16xi32> to vector<1x16xi32>
        tpu.vector_store %arg9[%swap3A_707, %swap3A_708], %swap3A_711 {strides = array<i32>} : memref<3x96xi32, #tpu.memory_space<vmem>>, vector<1x16xi32>,
        %shift_right_logical3A_712 = arith.constant 14 : i32
        %shift_right_logical3A_713 = vector.broadcast %shift_right_logical3A_712 : i32 to vector<16xi32>
        %shift_right_logical3A_714 = arith.shrui %get3A_702, %shift_right_logical3A_713 : vector<16xi32>
        %swap3A_715 = arith.constant 1 : i32
        %swap3A_716 = arith.index_cast %swap3A_715 : i32 to index
        %swap3A_717 = arith.constant 16 : index
        %swap3A_718 = tpu.vector_load %arg10[%swap3A_716, %swap3A_717] {strides = array<i32>} : memref<3x96xi32, #tpu.memory_space<vmem>>, vector<1x16xi32>,
        %swap3A_719 = vector.shape_cast %swap3A_718 : vector<1x16xi32> to vector<16xi32>
        %swap3A_720 = vector.shape_cast %shift_right_logical3A_714 : vector<16xi32> to vector<1x16xi32>
        tpu.vector_store %arg10[%swap3A_716, %swap3A_717], %swap3A_720 {strides = array<i32>} : memref<3x96xi32, #tpu.memory_space<vmem>>, vector<1x16xi32>,
        %mul3A_721 = arith.constant 96 : i32
        %mul3A_722 = arith.muli %add3A_670, %mul3A_721 : i32
        %add3A_723 = arith.constant 32 : i32
        %add3A_724 = arith.addi %mul3A_722, %add3A_723 : i32
        %get3A_725 = arith.index_cast %add3A_724 : i32 to index
        %get3A_726 = tpu.vector_load %arg8[%get3A_725] {strides = array<i32>} : memref<10080xi32, #tpu.memory_space<vmem>>, vector<16xi32>,
        %get3A_727 = vector.shape_cast %get3A_726 : vector<16xi32> to vector<16xi32>
        %and3A_728 = arith.constant 16383 : i32
        %and3A_729 = vector.broadcast %and3A_728 : i32 to vector<16xi32>
        %and3A_730 = arith.andi %get3A_727, %and3A_729 : vector<16xi32>
        %swap3A_731 = arith.constant 1 : i32
        %swap3A_732 = arith.index_cast %swap3A_731 : i32 to index
        %swap3A_733 = arith.constant 32 : index
        %swap3A_734 = tpu.vector_load %arg9[%swap3A_732, %swap3A_733] {strides = array<i32>} : memref<3x96xi32, #tpu.memory_space<vmem>>, vector<1x16xi32>,
        %swap3A_735 = vector.shape_cast %swap3A_734 : vector<1x16xi32> to vector<16xi32>
        %swap3A_736 = vector.shape_cast %and3A_730 : vector<16xi32> to vector<1x16xi32>
        tpu.vector_store %arg9[%swap3A_732, %swap3A_733], %swap3A_736 {strides = array<i32>} : memref<3x96xi32, #tpu.memory_space<vmem>>, vector<1x16xi32>,
        %shift_right_logical3A_737 = arith.constant 14 : i32
        %shift_right_logical3A_738 = vector.broadcast %shift_right_logical3A_737 : i32 to vector<16xi32>
        %shift_right_logical3A_739 = arith.shrui %get3A_727, %shift_right_logical3A_738 : vector<16xi32>
        %swap3A_740 = arith.constant 1 : i32
        %swap3A_741 = arith.index_cast %swap3A_740 : i32 to index
        %swap3A_742 = arith.constant 32 : index
        %swap3A_743 = tpu.vector_load %arg10[%swap3A_741, %swap3A_742] {strides = array<i32>} : memref<3x96xi32, #tpu.memory_space<vmem>>, vector<1x16xi32>,
        %swap3A_744 = vector.shape_cast %swap3A_743 : vector<1x16xi32> to vector<16xi32>
        %swap3A_745 = vector.shape_cast %shift_right_logical3A_739 : vector<16xi32> to vector<1x16xi32>
        tpu.vector_store %arg10[%swap3A_741, %swap3A_742], %swap3A_745 {strides = array<i32>} : memref<3x96xi32, #tpu.memory_space<vmem>>, vector<1x16xi32>,
        %mul3A_746 = arith.constant 96 : i32
        %mul3A_747 = arith.muli %add3A_670, %mul3A_746 : i32
        %add3A_748 = arith.constant 48 : i32
        %add3A_749 = arith.addi %mul3A_747, %add3A_748 : i32
        %get3A_750 = arith.index_cast %add3A_749 : i32 to index
        %get3A_751 = tpu.vector_load %arg8[%get3A_750] {strides = array<i32>} : memref<10080xi32, #tpu.memory_space<vmem>>, vector<16xi32>,
        %get3A_752 = vector.shape_cast %get3A_751 : vector<16xi32> to vector<16xi32>
        %and3A_753 = arith.constant 16383 : i32
        %and3A_754 = vector.broadcast %and3A_753 : i32 to vector<16xi32>
        %and3A_755 = arith.andi %get3A_752, %and3A_754 : vector<16xi32>
        %swap3A_756 = arith.constant 1 : i32
        %swap3A_757 = arith.index_cast %swap3A_756 : i32 to index
        %swap3A_758 = arith.constant 48 : index
        %swap3A_759 = tpu.vector_load %arg9[%swap3A_757, %swap3A_758] {strides = array<i32>} : memref<3x96xi32, #tpu.memory_space<vmem>>, vector<1x16xi32>,
        %swap3A_760 = vector.shape_cast %swap3A_759 : vector<1x16xi32> to vector<16xi32>
        %swap3A_761 = vector.shape_cast %and3A_755 : vector<16xi32> to vector<1x16xi32>
        tpu.vector_store %arg9[%swap3A_757, %swap3A_758], %swap3A_761 {strides = array<i32>} : memref<3x96xi32, #tpu.memory_space<vmem>>, vector<1x16xi32>,
        %shift_right_logical3A_762 = arith.constant 14 : i32
        %shift_right_logical3A_763 = vector.broadcast %shift_right_logical3A_762 : i32 to vector<16xi32>
        %shift_right_logical3A_764 = arith.shrui %get3A_752, %shift_right_logical3A_763 : vector<16xi32>
        %swap3A_765 = arith.constant 1 : i32
        %swap3A_766 = arith.index_cast %swap3A_765 : i32 to index
        %swap3A_767 = arith.constant 48 : index
        %swap3A_768 = tpu.vector_load %arg10[%swap3A_766, %swap3A_767] {strides = array<i32>} : memref<3x96xi32, #tpu.memory_space<vmem>>, vector<1x16xi32>,
        %swap3A_769 = vector.shape_cast %swap3A_768 : vector<1x16xi32> to vector<16xi32>
        %swap3A_770 = vector.shape_cast %shift_right_logical3A_764 : vector<16xi32> to vector<1x16xi32>
        tpu.vector_store %arg10[%swap3A_766, %swap3A_767], %swap3A_770 {strides = array<i32>} : memref<3x96xi32, #tpu.memory_space<vmem>>, vector<1x16xi32>,
        %mul3A_771 = arith.constant 96 : i32
        %mul3A_772 = arith.muli %add3A_670, %mul3A_771 : i32
        %add3A_773 = arith.constant 64 : i32
        %add3A_774 = arith.addi %mul3A_772, %add3A_773 : i32
        %get3A_775 = arith.index_cast %add3A_774 : i32 to index
        %get3A_776 = tpu.vector_load %arg8[%get3A_775] {strides = array<i32>} : memref<10080xi32, #tpu.memory_space<vmem>>, vector<16xi32>,
        %get3A_777 = vector.shape_cast %get3A_776 : vector<16xi32> to vector<16xi32>
        %and3A_778 = arith.constant 16383 : i32
        %and3A_779 = vector.broadcast %and3A_778 : i32 to vector<16xi32>
        %and3A_780 = arith.andi %get3A_777, %and3A_779 : vector<16xi32>
        %swap3A_781 = arith.constant 1 : i32
        %swap3A_782 = arith.index_cast %swap3A_781 : i32 to index
        %swap3A_783 = arith.constant 64 : index
        %swap3A_784 = tpu.vector_load %arg9[%swap3A_782, %swap3A_783] {strides = array<i32>} : memref<3x96xi32, #tpu.memory_space<vmem>>, vector<1x16xi32>,
        %swap3A_785 = vector.shape_cast %swap3A_784 : vector<1x16xi32> to vector<16xi32>
        %swap3A_786 = vector.shape_cast %and3A_780 : vector<16xi32> to vector<1x16xi32>
        tpu.vector_store %arg9[%swap3A_782, %swap3A_783], %swap3A_786 {strides = array<i32>} : memref<3x96xi32, #tpu.memory_space<vmem>>, vector<1x16xi32>,
        %shift_right_logical3A_787 = arith.constant 14 : i32
        %shift_right_logical3A_788 = vector.broadcast %shift_right_logical3A_787 : i32 to vector<16xi32>
        %shift_right_logical3A_789 = arith.shrui %get3A_777, %shift_right_logical3A_788 : vector<16xi32>
        %swap3A_790 = arith.constant 1 : i32
        %swap3A_791 = arith.index_cast %swap3A_790 : i32 to index
        %swap3A_792 = arith.constant 64 : index
        %swap3A_793 = tpu.vector_load %arg10[%swap3A_791, %swap3A_792] {strides = array<i32>} : memref<3x96xi32, #tpu.memory_space<vmem>>, vector<1x16xi32>,
        %swap3A_794 = vector.shape_cast %swap3A_793 : vector<1x16xi32> to vector<16xi32>
        %swap3A_795 = vector.shape_cast %shift_right_logical3A_789 : vector<16xi32> to vector<1x16xi32>
        tpu.vector_store %arg10[%swap3A_791, %swap3A_792], %swap3A_795 {strides = array<i32>} : memref<3x96xi32, #tpu.memory_space<vmem>>, vector<1x16xi32>,
        %mul3A_796 = arith.constant 96 : i32
        %mul3A_797 = arith.muli %add3A_670, %mul3A_796 : i32
        %add3A_798 = arith.constant 80 : i32
        %add3A_799 = arith.addi %mul3A_797, %add3A_798 : i32
        %get3A_800 = arith.index_cast %add3A_799 : i32 to index
        %get3A_801 = tpu.vector_load %arg8[%get3A_800] {strides = array<i32>} : memref<10080xi32, #tpu.memory_space<vmem>>, vector<16xi32>,
        %get3A_802 = vector.shape_cast %get3A_801 : vector<16xi32> to vector<16xi32>
        %and3A_803 = arith.constant 16383 : i32
        %and3A_804 = vector.broadcast %and3A_803 : i32 to vector<16xi32>
        %and3A_805 = arith.andi %get3A_802, %and3A_804 : vector<16xi32>
        %swap3A_806 = arith.constant 1 : i32
        %swap3A_807 = arith.index_cast %swap3A_806 : i32 to index
        %swap3A_808 = arith.constant 80 : index
        %swap3A_809 = tpu.vector_load %arg9[%swap3A_807, %swap3A_808] {strides = array<i32>} : memref<3x96xi32, #tpu.memory_space<vmem>>, vector<1x16xi32>,
        %swap3A_810 = vector.shape_cast %swap3A_809 : vector<1x16xi32> to vector<16xi32>
        %swap3A_811 = vector.shape_cast %and3A_805 : vector<16xi32> to vector<1x16xi32>
        tpu.vector_store %arg9[%swap3A_807, %swap3A_808], %swap3A_811 {strides = array<i32>} : memref<3x96xi32, #tpu.memory_space<vmem>>, vector<1x16xi32>,
        %shift_right_logical3A_812 = arith.constant 14 : i32
        %shift_right_logical3A_813 = vector.broadcast %shift_right_logical3A_812 : i32 to vector<16xi32>
        %shift_right_logical3A_814 = arith.shrui %get3A_802, %shift_right_logical3A_813 : vector<16xi32>
        %swap3A_815 = arith.constant 1 : i32
        %swap3A_816 = arith.index_cast %swap3A_815 : i32 to index
        %swap3A_817 = arith.constant 80 : index
        %swap3A_818 = tpu.vector_load %arg10[%swap3A_816, %swap3A_817] {strides = array<i32>} : memref<3x96xi32, #tpu.memory_space<vmem>>, vector<1x16xi32>,
        %swap3A_819 = vector.shape_cast %swap3A_818 : vector<1x16xi32> to vector<16xi32>
        %swap3A_820 = vector.shape_cast %shift_right_logical3A_814 : vector<16xi32> to vector<1x16xi32>
        tpu.vector_store %arg10[%swap3A_816, %swap3A_817], %swap3A_820 {strides = array<i32>} : memref<3x96xi32, #tpu.memory_space<vmem>>, vector<1x16xi32>,
        %add3A_821 = arith.constant 3 : i32
        %add3A_822 = arith.addi %sub3A_643, %add3A_821 : i32
        %dma_start3A_823 = arith.constant 1 : i32
        %dma_start3A_824 = arith.constant 1 : i32
        %dma_start3A_825 = arith.constant 1 : i32
        %dma_start3A_826 = arith.constant 0 : i32
        %dma_start3A_827 = arith.constant 0 : i32
        %dma_start3A_828 = tpu.memref_slice %arg7[%dma_start3A_824, %dma_start3A_826, %dma_start3A_827] : memref<3x96x128xf32, #tpu.memory_space<vmem>> -> memref<1x96x128xf32, #tpu.memory_space<vmem>>
        %dma_start3A_829 = tpu.memref_squeeze %dma_start3A_828 : memref<1x96x128xf32, #tpu.memory_space<vmem>> -> memref<96x128xf32, #tpu.memory_space<vmem>>
        %dma_start3A_830 = arith.constant 0 : i32
        %dma_start3A_831 = tpu.memref_slice %arg9[%dma_start3A_823, %dma_start3A_830] : memref<3x96xi32, #tpu.memory_space<vmem>> -> memref<1x96xi32, #tpu.memory_space<vmem>>
        %dma_start3A_832 = tpu.memref_squeeze %dma_start3A_831 : memref<1x96xi32, #tpu.memory_space<vmem>> -> memref<96xi32, #tpu.memory_space<vmem>>
        %dma_start3A_833 = arith.constant 0 : i32
        %dma_start3A_834 = arith.constant 0 : i32
        %dma_start3A_835 = tpu.memref_slice %arg2[%dma_start3A_833, %dma_start3A_834] : memref<10000x128xf32, #tpu.memory_space<hbm>> -> memref<10000x128xf32, #tpu.memory_space<hbm>>
        %dma_start3A_836 = tpu.memref_slice %arg11[%dma_start3A_825] : memref<3x!tpu.dma_semaphore, #tpu.memory_space<semaphore_mem>> -> memref<1x!tpu.dma_semaphore, #tpu.memory_space<semaphore_mem>>
        %dma_start3A_837 = tpu.memref_squeeze %dma_start3A_836 : memref<1x!tpu.dma_semaphore, #tpu.memory_space<semaphore_mem>> -> memref<!tpu.dma_semaphore, #tpu.memory_space<semaphore_mem>>
        tpu.enqueue_indirect_dma source(%dma_start3A_835 : memref<10000x128xf32, #tpu.memory_space<hbm>>) target(%dma_start3A_829 : memref<96x128xf32, #tpu.memory_space<vmem>>) offsets(%dma_start3A_832 : memref<96xi32, #tpu.memory_space<vmem>>) semaphore(%dma_start3A_837 : memref<!tpu.dma_semaphore, #tpu.memory_space<semaphore_mem>>)
      } else {
      }
    }
    %scan3A_446 = arith.constant 35 : i32
    %dma_wait3A = arith.constant 0 : i32
    %dma_wait3A_447 = arith.constant 0 : i32
    %dma_wait3A_448 = arith.constant 0 : i32
    %dma_wait3A_449 = arith.constant 0 : i32
    %dma_wait3A_450 = arith.constant 0 : i32
    %dma_wait3A_451 = tpu.memref_slice %arg7[%dma_wait3A, %dma_wait3A_449, %dma_wait3A_450] : memref<3x96x128xf32, #tpu.memory_space<vmem>> -> memref<1x96x128xf32, #tpu.memory_space<vmem>>
    %dma_wait3A_452 = tpu.memref_squeeze %dma_wait3A_451 : memref<1x96x128xf32, #tpu.memory_space<vmem>> -> memref<96x128xf32, #tpu.memory_space<vmem>>
    %dma_wait3A_453 = arith.constant 0 : i32
    %dma_wait3A_454 = tpu.memref_slice %arg10[%dma_wait3A_447, %dma_wait3A_453] : memref<3x96xi32, #tpu.memory_space<vmem>> -> memref<1x96xi32, #tpu.memory_space<vmem>>
    %dma_wait3A_455 = tpu.memref_squeeze %dma_wait3A_454 : memref<1x96xi32, #tpu.memory_space<vmem>> -> memref<96xi32, #tpu.memory_space<vmem>>
    %dma_wait3A_456 = arith.constant 0 : i32
    %dma_wait3A_457 = arith.constant 0 : i32
    %dma_wait3A_458 = tpu.memref_slice %arg6[%dma_wait3A_456, %dma_wait3A_457] : memref<10112x128xf32, #tpu.memory_space<vmem_shared>> -> memref<10112x128xf32, #tpu.memory_space<vmem_shared>>
    %dma_wait3A_459 = tpu.memref_slice %arg12[%dma_wait3A_448] : memref<3x!tpu.dma_semaphore, #tpu.memory_space<semaphore_mem>> -> memref<1x!tpu.dma_semaphore, #tpu.memory_space<semaphore_mem>>
    %dma_wait3A_460 = tpu.memref_squeeze %dma_wait3A_459 : memref<1x!tpu.dma_semaphore, #tpu.memory_space<semaphore_mem>> -> memref<!tpu.dma_semaphore, #tpu.memory_space<semaphore_mem>>
    tpu.wait_indirect_dma semaphore(%dma_wait3A_460 : memref<!tpu.dma_semaphore, #tpu.memory_space<semaphore_mem>>) src(%dma_wait3A_452 : memref<96x128xf32, #tpu.memory_space<vmem>>) dst(%dma_wait3A_458 : memref<10112x128xf32, #tpu.memory_space<vmem_shared>>)
    %dma_wait3A_461 = arith.constant 1 : i32
    %dma_wait3A_462 = arith.constant 1 : i32
    %dma_wait3A_463 = arith.constant 1 : i32
    %dma_wait3A_464 = arith.constant 0 : i32
    %dma_wait3A_465 = arith.constant 0 : i32
    %dma_wait3A_466 = tpu.memref_slice %arg7[%dma_wait3A_461, %dma_wait3A_464, %dma_wait3A_465] : memref<3x96x128xf32, #tpu.memory_space<vmem>> -> memref<1x96x128xf32, #tpu.memory_space<vmem>>
    %dma_wait3A_467 = tpu.memref_squeeze %dma_wait3A_466 : memref<1x96x128xf32, #tpu.memory_space<vmem>> -> memref<96x128xf32, #tpu.memory_space<vmem>>
    %dma_wait3A_468 = arith.constant 0 : i32
    %dma_wait3A_469 = tpu.memref_slice %arg10[%dma_wait3A_462, %dma_wait3A_468] : memref<3x96xi32, #tpu.memory_space<vmem>> -> memref<1x96xi32, #tpu.memory_space<vmem>>
    %dma_wait3A_470 = tpu.memref_squeeze %dma_wait3A_469 : memref<1x96xi32, #tpu.memory_space<vmem>> -> memref<96xi32, #tpu.memory_space<vmem>>
    %dma_wait3A_471 = arith.constant 0 : i32
    %dma_wait3A_472 = arith.constant 0 : i32
    %dma_wait3A_473 = tpu.memref_slice %arg6[%dma_wait3A_471, %dma_wait3A_472] : memref<10112x128xf32, #tpu.memory_space<vmem_shared>> -> memref<10112x128xf32, #tpu.memory_space<vmem_shared>>
    %dma_wait3A_474 = tpu.memref_slice %arg12[%dma_wait3A_463] : memref<3x!tpu.dma_semaphore, #tpu.memory_space<semaphore_mem>> -> memref<1x!tpu.dma_semaphore, #tpu.memory_space<semaphore_mem>>
    %dma_wait3A_475 = tpu.memref_squeeze %dma_wait3A_474 : memref<1x!tpu.dma_semaphore, #tpu.memory_space<semaphore_mem>> -> memref<!tpu.dma_semaphore, #tpu.memory_space<semaphore_mem>>
    tpu.wait_indirect_dma semaphore(%dma_wait3A_475 : memref<!tpu.dma_semaphore, #tpu.memory_space<semaphore_mem>>) src(%dma_wait3A_467 : memref<96x128xf32, #tpu.memory_space<vmem>>) dst(%dma_wait3A_473 : memref<10112x128xf32, #tpu.memory_space<vmem_shared>>)
    %dma_wait3A_476 = arith.constant 2 : i32
    %dma_wait3A_477 = arith.constant 2 : i32
    %dma_wait3A_478 = arith.constant 2 : i32
    %dma_wait3A_479 = arith.constant 0 : i32
    %dma_wait3A_480 = arith.constant 0 : i32
    %dma_wait3A_481 = tpu.memref_slice %arg7[%dma_wait3A_476, %dma_wait3A_479, %dma_wait3A_480] : memref<3x96x128xf32, #tpu.memory_space<vmem>> -> memref<1x96x128xf32, #tpu.memory_space<vmem>>
    %dma_wait3A_482 = tpu.memref_squeeze %dma_wait3A_481 : memref<1x96x128xf32, #tpu.memory_space<vmem>> -> memref<96x128xf32, #tpu.memory_space<vmem>>
    %dma_wait3A_483 = arith.constant 0 : i32
    %dma_wait3A_484 = tpu.memref_slice %arg10[%dma_wait3A_477, %dma_wait3A_483] : memref<3x96xi32, #tpu.memory_space<vmem>> -> memref<1x96xi32, #tpu.memory_space<vmem>>
    %dma_wait3A_485 = tpu.memref_squeeze %dma_wait3A_484 : memref<1x96xi32, #tpu.memory_space<vmem>> -> memref<96xi32, #tpu.memory_space<vmem>>
    %dma_wait3A_486 = arith.constant 0 : i32
    %dma_wait3A_487 = arith.constant 0 : i32
    %dma_wait3A_488 = tpu.memref_slice %arg6[%dma_wait3A_486, %dma_wait3A_487] : memref<10112x128xf32, #tpu.memory_space<vmem_shared>> -> memref<10112x128xf32, #tpu.memory_space<vmem_shared>>
    %dma_wait3A_489 = tpu.memref_slice %arg12[%dma_wait3A_478] : memref<3x!tpu.dma_semaphore, #tpu.memory_space<semaphore_mem>> -> memref<1x!tpu.dma_semaphore, #tpu.memory_space<semaphore_mem>>
    %dma_wait3A_490 = tpu.memref_squeeze %dma_wait3A_489 : memref<1x!tpu.dma_semaphore, #tpu.memory_space<semaphore_mem>> -> memref<!tpu.dma_semaphore, #tpu.memory_space<semaphore_mem>>
    tpu.wait_indirect_dma semaphore(%dma_wait3A_490 : memref<!tpu.dma_semaphore, #tpu.memory_space<semaphore_mem>>) src(%dma_wait3A_482 : memref<96x128xf32, #tpu.memory_space<vmem>>) dst(%dma_wait3A_488 : memref<10112x128xf32, #tpu.memory_space<vmem_shared>>)
    %barrier3A_491 = arith.constant 0 : index
    tpu.barrier barrier_id(%barrier3A_491)
    %add3A_492 = arith.constant 0 : i32
    %add3A_493 = arith.addi %mul3A_2, %add3A_492 : i32
    %run_scoped3A_494 = arith.constant 0 : i32
    "tpu.region"() ({
      %run_scoped3A_520 = tpu.sem_alloc : memref<!tpu.dma_semaphore, #tpu.memory_space<semaphore_mem>>
      %dma_start3A_521 = arith.constant 0 : i32
      %dma_start3A_522 = arith.constant 0 : i32
      %dma_start3A_523 = tpu.memref_slice %arg7[%run_scoped3A_494, %dma_start3A_521, %dma_start3A_522] : memref<3x96x128xf32, #tpu.memory_space<vmem>> -> memref<1x96x128xf32, #tpu.memory_space<vmem>>
      %dma_start3A_524 = tpu.memref_squeeze %dma_start3A_523 : memref<1x96x128xf32, #tpu.memory_space<vmem>> -> memref<96x128xf32, #tpu.memory_space<vmem>>
      %dma_start3A_525 = arith.constant 0 : i32
      %dma_start3A_526 = tpu.memref_slice %arg6[%add3A_493, %dma_start3A_525] : memref<10112x128xf32, #tpu.memory_space<vmem_shared>> -> memref<96x128xf32, #tpu.memory_space<vmem_shared>>
      %dma_start3A_527 = arith.constant 0 : i32
      %dma_start3A_528 = arith.constant 0 : i32
      %dma_start3A_529 = tpu.memref_slice %arg7[%run_scoped3A_494, %dma_start3A_527, %dma_start3A_528] : memref<3x96x128xf32, #tpu.memory_space<vmem>> -> memref<1x96x128xf32, #tpu.memory_space<vmem>>
      %dma_start3A_530 = tpu.memref_squeeze %dma_start3A_529 : memref<1x96x128xf32, #tpu.memory_space<vmem>> -> memref<96x128xf32, #tpu.memory_space<vmem>>
      %dma_start3A_531 = arith.constant 0 : i32
      %dma_start3A_532 = tpu.memref_slice %arg6[%add3A_493, %dma_start3A_531] : memref<10112x128xf32, #tpu.memory_space<vmem_shared>> -> memref<96x128xf32, #tpu.memory_space<vmem_shared>>
      tpu.enqueue_dma source(%dma_start3A_532 : memref<96x128xf32, #tpu.memory_space<vmem_shared>>) target(%dma_start3A_530 : memref<96x128xf32, #tpu.memory_space<vmem>>) target_semaphore(%run_scoped3A_520 : memref<!tpu.dma_semaphore, #tpu.memory_space<semaphore_mem>>)
      %dma_wait3A_533 = arith.constant 0 : i32
      %dma_wait3A_534 = arith.constant 0 : i32
      %dma_wait3A_535 = tpu.memref_slice %arg7[%run_scoped3A_494, %dma_wait3A_533, %dma_wait3A_534] : memref<3x96x128xf32, #tpu.memory_space<vmem>> -> memref<1x96x128xf32, #tpu.memory_space<vmem>>
      %dma_wait3A_536 = tpu.memref_squeeze %dma_wait3A_535 : memref<1x96x128xf32, #tpu.memory_space<vmem>> -> memref<96x128xf32, #tpu.memory_space<vmem>>
      %dma_wait3A_537 = arith.constant 0 : i32
      %dma_wait3A_538 = tpu.memref_slice %arg6[%add3A_493, %dma_wait3A_537] : memref<10112x128xf32, #tpu.memory_space<vmem_shared>> -> memref<96x128xf32, #tpu.memory_space<vmem_shared>>
      %dma_wait3A_539 = arith.constant 0 : i32
      %dma_wait3A_540 = arith.constant 0 : i32
      %dma_wait3A_541 = tpu.memref_slice %arg7[%run_scoped3A_494, %dma_wait3A_539, %dma_wait3A_540] : memref<3x96x128xf32, #tpu.memory_space<vmem>> -> memref<1x96x128xf32, #tpu.memory_space<vmem>>
      %dma_wait3A_542 = tpu.memref_squeeze %dma_wait3A_541 : memref<1x96x128xf32, #tpu.memory_space<vmem>> -> memref<96x128xf32, #tpu.memory_space<vmem>>
      %dma_wait3A_543 = arith.constant 0 : i32
      %dma_wait3A_544 = tpu.memref_slice %arg6[%add3A_493, %dma_wait3A_543] : memref<10112x128xf32, #tpu.memory_space<vmem_shared>> -> memref<96x128xf32, #tpu.memory_space<vmem_shared>>
      tpu.wait_dma2 semaphore(%run_scoped3A_520 : memref<!tpu.dma_semaphore, #tpu.memory_space<semaphore_mem>>) src(%dma_wait3A_544 : memref<96x128xf32, #tpu.memory_space<vmem_shared>>) dst(%dma_wait3A_542 : memref<96x128xf32, #tpu.memory_space<vmem>>)
      tpu.yield
    }) : () -> ()
    %run_scoped3A_495 = arith.constant 0 : i32
    "tpu.region"() ({
      %run_scoped3A_520 = tpu.sem_alloc : memref<!tpu.dma_semaphore, #tpu.memory_space<semaphore_mem>>
      %dma_start3A_521 = arith.constant 0 : i32
      %dma_start3A_522 = arith.constant 0 : i32
      %dma_start3A_523 = tpu.memref_slice %arg7[%run_scoped3A_495, %dma_start3A_521, %dma_start3A_522] : memref<3x96x128xf32, #tpu.memory_space<vmem>> -> memref<1x96x128xf32, #tpu.memory_space<vmem>>
      %dma_start3A_524 = tpu.memref_squeeze %dma_start3A_523 : memref<1x96x128xf32, #tpu.memory_space<vmem>> -> memref<96x128xf32, #tpu.memory_space<vmem>>
      %dma_start3A_525 = arith.constant 0 : i32
      %dma_start3A_526 = tpu.memref_slice %arg5[%arg0, %add3A_493, %dma_start3A_525] : memref<2x10112x128xf32, #tpu.memory_space<hbm>> -> memref<1x96x128xf32, #tpu.memory_space<hbm>>
      %dma_start3A_527 = tpu.memref_squeeze %dma_start3A_526 : memref<1x96x128xf32, #tpu.memory_space<hbm>> -> memref<96x128xf32, #tpu.memory_space<hbm>>
      %dma_start3A_528 = arith.constant 0 : i32
      %dma_start3A_529 = tpu.memref_slice %arg5[%arg0, %add3A_493, %dma_start3A_528] : memref<2x10112x128xf32, #tpu.memory_space<hbm>> -> memref<1x96x128xf32, #tpu.memory_space<hbm>>
      %dma_start3A_530 = tpu.memref_squeeze %dma_start3A_529 : memref<1x96x128xf32, #tpu.memory_space<hbm>> -> memref<96x128xf32, #tpu.memory_space<hbm>>
      %dma_start3A_531 = arith.constant 0 : i32
      %dma_start3A_532 = arith.constant 0 : i32
      %dma_start3A_533 = tpu.memref_slice %arg7[%run_scoped3A_495, %dma_start3A_531, %dma_start3A_532] : memref<3x96x128xf32, #tpu.memory_space<vmem>> -> memref<1x96x128xf32, #tpu.memory_space<vmem>>
      %dma_start3A_534 = tpu.memref_squeeze %dma_start3A_533 : memref<1x96x128xf32, #tpu.memory_space<vmem>> -> memref<96x128xf32, #tpu.memory_space<vmem>>
      tpu.enqueue_dma source(%dma_start3A_534 : memref<96x128xf32, #tpu.memory_space<vmem>>) target(%dma_start3A_530 : memref<96x128xf32, #tpu.memory_space<hbm>>) target_semaphore(%run_scoped3A_520 : memref<!tpu.dma_semaphore, #tpu.memory_space<semaphore_mem>>)
      %dma_wait3A_535 = arith.constant 0 : i32
      %dma_wait3A_536 = arith.constant 0 : i32
      %dma_wait3A_537 = tpu.memref_slice %arg7[%run_scoped3A_495, %dma_wait3A_535, %dma_wait3A_536] : memref<3x96x128xf32, #tpu.memory_space<vmem>> -> memref<1x96x128xf32, #tpu.memory_space<vmem>>
      %dma_wait3A_538 = tpu.memref_squeeze %dma_wait3A_537 : memref<1x96x128xf32, #tpu.memory_space<vmem>> -> memref<96x128xf32, #tpu.memory_space<vmem>>
      %dma_wait3A_539 = arith.constant 0 : i32
      %dma_wait3A_540 = tpu.memref_slice %arg5[%arg0, %add3A_493, %dma_wait3A_539] : memref<2x10112x128xf32, #tpu.memory_space<hbm>> -> memref<1x96x128xf32, #tpu.memory_space<hbm>>
      %dma_wait3A_541 = tpu.memref_squeeze %dma_wait3A_540 : memref<1x96x128xf32, #tpu.memory_space<hbm>> -> memref<96x128xf32, #tpu.memory_space<hbm>>
      %dma_wait3A_542 = arith.constant 0 : i32
      %dma_wait3A_543 = tpu.memref_slice %arg5[%arg0, %add3A_493, %dma_wait3A_542] : memref<2x10112x128xf32, #tpu.memory_space<hbm>> -> memref<1x96x128xf32, #tpu.memory_space<hbm>>
      %dma_wait3A_544 = tpu.memref_squeeze %dma_wait3A_543 : memref<1x96x128xf32, #tpu.memory_space<hbm>> -> memref<96x128xf32, #tpu.memory_space<hbm>>
      %dma_wait3A_545 = arith.constant 0 : i32
      %dma_wait3A_546 = arith.constant 0 : i32
      %dma_wait3A_547 = tpu.memref_slice %arg7[%run_scoped3A_495, %dma_wait3A_545, %dma_wait3A_546] : memref<3x96x128xf32, #tpu.memory_space<vmem>> -> memref<1x96x128xf32, #tpu.memory_space<vmem>>
      %dma_wait3A_548 = tpu.memref_squeeze %dma_wait3A_547 : memref<1x96x128xf32, #tpu.memory_space<vmem>> -> memref<96x128xf32, #tpu.memory_space<vmem>>
      tpu.wait_dma2 semaphore(%run_scoped3A_520 : memref<!tpu.dma_semaphore, #tpu.memory_space<semaphore_mem>>) src(%dma_wait3A_548 : memref<96x128xf32, #tpu.memory_space<vmem>>) dst(%dma_wait3A_544 : memref<96x128xf32, #tpu.memory_space<hbm>>)
      tpu.yield
    }) : () -> ()
    %add3A_496 = arith.constant 96 : i32
    %add3A_497 = arith.addi %mul3A_2, %add3A_496 : i32
    %run_scoped3A_498 = arith.constant 0 : i32
    "tpu.region"() ({
      %run_scoped3A_520 = tpu.sem_alloc : memref<!tpu.dma_semaphore, #tpu.memory_space<semaphore_mem>>
      %dma_start3A_521 = arith.constant 0 : i32
      %dma_start3A_522 = arith.constant 0 : i32
      %dma_start3A_523 = tpu.memref_slice %arg7[%run_scoped3A_498, %dma_start3A_521, %dma_start3A_522] : memref<3x96x128xf32, #tpu.memory_space<vmem>> -> memref<1x96x128xf32, #tpu.memory_space<vmem>>
      %dma_start3A_524 = tpu.memref_squeeze %dma_start3A_523 : memref<1x96x128xf32, #tpu.memory_space<vmem>> -> memref<96x128xf32, #tpu.memory_space<vmem>>
      %dma_start3A_525 = arith.constant 0 : i32
      %dma_start3A_526 = tpu.memref_slice %arg6[%add3A_497, %dma_start3A_525] : memref<10112x128xf32, #tpu.memory_space<vmem_shared>> -> memref<96x128xf32, #tpu.memory_space<vmem_shared>>
      %dma_start3A_527 = arith.constant 0 : i32
      %dma_start3A_528 = arith.constant 0 : i32
      %dma_start3A_529 = tpu.memref_slice %arg7[%run_scoped3A_498, %dma_start3A_527, %dma_start3A_528] : memref<3x96x128xf32, #tpu.memory_space<vmem>> -> memref<1x96x128xf32, #tpu.memory_space<vmem>>
      %dma_start3A_530 = tpu.memref_squeeze %dma_start3A_529 : memref<1x96x128xf32, #tpu.memory_space<vmem>> -> memref<96x128xf32, #tpu.memory_space<vmem>>
      %dma_start3A_531 = arith.constant 0 : i32
      %dma_start3A_532 = tpu.memref_slice %arg6[%add3A_497, %dma_start3A_531] : memref<10112x128xf32, #tpu.memory_space<vmem_shared>> -> memref<96x128xf32, #tpu.memory_space<vmem_shared>>
      tpu.enqueue_dma source(%dma_start3A_532 : memref<96x128xf32, #tpu.memory_space<vmem_shared>>) target(%dma_start3A_530 : memref<96x128xf32, #tpu.memory_space<vmem>>) target_semaphore(%run_scoped3A_520 : memref<!tpu.dma_semaphore, #tpu.memory_space<semaphore_mem>>)
      %dma_wait3A_533 = arith.constant 0 : i32
      %dma_wait3A_534 = arith.constant 0 : i32
      %dma_wait3A_535 = tpu.memref_slice %arg7[%run_scoped3A_498, %dma_wait3A_533, %dma_wait3A_534] : memref<3x96x128xf32, #tpu.memory_space<vmem>> -> memref<1x96x128xf32, #tpu.memory_space<vmem>>
      %dma_wait3A_536 = tpu.memref_squeeze %dma_wait3A_535 : memref<1x96x128xf32, #tpu.memory_space<vmem>> -> memref<96x128xf32, #tpu.memory_space<vmem>>
      %dma_wait3A_537 = arith.constant 0 : i32
      %dma_wait3A_538 = tpu.memref_slice %arg6[%add3A_497, %dma_wait3A_537] : memref<10112x128xf32, #tpu.memory_space<vmem_shared>> -> memref<96x128xf32, #tpu.memory_space<vmem_shared>>
      %dma_wait3A_539 = arith.constant 0 : i32
      %dma_wait3A_540 = arith.constant 0 : i32
      %dma_wait3A_541 = tpu.memref_slice %arg7[%run_scoped3A_498, %dma_wait3A_539, %dma_wait3A_540] : memref<3x96x128xf32, #tpu.memory_space<vmem>> -> memref<1x96x128xf32, #tpu.memory_space<vmem>>
      %dma_wait3A_542 = tpu.memref_squeeze %dma_wait3A_541 : memref<1x96x128xf32, #tpu.memory_space<vmem>> -> memref<96x128xf32, #tpu.memory_space<vmem>>
      %dma_wait3A_543 = arith.constant 0 : i32
      %dma_wait3A_544 = tpu.memref_slice %arg6[%add3A_497, %dma_wait3A_543] : memref<10112x128xf32, #tpu.memory_space<vmem_shared>> -> memref<96x128xf32, #tpu.memory_space<vmem_shared>>
      tpu.wait_dma2 semaphore(%run_scoped3A_520 : memref<!tpu.dma_semaphore, #tpu.memory_space<semaphore_mem>>) src(%dma_wait3A_544 : memref<96x128xf32, #tpu.memory_space<vmem_shared>>) dst(%dma_wait3A_542 : memref<96x128xf32, #tpu.memory_space<vmem>>)
      tpu.yield
    }) : () -> ()
    %run_scoped3A_499 = arith.constant 0 : i32
    "tpu.region"() ({
      %run_scoped3A_520 = tpu.sem_alloc : memref<!tpu.dma_semaphore, #tpu.memory_space<semaphore_mem>>
      %dma_start3A_521 = arith.constant 0 : i32
      %dma_start3A_522 = arith.constant 0 : i32
      %dma_start3A_523 = tpu.memref_slice %arg7[%run_scoped3A_499, %dma_start3A_521, %dma_start3A_522] : memref<3x96x128xf32, #tpu.memory_space<vmem>> -> memref<1x96x128xf32, #tpu.memory_space<vmem>>
      %dma_start3A_524 = tpu.memref_squeeze %dma_start3A_523 : memref<1x96x128xf32, #tpu.memory_space<vmem>> -> memref<96x128xf32, #tpu.memory_space<vmem>>
      %dma_start3A_525 = arith.constant 0 : i32
      %dma_start3A_526 = tpu.memref_slice %arg5[%arg0, %add3A_497, %dma_start3A_525] : memref<2x10112x128xf32, #tpu.memory_space<hbm>> -> memref<1x96x128xf32, #tpu.memory_space<hbm>>
      %dma_start3A_527 = tpu.memref_squeeze %dma_start3A_526 : memref<1x96x128xf32, #tpu.memory_space<hbm>> -> memref<96x128xf32, #tpu.memory_space<hbm>>
      %dma_start3A_528 = arith.constant 0 : i32
      %dma_start3A_529 = tpu.memref_slice %arg5[%arg0, %add3A_497, %dma_start3A_528] : memref<2x10112x128xf32, #tpu.memory_space<hbm>> -> memref<1x96x128xf32, #tpu.memory_space<hbm>>
      %dma_start3A_530 = tpu.memref_squeeze %dma_start3A_529 : memref<1x96x128xf32, #tpu.memory_space<hbm>> -> memref<96x128xf32, #tpu.memory_space<hbm>>
      %dma_start3A_531 = arith.constant 0 : i32
      %dma_start3A_532 = arith.constant 0 : i32
      %dma_start3A_533 = tpu.memref_slice %arg7[%run_scoped3A_499, %dma_start3A_531, %dma_start3A_532] : memref<3x96x128xf32, #tpu.memory_space<vmem>> -> memref<1x96x128xf32, #tpu.memory_space<vmem>>
      %dma_start3A_534 = tpu.memref_squeeze %dma_start3A_533 : memref<1x96x128xf32, #tpu.memory_space<vmem>> -> memref<96x128xf32, #tpu.memory_space<vmem>>
      tpu.enqueue_dma source(%dma_start3A_534 : memref<96x128xf32, #tpu.memory_space<vmem>>) target(%dma_start3A_530 : memref<96x128xf32, #tpu.memory_space<hbm>>) target_semaphore(%run_scoped3A_520 : memref<!tpu.dma_semaphore, #tpu.memory_space<semaphore_mem>>)
      %dma_wait3A_535 = arith.constant 0 : i32
      %dma_wait3A_536 = arith.constant 0 : i32
      %dma_wait3A_537 = tpu.memref_slice %arg7[%run_scoped3A_499, %dma_wait3A_535, %dma_wait3A_536] : memref<3x96x128xf32, #tpu.memory_space<vmem>> -> memref<1x96x128xf32, #tpu.memory_space<vmem>>
      %dma_wait3A_538 = tpu.memref_squeeze %dma_wait3A_537 : memref<1x96x128xf32, #tpu.memory_space<vmem>> -> memref<96x128xf32, #tpu.memory_space<vmem>>
      %dma_wait3A_539 = arith.constant 0 : i32
      %dma_wait3A_540 = tpu.memref_slice %arg5[%arg0, %add3A_497, %dma_wait3A_539] : memref<2x10112x128xf32, #tpu.memory_space<hbm>> -> memref<1x96x128xf32, #tpu.memory_space<hbm>>
      %dma_wait3A_541 = tpu.memref_squeeze %dma_wait3A_540 : memref<1x96x128xf32, #tpu.memory_space<hbm>> -> memref<96x128xf32, #tpu.memory_space<hbm>>
      %dma_wait3A_542 = arith.constant 0 : i32
      %dma_wait3A_543 = tpu.memref_slice %arg5[%arg0, %add3A_497, %dma_wait3A_542] : memref<2x10112x128xf32, #tpu.memory_space<hbm>> -> memref<1x96x128xf32, #tpu.memory_space<hbm>>
      %dma_wait3A_544 = tpu.memref_squeeze %dma_wait3A_543 : memref<1x96x128xf32, #tpu.memory_space<hbm>> -> memref<96x128xf32, #tpu.memory_space<hbm>>
      %dma_wait3A_545 = arith.constant 0 : i32
      %dma_wait3A_546 = arith.constant 0 : i32
      %dma_wait3A_547 = tpu.memref_slice %arg7[%run_scoped3A_499, %dma_wait3A_545, %dma_wait3A_546] : memref<3x96x128xf32, #tpu.memory_space<vmem>> -> memref<1x96x128xf32, #tpu.memory_space<vmem>>
      %dma_wait3A_548 = tpu.memref_squeeze %dma_wait3A_547 : memref<1x96x128xf32, #tpu.memory_space<vmem>> -> memref<96x128xf32, #tpu.memory_space<vmem>>
      tpu.wait_dma2 semaphore(%run_scoped3A_520 : memref<!tpu.dma_semaphore, #tpu.memory_space<semaphore_mem>>) src(%dma_wait3A_548 : memref<96x128xf32, #tpu.memory_space<vmem>>) dst(%dma_wait3A_544 : memref<96x128xf32, #tpu.memory_space<hbm>>)
      tpu.yield
    }) : () -> ()
    %add3A_500 = arith.constant 192 : i32
    %add3A_501 = arith.addi %mul3A_2, %add3A_500 : i32
    %run_scoped3A_502 = arith.constant 0 : i32
    "tpu.region"() ({
      %run_scoped3A_520 = tpu.sem_alloc : memref<!tpu.dma_semaphore, #tpu.memory_space<semaphore_mem>>
      %dma_start3A_521 = arith.constant 0 : i32
      %dma_start3A_522 = arith.constant 0 : i32
      %dma_start3A_523 = tpu.memref_slice %arg7[%run_scoped3A_502, %dma_start3A_521, %dma_start3A_522] : memref<3x96x128xf32, #tpu.memory_space<vmem>> -> memref<1x96x128xf32, #tpu.memory_space<vmem>>
      %dma_start3A_524 = tpu.memref_squeeze %dma_start3A_523 : memref<1x96x128xf32, #tpu.memory_space<vmem>> -> memref<96x128xf32, #tpu.memory_space<vmem>>
      %dma_start3A_525 = arith.constant 0 : i32
      %dma_start3A_526 = tpu.memref_slice %arg6[%add3A_501, %dma_start3A_525] : memref<10112x128xf32, #tpu.memory_space<vmem_shared>> -> memref<96x128xf32, #tpu.memory_space<vmem_shared>>
      %dma_start3A_527 = arith.constant 0 : i32
      %dma_start3A_528 = arith.constant 0 : i32
      %dma_start3A_529 = tpu.memref_slice %arg7[%run_scoped3A_502, %dma_start3A_527, %dma_start3A_528] : memref<3x96x128xf32, #tpu.memory_space<vmem>> -> memref<1x96x128xf32, #tpu.memory_space<vmem>>
      %dma_start3A_530 = tpu.memref_squeeze %dma_start3A_529 : memref<1x96x128xf32, #tpu.memory_space<vmem>> -> memref<96x128xf32, #tpu.memory_space<vmem>>
      %dma_start3A_531 = arith.constant 0 : i32
      %dma_start3A_532 = tpu.memref_slice %arg6[%add3A_501, %dma_start3A_531] : memref<10112x128xf32, #tpu.memory_space<vmem_shared>> -> memref<96x128xf32, #tpu.memory_space<vmem_shared>>
      tpu.enqueue_dma source(%dma_start3A_532 : memref<96x128xf32, #tpu.memory_space<vmem_shared>>) target(%dma_start3A_530 : memref<96x128xf32, #tpu.memory_space<vmem>>) target_semaphore(%run_scoped3A_520 : memref<!tpu.dma_semaphore, #tpu.memory_space<semaphore_mem>>)
      %dma_wait3A_533 = arith.constant 0 : i32
      %dma_wait3A_534 = arith.constant 0 : i32
      %dma_wait3A_535 = tpu.memref_slice %arg7[%run_scoped3A_502, %dma_wait3A_533, %dma_wait3A_534] : memref<3x96x128xf32, #tpu.memory_space<vmem>> -> memref<1x96x128xf32, #tpu.memory_space<vmem>>
      %dma_wait3A_536 = tpu.memref_squeeze %dma_wait3A_535 : memref<1x96x128xf32, #tpu.memory_space<vmem>> -> memref<96x128xf32, #tpu.memory_space<vmem>>
      %dma_wait3A_537 = arith.constant 0 : i32
      %dma_wait3A_538 = tpu.memref_slice %arg6[%add3A_501, %dma_wait3A_537] : memref<10112x128xf32, #tpu.memory_space<vmem_shared>> -> memref<96x128xf32, #tpu.memory_space<vmem_shared>>
      %dma_wait3A_539 = arith.constant 0 : i32
      %dma_wait3A_540 = arith.constant 0 : i32
      %dma_wait3A_541 = tpu.memref_slice %arg7[%run_scoped3A_502, %dma_wait3A_539, %dma_wait3A_540] : memref<3x96x128xf32, #tpu.memory_space<vmem>> -> memref<1x96x128xf32, #tpu.memory_space<vmem>>
      %dma_wait3A_542 = tpu.memref_squeeze %dma_wait3A_541 : memref<1x96x128xf32, #tpu.memory_space<vmem>> -> memref<96x128xf32, #tpu.memory_space<vmem>>
      %dma_wait3A_543 = arith.constant 0 : i32
      %dma_wait3A_544 = tpu.memref_slice %arg6[%add3A_501, %dma_wait3A_543] : memref<10112x128xf32, #tpu.memory_space<vmem_shared>> -> memref<96x128xf32, #tpu.memory_space<vmem_shared>>
      tpu.wait_dma2 semaphore(%run_scoped3A_520 : memref<!tpu.dma_semaphore, #tpu.memory_space<semaphore_mem>>) src(%dma_wait3A_544 : memref<96x128xf32, #tpu.memory_space<vmem_shared>>) dst(%dma_wait3A_542 : memref<96x128xf32, #tpu.memory_space<vmem>>)
      tpu.yield
    }) : () -> ()
    %run_scoped3A_503 = arith.constant 0 : i32
    "tpu.region"() ({
      %run_scoped3A_520 = tpu.sem_alloc : memref<!tpu.dma_semaphore, #tpu.memory_space<semaphore_mem>>
      %dma_start3A_521 = arith.constant 0 : i32
      %dma_start3A_522 = arith.constant 0 : i32
      %dma_start3A_523 = tpu.memref_slice %arg7[%run_scoped3A_503, %dma_start3A_521, %dma_start3A_522] : memref<3x96x128xf32, #tpu.memory_space<vmem>> -> memref<1x96x128xf32, #tpu.memory_space<vmem>>
      %dma_start3A_524 = tpu.memref_squeeze %dma_start3A_523 : memref<1x96x128xf32, #tpu.memory_space<vmem>> -> memref<96x128xf32, #tpu.memory_space<vmem>>
      %dma_start3A_525 = arith.constant 0 : i32
      %dma_start3A_526 = tpu.memref_slice %arg5[%arg0, %add3A_501, %dma_start3A_525] : memref<2x10112x128xf32, #tpu.memory_space<hbm>> -> memref<1x96x128xf32, #tpu.memory_space<hbm>>
      %dma_start3A_527 = tpu.memref_squeeze %dma_start3A_526 : memref<1x96x128xf32, #tpu.memory_space<hbm>> -> memref<96x128xf32, #tpu.memory_space<hbm>>
      %dma_start3A_528 = arith.constant 0 : i32
      %dma_start3A_529 = tpu.memref_slice %arg5[%arg0, %add3A_501, %dma_start3A_528] : memref<2x10112x128xf32, #tpu.memory_space<hbm>> -> memref<1x96x128xf32, #tpu.memory_space<hbm>>
      %dma_start3A_530 = tpu.memref_squeeze %dma_start3A_529 : memref<1x96x128xf32, #tpu.memory_space<hbm>> -> memref<96x128xf32, #tpu.memory_space<hbm>>
      %dma_start3A_531 = arith.constant 0 : i32
      %dma_start3A_532 = arith.constant 0 : i32
      %dma_start3A_533 = tpu.memref_slice %arg7[%run_scoped3A_503, %dma_start3A_531, %dma_start3A_532] : memref<3x96x128xf32, #tpu.memory_space<vmem>> -> memref<1x96x128xf32, #tpu.memory_space<vmem>>
      %dma_start3A_534 = tpu.memref_squeeze %dma_start3A_533 : memref<1x96x128xf32, #tpu.memory_space<vmem>> -> memref<96x128xf32, #tpu.memory_space<vmem>>
      tpu.enqueue_dma source(%dma_start3A_534 : memref<96x128xf32, #tpu.memory_space<vmem>>) target(%dma_start3A_530 : memref<96x128xf32, #tpu.memory_space<hbm>>) target_semaphore(%run_scoped3A_520 : memref<!tpu.dma_semaphore, #tpu.memory_space<semaphore_mem>>)
      %dma_wait3A_535 = arith.constant 0 : i32
      %dma_wait3A_536 = arith.constant 0 : i32
      %dma_wait3A_537 = tpu.memref_slice %arg7[%run_scoped3A_503, %dma_wait3A_535, %dma_wait3A_536] : memref<3x96x128xf32, #tpu.memory_space<vmem>> -> memref<1x96x128xf32, #tpu.memory_space<vmem>>
      %dma_wait3A_538 = tpu.memref_squeeze %dma_wait3A_537 : memref<1x96x128xf32, #tpu.memory_space<vmem>> -> memref<96x128xf32, #tpu.memory_space<vmem>>
      %dma_wait3A_539 = arith.constant 0 : i32
      %dma_wait3A_540 = tpu.memref_slice %arg5[%arg0, %add3A_501, %dma_wait3A_539] : memref<2x10112x128xf32, #tpu.memory_space<hbm>> -> memref<1x96x128xf32, #tpu.memory_space<hbm>>
      %dma_wait3A_541 = tpu.memref_squeeze %dma_wait3A_540 : memref<1x96x128xf32, #tpu.memory_space<hbm>> -> memref<96x128xf32, #tpu.memory_space<hbm>>
      %dma_wait3A_542 = arith.constant 0 : i32
      %dma_wait3A_543 = tpu.memref_slice %arg5[%arg0, %add3A_501, %dma_wait3A_542] : memref<2x10112x128xf32, #tpu.memory_space<hbm>> -> memref<1x96x128xf32, #tpu.memory_space<hbm>>
      %dma_wait3A_544 = tpu.memref_squeeze %dma_wait3A_543 : memref<1x96x128xf32, #tpu.memory_space<hbm>> -> memref<96x128xf32, #tpu.memory_space<hbm>>
      %dma_wait3A_545 = arith.constant 0 : i32
      %dma_wait3A_546 = arith.constant 0 : i32
      %dma_wait3A_547 = tpu.memref_slice %arg7[%run_scoped3A_503, %dma_wait3A_545, %dma_wait3A_546] : memref<3x96x128xf32, #tpu.memory_space<vmem>> -> memref<1x96x128xf32, #tpu.memory_space<vmem>>
      %dma_wait3A_548 = tpu.memref_squeeze %dma_wait3A_547 : memref<1x96x128xf32, #tpu.memory_space<vmem>> -> memref<96x128xf32, #tpu.memory_space<vmem>>
      tpu.wait_dma2 semaphore(%run_scoped3A_520 : memref<!tpu.dma_semaphore, #tpu.memory_space<semaphore_mem>>) src(%dma_wait3A_548 : memref<96x128xf32, #tpu.memory_space<vmem>>) dst(%dma_wait3A_544 : memref<96x128xf32, #tpu.memory_space<hbm>>)
      tpu.yield
    }) : () -> ()
    %add3A_504 = arith.constant 288 : i32
    %add3A_505 = arith.addi %mul3A_2, %add3A_504 : i32
    %run_scoped3A_506 = arith.constant 0 : i32
    "tpu.region"() ({
      %run_scoped3A_520 = tpu.sem_alloc : memref<!tpu.dma_semaphore, #tpu.memory_space<semaphore_mem>>
      %dma_start3A_521 = arith.constant 0 : i32
      %dma_start3A_522 = arith.constant 0 : i32
      %dma_start3A_523 = tpu.memref_slice %arg7[%run_scoped3A_506, %dma_start3A_521, %dma_start3A_522] : memref<3x96x128xf32, #tpu.memory_space<vmem>> -> memref<1x96x128xf32, #tpu.memory_space<vmem>>
      %dma_start3A_524 = tpu.memref_squeeze %dma_start3A_523 : memref<1x96x128xf32, #tpu.memory_space<vmem>> -> memref<96x128xf32, #tpu.memory_space<vmem>>
      %dma_start3A_525 = arith.constant 0 : i32
      %dma_start3A_526 = tpu.memref_slice %arg6[%add3A_505, %dma_start3A_525] : memref<10112x128xf32, #tpu.memory_space<vmem_shared>> -> memref<96x128xf32, #tpu.memory_space<vmem_shared>>
      %dma_start3A_527 = arith.constant 0 : i32
      %dma_start3A_528 = arith.constant 0 : i32
      %dma_start3A_529 = tpu.memref_slice %arg7[%run_scoped3A_506, %dma_start3A_527, %dma_start3A_528] : memref<3x96x128xf32, #tpu.memory_space<vmem>> -> memref<1x96x128xf32, #tpu.memory_space<vmem>>
      %dma_start3A_530 = tpu.memref_squeeze %dma_start3A_529 : memref<1x96x128xf32, #tpu.memory_space<vmem>> -> memref<96x128xf32, #tpu.memory_space<vmem>>
      %dma_start3A_531 = arith.constant 0 : i32
      %dma_start3A_532 = tpu.memref_slice %arg6[%add3A_505, %dma_start3A_531] : memref<10112x128xf32, #tpu.memory_space<vmem_shared>> -> memref<96x128xf32, #tpu.memory_space<vmem_shared>>
      tpu.enqueue_dma source(%dma_start3A_532 : memref<96x128xf32, #tpu.memory_space<vmem_shared>>) target(%dma_start3A_530 : memref<96x128xf32, #tpu.memory_space<vmem>>) target_semaphore(%run_scoped3A_520 : memref<!tpu.dma_semaphore, #tpu.memory_space<semaphore_mem>>)
      %dma_wait3A_533 = arith.constant 0 : i32
      %dma_wait3A_534 = arith.constant 0 : i32
      %dma_wait3A_535 = tpu.memref_slice %arg7[%run_scoped3A_506, %dma_wait3A_533, %dma_wait3A_534] : memref<3x96x128xf32, #tpu.memory_space<vmem>> -> memref<1x96x128xf32, #tpu.memory_space<vmem>>
      %dma_wait3A_536 = tpu.memref_squeeze %dma_wait3A_535 : memref<1x96x128xf32, #tpu.memory_space<vmem>> -> memref<96x128xf32, #tpu.memory_space<vmem>>
      %dma_wait3A_537 = arith.constant 0 : i32
      %dma_wait3A_538 = tpu.memref_slice %arg6[%add3A_505, %dma_wait3A_537] : memref<10112x128xf32, #tpu.memory_space<vmem_shared>> -> memref<96x128xf32, #tpu.memory_space<vmem_shared>>
      %dma_wait3A_539 = arith.constant 0 : i32
      %dma_wait3A_540 = arith.constant 0 : i32
      %dma_wait3A_541 = tpu.memref_slice %arg7[%run_scoped3A_506, %dma_wait3A_539, %dma_wait3A_540] : memref<3x96x128xf32, #tpu.memory_space<vmem>> -> memref<1x96x128xf32, #tpu.memory_space<vmem>>
      %dma_wait3A_542 = tpu.memref_squeeze %dma_wait3A_541 : memref<1x96x128xf32, #tpu.memory_space<vmem>> -> memref<96x128xf32, #tpu.memory_space<vmem>>
      %dma_wait3A_543 = arith.constant 0 : i32
      %dma_wait3A_544 = tpu.memref_slice %arg6[%add3A_505, %dma_wait3A_543] : memref<10112x128xf32, #tpu.memory_space<vmem_shared>> -> memref<96x128xf32, #tpu.memory_space<vmem_shared>>
      tpu.wait_dma2 semaphore(%run_scoped3A_520 : memref<!tpu.dma_semaphore, #tpu.memory_space<semaphore_mem>>) src(%dma_wait3A_544 : memref<96x128xf32, #tpu.memory_space<vmem_shared>>) dst(%dma_wait3A_542 : memref<96x128xf32, #tpu.memory_space<vmem>>)
      tpu.yield
    }) : () -> ()
    %run_scoped3A_507 = arith.constant 0 : i32
    "tpu.region"() ({
      %run_scoped3A_520 = tpu.sem_alloc : memref<!tpu.dma_semaphore, #tpu.memory_space<semaphore_mem>>
      %dma_start3A_521 = arith.constant 0 : i32
      %dma_start3A_522 = arith.constant 0 : i32
      %dma_start3A_523 = tpu.memref_slice %arg7[%run_scoped3A_507, %dma_start3A_521, %dma_start3A_522] : memref<3x96x128xf32, #tpu.memory_space<vmem>> -> memref<1x96x128xf32, #tpu.memory_space<vmem>>
      %dma_start3A_524 = tpu.memref_squeeze %dma_start3A_523 : memref<1x96x128xf32, #tpu.memory_space<vmem>> -> memref<96x128xf32, #tpu.memory_space<vmem>>
      %dma_start3A_525 = arith.constant 0 : i32
      %dma_start3A_526 = tpu.memref_slice %arg5[%arg0, %add3A_505, %dma_start3A_525] : memref<2x10112x128xf32, #tpu.memory_space<hbm>> -> memref<1x96x128xf32, #tpu.memory_space<hbm>>
      %dma_start3A_527 = tpu.memref_squeeze %dma_start3A_526 : memref<1x96x128xf32, #tpu.memory_space<hbm>> -> memref<96x128xf32, #tpu.memory_space<hbm>>
      %dma_start3A_528 = arith.constant 0 : i32
      %dma_start3A_529 = tpu.memref_slice %arg5[%arg0, %add3A_505, %dma_start3A_528] : memref<2x10112x128xf32, #tpu.memory_space<hbm>> -> memref<1x96x128xf32, #tpu.memory_space<hbm>>
      %dma_start3A_530 = tpu.memref_squeeze %dma_start3A_529 : memref<1x96x128xf32, #tpu.memory_space<hbm>> -> memref<96x128xf32, #tpu.memory_space<hbm>>
      %dma_start3A_531 = arith.constant 0 : i32
      %dma_start3A_532 = arith.constant 0 : i32
      %dma_start3A_533 = tpu.memref_slice %arg7[%run_scoped3A_507, %dma_start3A_531, %dma_start3A_532] : memref<3x96x128xf32, #tpu.memory_space<vmem>> -> memref<1x96x128xf32, #tpu.memory_space<vmem>>
      %dma_start3A_534 = tpu.memref_squeeze %dma_start3A_533 : memref<1x96x128xf32, #tpu.memory_space<vmem>> -> memref<96x128xf32, #tpu.memory_space<vmem>>
      tpu.enqueue_dma source(%dma_start3A_534 : memref<96x128xf32, #tpu.memory_space<vmem>>) target(%dma_start3A_530 : memref<96x128xf32, #tpu.memory_space<hbm>>) target_semaphore(%run_scoped3A_520 : memref<!tpu.dma_semaphore, #tpu.memory_space<semaphore_mem>>)
      %dma_wait3A_535 = arith.constant 0 : i32
      %dma_wait3A_536 = arith.constant 0 : i32
      %dma_wait3A_537 = tpu.memref_slice %arg7[%run_scoped3A_507, %dma_wait3A_535, %dma_wait3A_536] : memref<3x96x128xf32, #tpu.memory_space<vmem>> -> memref<1x96x128xf32, #tpu.memory_space<vmem>>
      %dma_wait3A_538 = tpu.memref_squeeze %dma_wait3A_537 : memref<1x96x128xf32, #tpu.memory_space<vmem>> -> memref<96x128xf32, #tpu.memory_space<vmem>>
      %dma_wait3A_539 = arith.constant 0 : i32
      %dma_wait3A_540 = tpu.memref_slice %arg5[%arg0, %add3A_505, %dma_wait3A_539] : memref<2x10112x128xf32, #tpu.memory_space<hbm>> -> memref<1x96x128xf32, #tpu.memory_space<hbm>>
      %dma_wait3A_541 = tpu.memref_squeeze %dma_wait3A_540 : memref<1x96x128xf32, #tpu.memory_space<hbm>> -> memref<96x128xf32, #tpu.memory_space<hbm>>
      %dma_wait3A_542 = arith.constant 0 : i32
      %dma_wait3A_543 = tpu.memref_slice %arg5[%arg0, %add3A_505, %dma_wait3A_542] : memref<2x10112x128xf32, #tpu.memory_space<hbm>> -> memref<1x96x128xf32, #tpu.memory_space<hbm>>
      %dma_wait3A_544 = tpu.memref_squeeze %dma_wait3A_543 : memref<1x96x128xf32, #tpu.memory_space<hbm>> -> memref<96x128xf32, #tpu.memory_space<hbm>>
      %dma_wait3A_545 = arith.constant 0 : i32
      %dma_wait3A_546 = arith.constant 0 : i32
      %dma_wait3A_547 = tpu.memref_slice %arg7[%run_scoped3A_507, %dma_wait3A_545, %dma_wait3A_546] : memref<3x96x128xf32, #tpu.memory_space<vmem>> -> memref<1x96x128xf32, #tpu.memory_space<vmem>>
      %dma_wait3A_548 = tpu.memref_squeeze %dma_wait3A_547 : memref<1x96x128xf32, #tpu.memory_space<vmem>> -> memref<96x128xf32, #tpu.memory_space<vmem>>
      tpu.wait_dma2 semaphore(%run_scoped3A_520 : memref<!tpu.dma_semaphore, #tpu.memory_space<semaphore_mem>>) src(%dma_wait3A_548 : memref<96x128xf32, #tpu.memory_space<vmem>>) dst(%dma_wait3A_544 : memref<96x128xf32, #tpu.memory_space<hbm>>)
      tpu.yield
    }) : () -> ()
    %add3A_508 = arith.constant 384 : i32
    %add3A_509 = arith.addi %mul3A_2, %add3A_508 : i32
    %run_scoped3A_510 = arith.constant 0 : i32
    "tpu.region"() ({
      %run_scoped3A_520 = tpu.sem_alloc : memref<!tpu.dma_semaphore, #tpu.memory_space<semaphore_mem>>
      %dma_start3A_521 = arith.constant 0 : i32
      %dma_start3A_522 = arith.constant 0 : i32
      %dma_start3A_523 = tpu.memref_slice %arg7[%run_scoped3A_510, %dma_start3A_521, %dma_start3A_522] : memref<3x96x128xf32, #tpu.memory_space<vmem>> -> memref<1x96x128xf32, #tpu.memory_space<vmem>>
      %dma_start3A_524 = tpu.memref_squeeze %dma_start3A_523 : memref<1x96x128xf32, #tpu.memory_space<vmem>> -> memref<96x128xf32, #tpu.memory_space<vmem>>
      %dma_start3A_525 = arith.constant 0 : i32
      %dma_start3A_526 = tpu.memref_slice %arg6[%add3A_509, %dma_start3A_525] : memref<10112x128xf32, #tpu.memory_space<vmem_shared>> -> memref<96x128xf32, #tpu.memory_space<vmem_shared>>
      %dma_start3A_527 = arith.constant 0 : i32
      %dma_start3A_528 = arith.constant 0 : i32
      %dma_start3A_529 = tpu.memref_slice %arg7[%run_scoped3A_510, %dma_start3A_527, %dma_start3A_528] : memref<3x96x128xf32, #tpu.memory_space<vmem>> -> memref<1x96x128xf32, #tpu.memory_space<vmem>>
      %dma_start3A_530 = tpu.memref_squeeze %dma_start3A_529 : memref<1x96x128xf32, #tpu.memory_space<vmem>> -> memref<96x128xf32, #tpu.memory_space<vmem>>
      %dma_start3A_531 = arith.constant 0 : i32
      %dma_start3A_532 = tpu.memref_slice %arg6[%add3A_509, %dma_start3A_531] : memref<10112x128xf32, #tpu.memory_space<vmem_shared>> -> memref<96x128xf32, #tpu.memory_space<vmem_shared>>
      tpu.enqueue_dma source(%dma_start3A_532 : memref<96x128xf32, #tpu.memory_space<vmem_shared>>) target(%dma_start3A_530 : memref<96x128xf32, #tpu.memory_space<vmem>>) target_semaphore(%run_scoped3A_520 : memref<!tpu.dma_semaphore, #tpu.memory_space<semaphore_mem>>)
      %dma_wait3A_533 = arith.constant 0 : i32
      %dma_wait3A_534 = arith.constant 0 : i32
      %dma_wait3A_535 = tpu.memref_slice %arg7[%run_scoped3A_510, %dma_wait3A_533, %dma_wait3A_534] : memref<3x96x128xf32, #tpu.memory_space<vmem>> -> memref<1x96x128xf32, #tpu.memory_space<vmem>>
      %dma_wait3A_536 = tpu.memref_squeeze %dma_wait3A_535 : memref<1x96x128xf32, #tpu.memory_space<vmem>> -> memref<96x128xf32, #tpu.memory_space<vmem>>
      %dma_wait3A_537 = arith.constant 0 : i32
      %dma_wait3A_538 = tpu.memref_slice %arg6[%add3A_509, %dma_wait3A_537] : memref<10112x128xf32, #tpu.memory_space<vmem_shared>> -> memref<96x128xf32, #tpu.memory_space<vmem_shared>>
      %dma_wait3A_539 = arith.constant 0 : i32
      %dma_wait3A_540 = arith.constant 0 : i32
      %dma_wait3A_541 = tpu.memref_slice %arg7[%run_scoped3A_510, %dma_wait3A_539, %dma_wait3A_540] : memref<3x96x128xf32, #tpu.memory_space<vmem>> -> memref<1x96x128xf32, #tpu.memory_space<vmem>>
      %dma_wait3A_542 = tpu.memref_squeeze %dma_wait3A_541 : memref<1x96x128xf32, #tpu.memory_space<vmem>> -> memref<96x128xf32, #tpu.memory_space<vmem>>
      %dma_wait3A_543 = arith.constant 0 : i32
      %dma_wait3A_544 = tpu.memref_slice %arg6[%add3A_509, %dma_wait3A_543] : memref<10112x128xf32, #tpu.memory_space<vmem_shared>> -> memref<96x128xf32, #tpu.memory_space<vmem_shared>>
      tpu.wait_dma2 semaphore(%run_scoped3A_520 : memref<!tpu.dma_semaphore, #tpu.memory_space<semaphore_mem>>) src(%dma_wait3A_544 : memref<96x128xf32, #tpu.memory_space<vmem_shared>>) dst(%dma_wait3A_542 : memref<96x128xf32, #tpu.memory_space<vmem>>)
      tpu.yield
    }) : () -> ()
    %run_scoped3A_511 = arith.constant 0 : i32
    "tpu.region"() ({
      %run_scoped3A_520 = tpu.sem_alloc : memref<!tpu.dma_semaphore, #tpu.memory_space<semaphore_mem>>
      %dma_start3A_521 = arith.constant 0 : i32
      %dma_start3A_522 = arith.constant 0 : i32
      %dma_start3A_523 = tpu.memref_slice %arg7[%run_scoped3A_511, %dma_start3A_521, %dma_start3A_522] : memref<3x96x128xf32, #tpu.memory_space<vmem>> -> memref<1x96x128xf32, #tpu.memory_space<vmem>>
      %dma_start3A_524 = tpu.memref_squeeze %dma_start3A_523 : memref<1x96x128xf32, #tpu.memory_space<vmem>> -> memref<96x128xf32, #tpu.memory_space<vmem>>
      %dma_start3A_525 = arith.constant 0 : i32
      %dma_start3A_526 = tpu.memref_slice %arg5[%arg0, %add3A_509, %dma_start3A_525] : memref<2x10112x128xf32, #tpu.memory_space<hbm>> -> memref<1x96x128xf32, #tpu.memory_space<hbm>>
      %dma_start3A_527 = tpu.memref_squeeze %dma_start3A_526 : memref<1x96x128xf32, #tpu.memory_space<hbm>> -> memref<96x128xf32, #tpu.memory_space<hbm>>
      %dma_start3A_528 = arith.constant 0 : i32
      %dma_start3A_529 = tpu.memref_slice %arg5[%arg0, %add3A_509, %dma_start3A_528] : memref<2x10112x128xf32, #tpu.memory_space<hbm>> -> memref<1x96x128xf32, #tpu.memory_space<hbm>>
      %dma_start3A_530 = tpu.memref_squeeze %dma_start3A_529 : memref<1x96x128xf32, #tpu.memory_space<hbm>> -> memref<96x128xf32, #tpu.memory_space<hbm>>
      %dma_start3A_531 = arith.constant 0 : i32
      %dma_start3A_532 = arith.constant 0 : i32
      %dma_start3A_533 = tpu.memref_slice %arg7[%run_scoped3A_511, %dma_start3A_531, %dma_start3A_532] : memref<3x96x128xf32, #tpu.memory_space<vmem>> -> memref<1x96x128xf32, #tpu.memory_space<vmem>>
      %dma_start3A_534 = tpu.memref_squeeze %dma_start3A_533 : memref<1x96x128xf32, #tpu.memory_space<vmem>> -> memref<96x128xf32, #tpu.memory_space<vmem>>
      tpu.enqueue_dma source(%dma_start3A_534 : memref<96x128xf32, #tpu.memory_space<vmem>>) target(%dma_start3A_530 : memref<96x128xf32, #tpu.memory_space<hbm>>) target_semaphore(%run_scoped3A_520 : memref<!tpu.dma_semaphore, #tpu.memory_space<semaphore_mem>>)
      %dma_wait3A_535 = arith.constant 0 : i32
      %dma_wait3A_536 = arith.constant 0 : i32
      %dma_wait3A_537 = tpu.memref_slice %arg7[%run_scoped3A_511, %dma_wait3A_535, %dma_wait3A_536] : memref<3x96x128xf32, #tpu.memory_space<vmem>> -> memref<1x96x128xf32, #tpu.memory_space<vmem>>
      %dma_wait3A_538 = tpu.memref_squeeze %dma_wait3A_537 : memref<1x96x128xf32, #tpu.memory_space<vmem>> -> memref<96x128xf32, #tpu.memory_space<vmem>>
      %dma_wait3A_539 = arith.constant 0 : i32
      %dma_wait3A_540 = tpu.memref_slice %arg5[%arg0, %add3A_509, %dma_wait3A_539] : memref<2x10112x128xf32, #tpu.memory_space<hbm>> -> memref<1x96x128xf32, #tpu.memory_space<hbm>>
      %dma_wait3A_541 = tpu.memref_squeeze %dma_wait3A_540 : memref<1x96x128xf32, #tpu.memory_space<hbm>> -> memref<96x128xf32, #tpu.memory_space<hbm>>
      %dma_wait3A_542 = arith.constant 0 : i32
      %dma_wait3A_543 = tpu.memref_slice %arg5[%arg0, %add3A_509, %dma_wait3A_542] : memref<2x10112x128xf32, #tpu.memory_space<hbm>> -> memref<1x96x128xf32, #tpu.memory_space<hbm>>
      %dma_wait3A_544 = tpu.memref_squeeze %dma_wait3A_543 : memref<1x96x128xf32, #tpu.memory_space<hbm>> -> memref<96x128xf32, #tpu.memory_space<hbm>>
      %dma_wait3A_545 = arith.constant 0 : i32
      %dma_wait3A_546 = arith.constant 0 : i32
      %dma_wait3A_547 = tpu.memref_slice %arg7[%run_scoped3A_511, %dma_wait3A_545, %dma_wait3A_546] : memref<3x96x128xf32, #tpu.memory_space<vmem>> -> memref<1x96x128xf32, #tpu.memory_space<vmem>>
      %dma_wait3A_548 = tpu.memref_squeeze %dma_wait3A_547 : memref<1x96x128xf32, #tpu.memory_space<vmem>> -> memref<96x128xf32, #tpu.memory_space<vmem>>
      tpu.wait_dma2 semaphore(%run_scoped3A_520 : memref<!tpu.dma_semaphore, #tpu.memory_space<semaphore_mem>>) src(%dma_wait3A_548 : memref<96x128xf32, #tpu.memory_space<vmem>>) dst(%dma_wait3A_544 : memref<96x128xf32, #tpu.memory_space<hbm>>)
      tpu.yield
    }) : () -> ()
    %add3A_512 = arith.constant 480 : i32
    %add3A_513 = arith.addi %mul3A_2, %add3A_512 : i32
    %run_scoped3A_514 = arith.constant 0 : i32
    "tpu.region"() ({
      %run_scoped3A_520 = tpu.sem_alloc : memref<!tpu.dma_semaphore, #tpu.memory_space<semaphore_mem>>
      %dma_start3A_521 = arith.constant 0 : i32
      %dma_start3A_522 = arith.constant 0 : i32
      %dma_start3A_523 = tpu.memref_slice %arg7[%run_scoped3A_514, %dma_start3A_521, %dma_start3A_522] : memref<3x96x128xf32, #tpu.memory_space<vmem>> -> memref<1x96x128xf32, #tpu.memory_space<vmem>>
      %dma_start3A_524 = tpu.memref_squeeze %dma_start3A_523 : memref<1x96x128xf32, #tpu.memory_space<vmem>> -> memref<96x128xf32, #tpu.memory_space<vmem>>
      %dma_start3A_525 = arith.constant 0 : i32
      %dma_start3A_526 = tpu.memref_slice %arg6[%add3A_513, %dma_start3A_525] : memref<10112x128xf32, #tpu.memory_space<vmem_shared>> -> memref<96x128xf32, #tpu.memory_space<vmem_shared>>
      %dma_start3A_527 = arith.constant 0 : i32
      %dma_start3A_528 = arith.constant 0 : i32
      %dma_start3A_529 = tpu.memref_slice %arg7[%run_scoped3A_514, %dma_start3A_527, %dma_start3A_528] : memref<3x96x128xf32, #tpu.memory_space<vmem>> -> memref<1x96x128xf32, #tpu.memory_space<vmem>>
      %dma_start3A_530 = tpu.memref_squeeze %dma_start3A_529 : memref<1x96x128xf32, #tpu.memory_space<vmem>> -> memref<96x128xf32, #tpu.memory_space<vmem>>
      %dma_start3A_531 = arith.constant 0 : i32
      %dma_start3A_532 = tpu.memref_slice %arg6[%add3A_513, %dma_start3A_531] : memref<10112x128xf32, #tpu.memory_space<vmem_shared>> -> memref<96x128xf32, #tpu.memory_space<vmem_shared>>
      tpu.enqueue_dma source(%dma_start3A_532 : memref<96x128xf32, #tpu.memory_space<vmem_shared>>) target(%dma_start3A_530 : memref<96x128xf32, #tpu.memory_space<vmem>>) target_semaphore(%run_scoped3A_520 : memref<!tpu.dma_semaphore, #tpu.memory_space<semaphore_mem>>)
      %dma_wait3A_533 = arith.constant 0 : i32
      %dma_wait3A_534 = arith.constant 0 : i32
      %dma_wait3A_535 = tpu.memref_slice %arg7[%run_scoped3A_514, %dma_wait3A_533, %dma_wait3A_534] : memref<3x96x128xf32, #tpu.memory_space<vmem>> -> memref<1x96x128xf32, #tpu.memory_space<vmem>>
      %dma_wait3A_536 = tpu.memref_squeeze %dma_wait3A_535 : memref<1x96x128xf32, #tpu.memory_space<vmem>> -> memref<96x128xf32, #tpu.memory_space<vmem>>
      %dma_wait3A_537 = arith.constant 0 : i32
      %dma_wait3A_538 = tpu.memref_slice %arg6[%add3A_513, %dma_wait3A_537] : memref<10112x128xf32, #tpu.memory_space<vmem_shared>> -> memref<96x128xf32, #tpu.memory_space<vmem_shared>>
      %dma_wait3A_539 = arith.constant 0 : i32
      %dma_wait3A_540 = arith.constant 0 : i32
      %dma_wait3A_541 = tpu.memref_slice %arg7[%run_scoped3A_514, %dma_wait3A_539, %dma_wait3A_540] : memref<3x96x128xf32, #tpu.memory_space<vmem>> -> memref<1x96x128xf32, #tpu.memory_space<vmem>>
      %dma_wait3A_542 = tpu.memref_squeeze %dma_wait3A_541 : memref<1x96x128xf32, #tpu.memory_space<vmem>> -> memref<96x128xf32, #tpu.memory_space<vmem>>
      %dma_wait3A_543 = arith.constant 0 : i32
      %dma_wait3A_544 = tpu.memref_slice %arg6[%add3A_513, %dma_wait3A_543] : memref<10112x128xf32, #tpu.memory_space<vmem_shared>> -> memref<96x128xf32, #tpu.memory_space<vmem_shared>>
      tpu.wait_dma2 semaphore(%run_scoped3A_520 : memref<!tpu.dma_semaphore, #tpu.memory_space<semaphore_mem>>) src(%dma_wait3A_544 : memref<96x128xf32, #tpu.memory_space<vmem_shared>>) dst(%dma_wait3A_542 : memref<96x128xf32, #tpu.memory_space<vmem>>)
      tpu.yield
    }) : () -> ()
    %run_scoped3A_515 = arith.constant 0 : i32
    "tpu.region"() ({
      %run_scoped3A_520 = tpu.sem_alloc : memref<!tpu.dma_semaphore, #tpu.memory_space<semaphore_mem>>
      %dma_start3A_521 = arith.constant 0 : i32
      %dma_start3A_522 = arith.constant 0 : i32
      %dma_start3A_523 = tpu.memref_slice %arg7[%run_scoped3A_515, %dma_start3A_521, %dma_start3A_522] : memref<3x96x128xf32, #tpu.memory_space<vmem>> -> memref<1x96x128xf32, #tpu.memory_space<vmem>>
      %dma_start3A_524 = tpu.memref_squeeze %dma_start3A_523 : memref<1x96x128xf32, #tpu.memory_space<vmem>> -> memref<96x128xf32, #tpu.memory_space<vmem>>
      %dma_start3A_525 = arith.constant 0 : i32
      %dma_start3A_526 = tpu.memref_slice %arg5[%arg0, %add3A_513, %dma_start3A_525] : memref<2x10112x128xf32, #tpu.memory_space<hbm>> -> memref<1x96x128xf32, #tpu.memory_space<hbm>>
      %dma_start3A_527 = tpu.memref_squeeze %dma_start3A_526 : memref<1x96x128xf32, #tpu.memory_space<hbm>> -> memref<96x128xf32, #tpu.memory_space<hbm>>
      %dma_start3A_528 = arith.constant 0 : i32
      %dma_start3A_529 = tpu.memref_slice %arg5[%arg0, %add3A_513, %dma_start3A_528] : memref<2x10112x128xf32, #tpu.memory_space<hbm>> -> memref<1x96x128xf32, #tpu.memory_space<hbm>>
      %dma_start3A_530 = tpu.memref_squeeze %dma_start3A_529 : memref<1x96x128xf32, #tpu.memory_space<hbm>> -> memref<96x128xf32, #tpu.memory_space<hbm>>
      %dma_start3A_531 = arith.constant 0 : i32
      %dma_start3A_532 = arith.constant 0 : i32
      %dma_start3A_533 = tpu.memref_slice %arg7[%run_scoped3A_515, %dma_start3A_531, %dma_start3A_532] : memref<3x96x128xf32, #tpu.memory_space<vmem>> -> memref<1x96x128xf32, #tpu.memory_space<vmem>>
      %dma_start3A_534 = tpu.memref_squeeze %dma_start3A_533 : memref<1x96x128xf32, #tpu.memory_space<vmem>> -> memref<96x128xf32, #tpu.memory_space<vmem>>
      tpu.enqueue_dma source(%dma_start3A_534 : memref<96x128xf32, #tpu.memory_space<vmem>>) target(%dma_start3A_530 : memref<96x128xf32, #tpu.memory_space<hbm>>) target_semaphore(%run_scoped3A_520 : memref<!tpu.dma_semaphore, #tpu.memory_space<semaphore_mem>>)
      %dma_wait3A_535 = arith.constant 0 : i32
      %dma_wait3A_536 = arith.constant 0 : i32
      %dma_wait3A_537 = tpu.memref_slice %arg7[%run_scoped3A_515, %dma_wait3A_535, %dma_wait3A_536] : memref<3x96x128xf32, #tpu.memory_space<vmem>> -> memref<1x96x128xf32, #tpu.memory_space<vmem>>
      %dma_wait3A_538 = tpu.memref_squeeze %dma_wait3A_537 : memref<1x96x128xf32, #tpu.memory_space<vmem>> -> memref<96x128xf32, #tpu.memory_space<vmem>>
      %dma_wait3A_539 = arith.constant 0 : i32
      %dma_wait3A_540 = tpu.memref_slice %arg5[%arg0, %add3A_513, %dma_wait3A_539] : memref<2x10112x128xf32, #tpu.memory_space<hbm>> -> memref<1x96x128xf32, #tpu.memory_space<hbm>>
      %dma_wait3A_541 = tpu.memref_squeeze %dma_wait3A_540 : memref<1x96x128xf32, #tpu.memory_space<hbm>> -> memref<96x128xf32, #tpu.memory_space<hbm>>
      %dma_wait3A_542 = arith.constant 0 : i32
      %dma_wait3A_543 = tpu.memref_slice %arg5[%arg0, %add3A_513, %dma_wait3A_542] : memref<2x10112x128xf32, #tpu.memory_space<hbm>> -> memref<1x96x128xf32, #tpu.memory_space<hbm>>
      %dma_wait3A_544 = tpu.memref_squeeze %dma_wait3A_543 : memref<1x96x128xf32, #tpu.memory_space<hbm>> -> memref<96x128xf32, #tpu.memory_space<hbm>>
      %dma_wait3A_545 = arith.constant 0 : i32
      %dma_wait3A_546 = arith.constant 0 : i32
      %dma_wait3A_547 = tpu.memref_slice %arg7[%run_scoped3A_515, %dma_wait3A_545, %dma_wait3A_546] : memref<3x96x128xf32, #tpu.memory_space<vmem>> -> memref<1x96x128xf32, #tpu.memory_space<vmem>>
      %dma_wait3A_548 = tpu.memref_squeeze %dma_wait3A_547 : memref<1x96x128xf32, #tpu.memory_space<vmem>> -> memref<96x128xf32, #tpu.memory_space<vmem>>
      tpu.wait_dma2 semaphore(%run_scoped3A_520 : memref<!tpu.dma_semaphore, #tpu.memory_space<semaphore_mem>>) src(%dma_wait3A_548 : memref<96x128xf32, #tpu.memory_space<vmem>>) dst(%dma_wait3A_544 : memref<96x128xf32, #tpu.memory_space<hbm>>)
      tpu.yield
    }) : () -> ()
    %add3A_516 = arith.constant 576 : i32
    %add3A_517 = arith.addi %mul3A_2, %add3A_516 : i32
    %run_scoped3A_518 = arith.constant 0 : i32
    "tpu.region"() ({
      %run_scoped3A_520 = tpu.sem_alloc : memref<!tpu.dma_semaphore, #tpu.memory_space<semaphore_mem>>
      %dma_start3A_521 = arith.constant 0 : i32
      %dma_start3A_522 = arith.constant 0 : i32
      %dma_start3A_523 = tpu.memref_slice %arg7[%run_scoped3A_518, %dma_start3A_521, %dma_start3A_522] : memref<3x96x128xf32, #tpu.memory_space<vmem>> -> memref<1x56x128xf32, #tpu.memory_space<vmem>>
      %dma_start3A_524 = tpu.memref_squeeze %dma_start3A_523 : memref<1x56x128xf32, #tpu.memory_space<vmem>> -> memref<56x128xf32, #tpu.memory_space<vmem>>
      %dma_start3A_525 = arith.constant 0 : i32
      %dma_start3A_526 = tpu.memref_slice %arg6[%add3A_517, %dma_start3A_525] : memref<10112x128xf32, #tpu.memory_space<vmem_shared>> -> memref<56x128xf32, #tpu.memory_space<vmem_shared>>
      %dma_start3A_527 = arith.constant 0 : i32
      %dma_start3A_528 = arith.constant 0 : i32
      %dma_start3A_529 = tpu.memref_slice %arg7[%run_scoped3A_518, %dma_start3A_527, %dma_start3A_528] : memref<3x96x128xf32, #tpu.memory_space<vmem>> -> memref<1x56x128xf32, #tpu.memory_space<vmem>>
      %dma_start3A_530 = tpu.memref_squeeze %dma_start3A_529 : memref<1x56x128xf32, #tpu.memory_space<vmem>> -> memref<56x128xf32, #tpu.memory_space<vmem>>
      %dma_start3A_531 = arith.constant 0 : i32
      %dma_start3A_532 = tpu.memref_slice %arg6[%add3A_517, %dma_start3A_531] : memref<10112x128xf32, #tpu.memory_space<vmem_shared>> -> memref<56x128xf32, #tpu.memory_space<vmem_shared>>
      tpu.enqueue_dma source(%dma_start3A_532 : memref<56x128xf32, #tpu.memory_space<vmem_shared>>) target(%dma_start3A_530 : memref<56x128xf32, #tpu.memory_space<vmem>>) target_semaphore(%run_scoped3A_520 : memref<!tpu.dma_semaphore, #tpu.memory_space<semaphore_mem>>)
      %dma_wait3A_533 = arith.constant 0 : i32
      %dma_wait3A_534 = arith.constant 0 : i32
      %dma_wait3A_535 = tpu.memref_slice %arg7[%run_scoped3A_518, %dma_wait3A_533, %dma_wait3A_534] : memref<3x96x128xf32, #tpu.memory_space<vmem>> -> memref<1x56x128xf32, #tpu.memory_space<vmem>>
      %dma_wait3A_536 = tpu.memref_squeeze %dma_wait3A_535 : memref<1x56x128xf32, #tpu.memory_space<vmem>> -> memref<56x128xf32, #tpu.memory_space<vmem>>
      %dma_wait3A_537 = arith.constant 0 : i32
      %dma_wait3A_538 = tpu.memref_slice %arg6[%add3A_517, %dma_wait3A_537] : memref<10112x128xf32, #tpu.memory_space<vmem_shared>> -> memref<56x128xf32, #tpu.memory_space<vmem_shared>>
      %dma_wait3A_539 = arith.constant 0 : i32
      %dma_wait3A_540 = arith.constant 0 : i32
      %dma_wait3A_541 = tpu.memref_slice %arg7[%run_scoped3A_518, %dma_wait3A_539, %dma_wait3A_540] : memref<3x96x128xf32, #tpu.memory_space<vmem>> -> memref<1x56x128xf32, #tpu.memory_space<vmem>>
      %dma_wait3A_542 = tpu.memref_squeeze %dma_wait3A_541 : memref<1x56x128xf32, #tpu.memory_space<vmem>> -> memref<56x128xf32, #tpu.memory_space<vmem>>
      %dma_wait3A_543 = arith.constant 0 : i32
      %dma_wait3A_544 = tpu.memref_slice %arg6[%add3A_517, %dma_wait3A_543] : memref<10112x128xf32, #tpu.memory_space<vmem_shared>> -> memref<56x128xf32, #tpu.memory_space<vmem_shared>>
      tpu.wait_dma2 semaphore(%run_scoped3A_520 : memref<!tpu.dma_semaphore, #tpu.memory_space<semaphore_mem>>) src(%dma_wait3A_544 : memref<56x128xf32, #tpu.memory_space<vmem_shared>>) dst(%dma_wait3A_542 : memref<56x128xf32, #tpu.memory_space<vmem>>)
      tpu.yield
    }) : () -> ()
    %run_scoped3A_519 = arith.constant 0 : i32
    "tpu.region"() ({
      %run_scoped3A_520 = tpu.sem_alloc : memref<!tpu.dma_semaphore, #tpu.memory_space<semaphore_mem>>
      %dma_start3A_521 = arith.constant 0 : i32
      %dma_start3A_522 = arith.constant 0 : i32
      %dma_start3A_523 = tpu.memref_slice %arg7[%run_scoped3A_519, %dma_start3A_521, %dma_start3A_522] : memref<3x96x128xf32, #tpu.memory_space<vmem>> -> memref<1x56x128xf32, #tpu.memory_space<vmem>>
      %dma_start3A_524 = tpu.memref_squeeze %dma_start3A_523 : memref<1x56x128xf32, #tpu.memory_space<vmem>> -> memref<56x128xf32, #tpu.memory_space<vmem>>
      %dma_start3A_525 = arith.constant 0 : i32
      %dma_start3A_526 = tpu.memref_slice %arg5[%arg0, %add3A_517, %dma_start3A_525] : memref<2x10112x128xf32, #tpu.memory_space<hbm>> -> memref<1x56x128xf32, #tpu.memory_space<hbm>>
      %dma_start3A_527 = tpu.memref_squeeze %dma_start3A_526 : memref<1x56x128xf32, #tpu.memory_space<hbm>> -> memref<56x128xf32, #tpu.memory_space<hbm>>
      %dma_start3A_528 = arith.constant 0 : i32
      %dma_start3A_529 = tpu.memref_slice %arg5[%arg0, %add3A_517, %dma_start3A_528] : memref<2x10112x128xf32, #tpu.memory_space<hbm>> -> memref<1x56x128xf32, #tpu.memory_space<hbm>>
      %dma_start3A_530 = tpu.memref_squeeze %dma_start3A_529 : memref<1x56x128xf32, #tpu.memory_space<hbm>> -> memref<56x128xf32, #tpu.memory_space<hbm>>
      %dma_start3A_531 = arith.constant 0 : i32
      %dma_start3A_532 = arith.constant 0 : i32
      %dma_start3A_533 = tpu.memref_slice %arg7[%run_scoped3A_519, %dma_start3A_531, %dma_start3A_532] : memref<3x96x128xf32, #tpu.memory_space<vmem>> -> memref<1x56x128xf32, #tpu.memory_space<vmem>>
      %dma_start3A_534 = tpu.memref_squeeze %dma_start3A_533 : memref<1x56x128xf32, #tpu.memory_space<vmem>> -> memref<56x128xf32, #tpu.memory_space<vmem>>
      tpu.enqueue_dma source(%dma_start3A_534 : memref<56x128xf32, #tpu.memory_space<vmem>>) target(%dma_start3A_530 : memref<56x128xf32, #tpu.memory_space<hbm>>) target_semaphore(%run_scoped3A_520 : memref<!tpu.dma_semaphore, #tpu.memory_space<semaphore_mem>>)
      %dma_wait3A_535 = arith.constant 0 : i32
      %dma_wait3A_536 = arith.constant 0 : i32
      %dma_wait3A_537 = tpu.memref_slice %arg7[%run_scoped3A_519, %dma_wait3A_535, %dma_wait3A_536] : memref<3x96x128xf32, #tpu.memory_space<vmem>> -> memref<1x56x128xf32, #tpu.memory_space<vmem>>
      %dma_wait3A_538 = tpu.memref_squeeze %dma_wait3A_537 : memref<1x56x128xf32, #tpu.memory_space<vmem>> -> memref<56x128xf32, #tpu.memory_space<vmem>>
      %dma_wait3A_539 = arith.constant 0 : i32
      %dma_wait3A_540 = tpu.memref_slice %arg5[%arg0, %add3A_517, %dma_wait3A_539] : memref<2x10112x128xf32, #tpu.memory_space<hbm>> -> memref<1x56x128xf32, #tpu.memory_space<hbm>>
      %dma_wait3A_541 = tpu.memref_squeeze %dma_wait3A_540 : memref<1x56x128xf32, #tpu.memory_space<hbm>> -> memref<56x128xf32, #tpu.memory_space<hbm>>
      %dma_wait3A_542 = arith.constant 0 : i32
      %dma_wait3A_543 = tpu.memref_slice %arg5[%arg0, %add3A_517, %dma_wait3A_542] : memref<2x10112x128xf32, #tpu.memory_space<hbm>> -> memref<1x56x128xf32, #tpu.memory_space<hbm>>
      %dma_wait3A_544 = tpu.memref_squeeze %dma_wait3A_543 : memref<1x56x128xf32, #tpu.memory_space<hbm>> -> memref<56x128xf32, #tpu.memory_space<hbm>>
      %dma_wait3A_545 = arith.constant 0 : i32
      %dma_wait3A_546 = arith.constant 0 : i32
      %dma_wait3A_547 = tpu.memref_slice %arg7[%run_scoped3A_519, %dma_wait3A_545, %dma_wait3A_546] : memref<3x96x128xf32, #tpu.memory_space<vmem>> -> memref<1x56x128xf32, #tpu.memory_space<vmem>>
      %dma_wait3A_548 = tpu.memref_squeeze %dma_wait3A_547 : memref<1x56x128xf32, #tpu.memory_space<vmem>> -> memref<56x128xf32, #tpu.memory_space<vmem>>
      tpu.wait_dma2 semaphore(%run_scoped3A_520 : memref<!tpu.dma_semaphore, #tpu.memory_space<semaphore_mem>>) src(%dma_wait3A_548 : memref<56x128xf32, #tpu.memory_space<vmem>>) dst(%dma_wait3A_544 : memref<56x128xf32, #tpu.memory_space<hbm>>)
      tpu.yield
    }) : () -> ()
    return
  }
}

</mosaic_0001>

<sc_bundles>
// kernel: _sc_segment_sum.3.cloned.1.call-start
scs
__scs_entry_jumppad:
0x0: {  	(pc) =	sbr.rel $0x88, $3  }
0x1: {  	(tag) =	ssettag $0x0;
	lr =	simm.s32 $0x1  }
0x2: {  	[smem:$0x3F9E] =	sst lr;
	_ =	strace $0xD0000000  }
0x3: {  	_ = 	snop  }
0x4: {  	_ = 	snop  }
0x5: {  	_ = 	snop  }
0x6: {  	_ = 	snop  }
0x7: {  	_ = 	snop  }
__scs_overlays_trampoline_lowered:
0x8: {  	[smem:$0x3FAD] =	sst s0  }
0x9: {  	[smem:$0x3FAE] =	sst s1  }
0xa: {  	[smem:$0x3FAF] =	sst s2  }
0xb: {  	[smem:$0x3FB0] =	sst s3  }
0xc: {  	[smem:$0x3FB1] =	sst s4  }
0xd: {  	[smem:$0x3FB2] =	sst s5  }
0xe: {  	[smem:$0x3FB3] =	sst s6  }
0xf: {  	[smem:$0x3FB4] =	sst s7  }
0x10: {  	[smem:$0x3FB5] =	sst s8  }
0x11: {  	[smem:$0x3FB6] =	sst s9;
	s0 =	simm.s32 @!p0 $0x0  }
0x12: {  	s1 =	sld [smem:$0x3F9C];
	s0 =	simm.s32 @p0 $0x1  }
0x13: {  	[smem:$0x3FB7] =	sst s0;
	s0 =	simm.s32 @!p1 $0x0  }
0x14: {  	s2 =	sld [smem:$0x3F9B];
	s0 =	simm.s32 @p1 $0x1  }
0x15: {  	[smem:$0x3FB8] =	sst s0;
	s0 =	simm.s32 @!p2 $0x0  }
0x16: {  	s3 =	sld [smem:$0x3FDB];
	s0 =	simm.s32 @p2 $0x1  }
0x17: {  	s4 =	simm.s32 $0x1BF5;
	[smem:$0x3FBA] =	sst s0  }
0x18: {  	s0 =	sld [smem:$0x3F9D];
	_ =	swait.ge [sflag:s4], $0x0  }
0x19: {  	s7 =	sld [smem:$0x3F9E]  }
0x1a: {  	s8 =	sadd.s32 $0xFFFFE003, lr  }
0x1b: {  	s9 =	sadd.s32 $0xFFFFFEF7, lr;
	s5 =	simm.s32 $0xFFFFFFFF;
	p2 =	slt.u32 s8, $0xFFFFF086  }
0x1c: {  	p1 =	slt.u32 s9, $0xF7A;
	s5 =	simm.s32 @!p2 $0x0  }
0x1d: {  	s5 =	simm.s32 @p1 $0x1;
	p0 =	seq.s32 s7, s2  }
0x1e: {  	s7 =	smul.u32 @!p0 $0xF7A, s2;
	p2 =	seq.s32 @!p0 s5, $0x0  }
0x1f: {  	s9 =	smul.u32 $0xF7A, s1;
	s8 =	simm.s32 @!p0 $0x1BF5;
	p2 =	por !p2, p0  }
0x20: {  	[sflag:s8] =	ssyncset.s32 @!p0 $0xFFFFF086;
	s6 =	sadd.s32 @!p0 s3, s7;
	s7 =	simm.s32 @!p0 $0x108  }
0x21: {  	s3 =	sadd.s32 s3, s9;
	s6 =	sadd.s32 @!p0 $0x88, s6;
	s7 =	simm.s32 @p2 $0x1082  }
0x22: {  	[simem:s7], [sflag:s8] =	dma.local @!p0 [hbm:s6], $0xF7A  }
0x23: {  	s9 =	sor.u32 $0xD0000000, s2;
	s6 =	simm.s32 $0x108;
	_ =	swait.ge @!p0 [sflag:s8], $0x0  }
0x24: {  	s3 =	sadd.s32 $0x88, s3;
	s6 =	simm.s32 @!p1 $0x1082;
	[sflag:s4] =	ssyncset.s32 $0xFFFFF086  }
0x25: {  	[simem:s6], [sflag:s4] =	dma.local [hbm:s3], $0xF7A  }
0x26: {  	[smem:$0x3F9E] =	sst s1;
	(tag) =	ssettag s2;
	_ =	strace s9  }
0x27: {  	s1 =	sld [smem:$0x3FAE]  }
0x28: {  	s2 =	sld [smem:$0x3FAF]  }
0x29: {  	s4 =	sld [smem:$0x3FB1]  }
0x2a: {  	p0 =	seq.s32 s5, $0x0;
	s5 =	sld [smem:$0x3FB2]  }
0x2b: {  	s6 =	sld [smem:$0x3FB3]  }
0x2c: {  	s7 =	sld [smem:$0x3FB4]  }
0x2d: {  	s3 =	simm.s32 $0x108;
	s8 =	sld [smem:$0x3FB5]  }
0x2e: {  	s3 =	simm.s32 @!p0 $0x1082;
	s9 =	sld [smem:$0x3FB6]  }
0x2f: {  	lr =	sadd.s32 s0, s3;
	s0 =	sld [smem:$0x3FAD]  }
0x30: {  	s3 =	sld [smem:$0x3FB0]  }
0x31: {  	[smem:$0x3FB9] =	sst s10  }
0x32: {  	s10 =	sld [smem:$0x3FB7];
	_ =	sdelay $0x3  }
0x33: {  	p0 =	seq.s32 s10, $0x1;
	s10 =	sld [smem:$0x3FB9];
	_ =	sdelay $0x3  }
0x34: {  	[smem:$0x3FB9] =	sst s10  }
0x35: {  	s10 =	sld [smem:$0x3FB8];
	_ =	sdelay $0x3  }
0x36: {  	p1 =	seq.s32 s10, $0x1;
	s10 =	sld [smem:$0x3FB9];
	_ =	sdelay $0x3  }
0x37: {  	[smem:$0x3FB9] =	sst s10  }
0x38: {  	s10 =	sld [smem:$0x3FBA]  }
0x39: {  	_ = 	snop;
	(pc) =	sbr.ind lr, $3  }
0x3a: {  	_ = 	snop  }
0x3b: {  	_ = 	snop  }
0x3c: {  	p2 =	seq.s32 s10, $0x1;
	s10 =	sld [smem:$0x3FB9]  }
0x3d: {  	_ =	shalt  }
0x3e: {  	_ =	shalt  }
0x3f: {  	_ =	shalt  }
0x40: {  	_ =	shalt  }
0x41: {  	_ =	shalt  }
0x42: {  	_ =	shalt  }
0x43: {  	_ =	shalt  }
0x44: {  	_ =	shalt  }
0x45: {  	_ =	shalt  }
0x46: {  	_ =	shalt  }
0x47: {  	_ =	shalt  }
0x48: {  	_ =	shalt  }
0x49: {  	_ =	shalt  }
0x4a: {  	_ =	shalt  }
0x4b: {  	_ =	shalt  }
0x4c: {  	_ =	shalt  }
0x4d: {  	_ =	shalt  }
0x4e: {  	_ =	shalt  }
0x4f: {  	_ =	shalt  }
0x50: {  	_ =	shalt  }
0x51: {  	_ =	shalt  }
0x52: {  	_ =	shalt  }
0x53: {  	_ =	shalt  }
0x54: {  	_ =	shalt  }
0x55: {  	_ =	shalt  }
0x56: {  	_ =	shalt  }
0x57: {  	_ =	shalt  }
0x58: {  	_ =	shalt  }
0x59: {  	_ =	shalt  }
0x5a: {  	_ =	shalt  }
0x5b: {  	_ =	shalt  }
0x5c: {  	_ =	shalt  }
0x5d: {  	_ =	shalt  }
0x5e: {  	_ =	shalt  }
0x5f: {  	_ =	shalt  }
0x60: {  	_ =	shalt  }
0x61: {  	_ =	shalt  }
0x62: {  	_ =	shalt  }
0x63: {  	_ =	shalt  }
0x64: {  	_ =	shalt  }
0x65: {  	_ =	shalt  }
0x66: {  	_ =	shalt  }
0x67: {  	_ =	shalt  }
0x68: {  	_ =	shalt  }
0x69: {  	_ =	shalt  }
0x6a: {  	_ =	shalt  }
0x6b: {  	_ =	shalt  }
0x6c: {  	_ =	shalt  }
0x6d: {  	_ =	shalt  }
0x6e: {  	_ =	shalt  }
0x6f: {  	_ =	shalt  }
0x70: {  	_ =	shalt  }
0x71: {  	_ =	shalt  }
0x72: {  	_ =	shalt  }
0x73: {  	_ =	shalt  }
0x74: {  	_ =	shalt  }
0x75: {  	_ =	shalt  }
0x76: {  	_ =	shalt  }
0x77: {  	_ =	shalt  }
0x78: {  	_ =	shalt  }
0x79: {  	_ =	shalt  }
0x7a: {  	_ =	shalt  }
0x7b: {  	_ =	shalt  }
0x7c: {  	_ =	shalt  }
0x7d: {  	_ =	shalt  }
0x7e: {  	_ =	shalt  }
0x7f: {  	_ =	shalt  }
0x80: {  	_ =	shalt  }
0x81: {  	_ =	shalt  }
0x82: {  	_ =	shalt  }
0x83: {  	_ =	shalt  }
0x84: {  	_ =	shalt  }
0x85: {  	_ =	shalt  }
0x86: {  	_ =	shalt  }
0x87: {  	_ =	shalt  }
.Lfunc_end0:
.L_simem_size_0:
called_computation_lowered:
.L_overlay_start_0:
0x88: {  	s2 =	sld [smem:$0x3FD9]  }
0x89: {  	s3 =	sld [smem:$0x3FFE];
	_ =	sdelay $0x1  }
0x8a: {  	s1 =	srdreg.scid  }
0x8b: {  	s0 =	sand.u32 $0x1, s1  }
0x8c: {  	s18 =	sshll.u32 s0, $0xA;
	s2 =	sadd.s32 s3, s2  }
0x8d: {  	s2 =	sadd.s32 s2, s18  }
0x8e: {  	[smem:$0x3FC5] =	sst s2  }
0x8f: {  	_ = 	snop  }
0x90: {  	s2 =	sld [smem:$0x3FC9]  }
0x91: {  	s19 =	sld [smem:$0x3FC8]  }
0x92: {  	s4 =	sld [smem:$0x3FC7]  }
0x93: {  	s5 =	sld [smem:$0x3FD0];
	(tm) =	ssettm $0x1  }
0x94: {  	s6 =	sld [smem:$0x3FFB];
	_ =	sdelay $0x3  }
0x95: {  	_ =	strace s6  }
0x96: {  	s6 =	sld [smem:$0x3FFC];
	_ =	sdelay $0x3  }
0x97: {  	_ =	strace s6  }
0x98: {  	s6 =	sld [smem:$0x3FFD];
	_ =	sdelay $0x3  }
0x99: {  	_ =	strace s6  }
0x9a: {  	_ =	strace $0x8FFFFFFF  }
0x9b: {  	s20 =	sld [smem:$0x3FDB];
	_ =	sdelay $0x1  }
0x9c: {  	s7 =	simm.s32 $_scs_section_size  }
0x9d: {  	s8 =	simm.s32 $_size__tile_overlayer_lowered;
	s9 =	simm.s32 $_tile_overlayer_lowered  }
0x9e: {  	s23 =	simm.s32 $0x1BFF;
	s22 =	sshll.u32 s9, $0x1;
	s6 =	sadd.s32 s7, s20  }
0x9f: {  	s10 =	simm.s32 $0x0;
	s21 =	sshll.u32 s8, $0x1;
	s8 =	sadd.s32 s22, s6  }
0xa0: {  	[timem:s10], [sflag:s23] =	dma.local [hbm:s8], s21  }
0xa1: {  	_ =	swait.ge [sflag:s23], s21  }
0xa2: {  	s7 =	ssub.s32 $0x0, s21;
	[sflag:s23] =	ssyncset.done $0x0  }
0xa3: {  	[sflag:s23] =	ssyncadd.s32 s7;
	_ =	sdelay $0x1  }
0xa4: {  	s24 =	simm.s32 $0x1B8B  }
0xa5: {  	_ =	swait.ge [sflag:s24], $0x1  }
0xa6: {  	[sflag:s24] =	ssyncset.done $0x0  }
0xa7: {  	s25 =	simm.s32 $0x1B8E;
	[sflag:s24] =	ssyncadd.s32 $0xFFFFFFFF  }
0xa8: {  	s26 =	simm.s32 $execute0_lowered;
	[smem:$0x3FD2] =	sst s25  }
0xa9: {  	s7 =	sshll.u32 s26, $0x1;
	_ =	strace $0x80000046;
	[dreg:$0x1] =	wrdreg $0xFFFFFFFF  }
0xaa: {  	s28 =	simm.s32 $_size_execute0_lowered;
	s6 =	sadd.s32 s6, s7;
	[dreg:$0x0] =	wrdreg $0x0  }
0xab: {  	s7 =	sshll.u32 s28, $0x1;
	[dreg:$0x2] =	wrdreg s6  }
0xac: {  	[dreg:$0x3] =	wrdreg s7  }
0xad: {  	[dreg:$0x4] =	wrdreg $0xC0  }
0xae: {  	_ =	task [dreg:s10], $0x5FFFF  }
0xaf: {  	[dreg:$0x1] =	wrdreg $0xFFFFFFFF  }
0xb0: {  	[dreg:$0x0] =	wrdreg $0x60  }
0xb1: {  	[dreg:$0x2] =	wrdreg s2  }
0xb2: {  	[dreg:$0x3] =	wrdreg s19  }
0xb3: {  	[dreg:$0x4] =	wrdreg s4  }
0xb4: {  	[dreg:$0x5] =	wrdreg s5  }
0xb5: {  	[dreg:$0x6] =	wrdreg $0x0  }
0xb6: {  	[dreg:$0x7] =	wrdreg $0x9  }
0xb7: {  	_ =	task.clear_ibuf [dreg:s10], $0x8FFFF;
	_ =	strace $0x90000046  }
0xb8: {  	s29 =	simm.s32 $0x9;
	_ =	strace $0x80000048  }
0xb9: {  	_ =	swait.ge [sflag:s29], $0x1  }
0xba: {  	[sflag:s29] =	ssyncadd.s32 $0xFFFFFFFF  }
0xbb: {  	_ =	strace $0x90000048  }
0xbc: {  	_ =	sfence  }
0xbd: {  	s30 =	sld [smem:$0x0];
	_ =	sdelay $0x2  }
0xbe: {  	s31 =	sshll.u32 s1, $0xD;
	s1 =	sshrl.u32 s1, $0x2  }
0xbf: {  	s3 =	sand.u32 $0x4000, s31;
	s1 =	sadd.s32 s1, s30  }
0xc0: {  	s0 =	sor.u32 s3, s0;
	s1 =	sshll.u32 s1, $0x11  }
0xc1: {  	s0 =	sor.u32 s1, s0  }
0xc2: {  	s0 =	sadd.s32 $0x8F2B, s0  }
0xc3: {  	[sflag:s0] =	ssyncadd.remote.s32 $0x1  }
0xc4: {  	_ =	sfence.sel $0xFFFF  }
0xc5: {  	[dreg:$0x0] =	wrdreg $0xFFFFFFFF;
	(pc) =	sbr.abs _section_cstart, $3  }
0xc6: {  	[dreg:$0x1] =	wrdreg $0xFFFFFFFF  }
0xc7: {  	_ =	task.clear_ibuf [dreg:s10], $0x2FFFF;
	_ =	strace $0x9FFFFFFF  }
0xc8: {  	(tm) =	ssettm $0x7FFFFFFF  }
0xc9: {  	_ =	shalt  }
tec
execute0_lowered:
.L_overlay_start_1:
0x0: {  	(tag) =	ssettag $0x1  }
0x1: {  	s1 =	rddreg [dreg:$0x0]  }
0x2: {  	s0 =	rddreg [dreg:$0x1]  }
0x3: {  	s2 =	rddreg [dreg:$0x3]  }
0x4: {  	s4 =	rddreg [dreg:$0x4]  }
0x5: {  	s3 =	srdreg.scid;
	s11 =	stileid.u32;
	s5 =	simm.s32 $0x0  }
0x6: {  	s28 =	simm.s32 $0x60;
	s29 =	simm.s32 $0x1F380;
	s30 =	simm.s32 $0x1F400  }
0x7: {  	s31 =	simm.s32 $0x16C00;
	s3 =	sand.u32 $0x1, s3;
	s7 =	smul.u32 $0x4F000, s11  }
0x8: {  	[smem:$0x7FF] =	sst s5;
	s12 =	smul.u32 $0x13C00, s11;
	s10 =	sshrl.u32 s11, $0x2  }
0x9: {  	s21 =	sshll.u32 s11, $0x8;
	s6 =	ssub.s32 $0x2, s3;
	_ =	strace $0x80000047  }
0xa: {  	s19 =	smul.u32 $0x13C00, s10;
	s21 =	sand.u32 $0x300, s21;
	s8 =	sshrl.u32 s6, $0x1  }
0xb: {  	s20 =	sshrl.u32 s7, $0x2;
	s14 =	sadd.s32 $0x3000, s12;
	s15 =	sadd.s32 $0x6000, s12  }
0xc: {  	s16 =	sadd.s32 $0x9000, s12;
	s17 =	sadd.s32 $0xC000, s12;
	s18 =	sadd.s32 $0xF000, s12  }
0xd: {  	s13 =	ssub.s32 s6, s8;
	s6 =	sadd.s32 s20, s4;
	s7 =	sadd.s32 s14, s4  }
0xe: {  	s8 =	sadd.s32 s15, s4;
	s9 =	sadd.s32 s16, s4;
	s20 =	sshll.u32 s3, $0x7  }
0xf: {  	s3 =	smul.u32 $0x13C000, s3;
	s10 =	sadd.s32 s17, s4;
	s20 =	sor.u32 s20, s21  }
0x10: {  	s11 =	sadd.s32 s18, s4;
	s21 =	sadd.s32 $0x12000, s12;
	s19 =	sor.u32 s19, s20  }
0x11: {  	s22 =	sadd.s32 s12, s3;
	s12 =	sadd.s32 s21, s4;
	s24 =	sadd.s32 s3, s14  }
0x12: {  	s25 =	sadd.s32 s3, s15;
	s26 =	sadd.s32 s3, s16;
	s14 =	simm.s32 $0x4  }
0x13: {  	s15 =	simm.s32 $0x5;
	s19 =	sshrl.u32 s19, $0x3;
	s20 =	sshrl.u32 s22, $0x3  }
0x14: {  	s16 =	sshrl.u32 s25, $0x3;
	s22 =	sadd.s32 s3, s17;
	s17 =	simm.s32 $0x0  }
0x15: {  	s0 =	sadd.s32 s0, s19;
	s23 =	sadd.s32 s2, s20;
	s19 =	sshrl.u32 s26, $0x3  }
0x16: {  	s26 =	smax.u32 s13, $0x1;
	s13 =	simm.s32 $0x1F680;
	[dreg:$0x6] =	wrdreg s0  }
0x17: {  	[dreg:$0x7] =	wrdreg s23;
	s0 =	sshrl.u32 s24, $0x3;
	s20 =	sadd.s32 s2, s19  }
0x18: {  	s23 =	sadd.s32 s3, s18;
	s3 =	sadd.s32 s3, s21;
	[dreg:$0xe] =	wrdreg s26  }
0x19: {  	s26 =	simm.s32 $0x1F600;
	s0 =	sadd.s32 s2, s0;
	[dreg:$0xa] =	wrdreg s20  }
0x1a: {  	s24 =	sshrl.u32 s23, $0x3;
	s3 =	sshrl.u32 s3, $0x3;
	s23 =	simm.s32 $0x7  }
0x1b: {  	[dreg:$0x8] =	wrdreg s0;
	s0 =	sadd.s32 s2, s16;
	s25 =	sadd.s32 s2, s3  }
.Ltmp0:
0x1c: {  	s3 =	simm.s32 $0x19C00;
	[dreg:$0x9] =	wrdreg s0;
	(pc) =	sbr.rel .LBB2_1-.Ltmp0, $4  }
0x1d: {  	s16 =	simm.s32 $0x6;
	s0 =	sshrl.u32 s22, $0x3;
	[dreg:$0xd] =	wrdreg s25  }
0x1e: {  	s22 =	simm.s32 $0x13C00;
	s25 =	simm.s32 $0x2;
	s0 =	sadd.s32 s2, s0  }
0x1f: {  	[dreg:$0xb] =	wrdreg s0;
	s0 =	sadd.s32 s2, s24;
	s2 =	simm.s32 $0x1  }
0x20: {  	s24 =	simm.s32 $0x1F580;
	[dreg:$0xc] =	wrdreg s0;
	s0 =	simm.s32 $0x3  }
.LBB2_4:
0x21: {  	_ =	swait.ge [sflag:s0], $0x3000  }
0x22: {  	[sflag:s0] =	ssyncset.done $0x0  }
0x23: {  	[sflag:s0] =	ssyncadd.s32 $0xFFFFD000  }
0x24: {  	[spmem:s4] =	stream.indirect.scatter.add.f32 [tilespmem:s3], [sflag:$0x6], $0x80, s13, s28, $0xb8;
	[tilespmem:$0x1F780] =	vst v63  }
0x25: {  	_ =	swait.ge [sflag:s14], $0x3000  }
0x26: {  	[sflag:s14] =	ssyncset.done $0x0  }
0x27: {  	[sflag:s14] =	ssyncadd.s32 $0xFFFFD000  }
0x28: {  	_ =	swait.ge [sflag:s15], $0x3000  }
0x29: {  	[sflag:s15] =	ssyncset.done $0x0  }
0x2a: {  	[sflag:s15] =	ssyncadd.s32 $0xFFFFD000  }
0x2b: {  	_ =	swait.ge [sflag:s16], $0x3000  }
0x2c: {  	[sflag:s16] =	ssyncset.done $0x0  }
0x2d: {  	[sflag:s16] =	ssyncadd.s32 $0xFFFFD000  }
0x2e: {  	[bflag:$0x0] =	sbarrier.arrive $0xFFFF  }
0x2f: {  	[tilespmem:s22], [sflag:$0x7] =	stream.linear.gather [spmem:s6], $0x3000, $0x38;
	[tilespmem:$0x1F780] =	vst v63  }
0x30: {  	_ =	swait.ge [sflag:s23], $0x3000  }
0x31: {  	[sflag:s23] =	ssyncset.done $0x0  }
0x32: {  	s18 =	rddreg [dreg:$0x7];
	[sflag:s23] =	ssyncadd.s32 $0xFFFFD000  }
0x33: {  	[hbm4b:s18+s5] =	stream.linear.scatter [tilespmem:s22], [sflag:$0x7], $0x3000, $0x38;
	[tilespmem:$0x1F780] =	vst v63  }
0x34: {  	_ =	swait.ge [sflag:s23], $0x3000  }
0x35: {  	[sflag:s23] =	ssyncset.done $0x0  }
0x36: {  	[sflag:s23] =	ssyncadd.s32 $0xFFFFD000  }
0x37: {  	[tilespmem:s22], [sflag:$0x7] =	stream.linear.gather [spmem:s7], $0x3000, $0x38;
	[tilespmem:$0x1F780] =	vst v63  }
0x38: {  	_ =	swait.ge [sflag:s23], $0x3000  }
0x39: {  	[sflag:s23] =	ssyncset.done $0x0  }
0x3a: {  	s21 =	rddreg [dreg:$0x8];
	[sflag:s23] =	ssyncadd.s32 $0xFFFFD000  }
0x3b: {  	[hbm4b:s21+s5] =	stream.linear.scatter [tilespmem:s22], [sflag:$0x7], $0x3000, $0x38;
	[tilespmem:$0x1F780] =	vst v63  }
0x3c: {  	_ =	swait.ge [sflag:s23], $0x3000  }
0x3d: {  	[sflag:s23] =	ssyncset.done $0x0  }
0x3e: {  	[sflag:s23] =	ssyncadd.s32 $0xFFFFD000  }
0x3f: {  	[tilespmem:s22], [sflag:$0x7] =	stream.linear.gather [spmem:s8], $0x3000, $0x38;
	[tilespmem:$0x1F780] =	vst v63  }
0x40: {  	_ =	swait.ge [sflag:s23], $0x3000  }
0x41: {  	[sflag:s23] =	ssyncset.done $0x0  }
0x42: {  	s19 =	rddreg [dreg:$0x9];
	[sflag:s23] =	ssyncadd.s32 $0xFFFFD000  }
0x43: {  	[hbm4b:s19+s5] =	stream.linear.scatter [tilespmem:s22], [sflag:$0x7], $0x3000, $0x38;
	[tilespmem:$0x1F780] =	vst v63  }
0x44: {  	_ =	swait.ge [sflag:s23], $0x3000  }
0x45: {  	[sflag:s23] =	ssyncset.done $0x0  }
0x46: {  	[sflag:s23] =	ssyncadd.s32 $0xFFFFD000  }
0x47: {  	[tilespmem:s22], [sflag:$0x7] =	stream.linear.gather [spmem:s9], $0x3000, $0x38;
	[tilespmem:$0x1F780] =	vst v63  }
0x48: {  	_ =	swait.ge [sflag:s23], $0x3000  }
0x49: {  	[sflag:s23] =	ssyncset.done $0x0  }
0x4a: {  	s20 =	rddreg [dreg:$0xa];
	[sflag:s23] =	ssyncadd.s32 $0xFFFFD000  }
0x4b: {  	[hbm4b:s20+s5] =	stream.linear.scatter [tilespmem:s22], [sflag:$0x7], $0x3000, $0x38;
	[tilespmem:$0x1F780] =	vst v63  }
0x4c: {  	_ =	swait.ge [sflag:s23], $0x3000  }
0x4d: {  	[sflag:s23] =	ssyncset.done $0x0  }
0x4e: {  	[sflag:s23] =	ssyncadd.s32 $0xFFFFD000  }
0x4f: {  	[tilespmem:s22], [sflag:$0x7] =	stream.linear.gather [spmem:s10], $0x3000, $0x38;
	[tilespmem:$0x1F780] =	vst v63  }
0x50: {  	_ =	swait.ge [sflag:s23], $0x3000  }
0x51: {  	[sflag:s23] =	ssyncset.done $0x0  }
0x52: {  	s21 =	rddreg [dreg:$0xb];
	[sflag:s23] =	ssyncadd.s32 $0xFFFFD000  }
0x53: {  	[hbm4b:s21+s5] =	stream.linear.scatter [tilespmem:s22], [sflag:$0x7], $0x3000, $0x38;
	[tilespmem:$0x1F780] =	vst v63  }
0x54: {  	_ =	swait.ge [sflag:s23], $0x3000  }
0x55: {  	[sflag:s23] =	ssyncset.done $0x0  }
0x56: {  	[sflag:s23] =	ssyncadd.s32 $0xFFFFD000  }
0x57: {  	[tilespmem:s22], [sflag:$0x7] =	stream.linear.gather [spmem:s11], $0x3000, $0x38;
	[tilespmem:$0x1F780] =	vst v63  }
0x58: {  	_ =	swait.ge [sflag:s23], $0x3000  }
0x59: {  	[sflag:s23] =	ssyncset.done $0x0  }
0x5a: {  	s19 =	rddreg [dreg:$0xc];
	[sflag:s23] =	ssyncadd.s32 $0xFFFFD000  }
0x5b: {  	[hbm4b:s19+s5] =	stream.linear.scatter [tilespmem:s22], [sflag:$0x7], $0x3000, $0x38;
	[tilespmem:$0x1F780] =	vst v63  }
0x5c: {  	_ =	swait.ge [sflag:s23], $0x3000  }
0x5d: {  	[sflag:s23] =	ssyncset.done $0x0  }
0x5e: {  	[sflag:s23] =	ssyncadd.s32 $0xFFFFD000  }
0x5f: {  	[tilespmem:s22], [sflag:$0x7] =	stream.linear.gather [spmem:s12], $0x1C00, $0x38;
	[tilespmem:$0x1F780] =	vst v63  }
0x60: {  	_ =	swait.ge [sflag:s23], $0x1C00  }
0x61: {  	[sflag:s23] =	ssyncset.done $0x0  }
0x62: {  	s20 =	rddreg [dreg:$0xd];
	[sflag:s23] =	ssyncadd.s32 $0xFFFFE400  }
0x63: {  	[hbm4b:s20+s5] =	stream.linear.scatter [tilespmem:s22], [sflag:$0x7], $0x1C00, $0x38;
	[tilespmem:$0x1F780] =	vst v63  }
0x64: {  	_ =	swait.ge [sflag:s23], $0x1C00  }
0x65: {  	s17 =	sadd.s32 $0x1, s17;
	s21 =	rddreg [dreg:$0xe]  }
0x66: {  	p0 =	sne.s32 s17, s21  }
.Ltmp1:
0x67: {  	_ = 	snop;
	(pc) =	sbr.rel @!p0 .LBB2_5-.Ltmp1, $3  }
0x68: {  	_ =	sdelay $0x1  }
0x69: {  	[sflag:s23] =	ssyncset.done $0x0  }
0x6a: {  	[sflag:s23] =	ssyncadd.s32 $0xFFFFE400  }
.LBB2_1:
0x6b: {  	s18 =	rddreg [dreg:$0x2]  }
0x6c: {  	[tilespmem:s22], [sflag:$0x7] =	stream.linear.gather [hbm4b:s18+s5], $0x3000, $0x38;
	[tilespmem:$0x1F780] =	vst v63  }
0x6d: {  	_ =	swait.ge [sflag:s23], $0x3000  }
0x6e: {  	[sflag:s23] =	ssyncset.done $0x0  }
0x6f: {  	[sflag:s23] =	ssyncadd.s32 $0xFFFFD000  }
0x70: {  	[spmem:s6] =	stream.linear.scatter [tilespmem:s22], [sflag:$0x7], $0x3000, $0x38;
	[tilespmem:$0x1F780] =	vst v63  }
0x71: {  	_ =	swait.ge [sflag:s23], $0x3000  }
0x72: {  	[sflag:s23] =	ssyncset.done $0x0  }
0x73: {  	[sflag:s23] =	ssyncadd.s32 $0xFFFFD000  }
0x74: {  	[spmem:s7] =	stream.linear.scatter [tilespmem:s22], [sflag:$0x7], $0x3000, $0x38;
	[tilespmem:$0x1F780] =	vst v63  }
0x75: {  	_ =	swait.ge [sflag:s23], $0x3000  }
0x76: {  	[sflag:s23] =	ssyncset.done $0x0  }
0x77: {  	[sflag:s23] =	ssyncadd.s32 $0xFFFFD000  }
0x78: {  	[spmem:s8] =	stream.linear.scatter [tilespmem:s22], [sflag:$0x7], $0x3000, $0x38;
	[tilespmem:$0x1F780] =	vst v63  }
0x79: {  	_ =	swait.ge [sflag:s23], $0x3000  }
0x7a: {  	[sflag:s23] =	ssyncset.done $0x0  }
0x7b: {  	[sflag:s23] =	ssyncadd.s32 $0xFFFFD000  }
0x7c: {  	[spmem:s9] =	stream.linear.scatter [tilespmem:s22], [sflag:$0x7], $0x3000, $0x38;
	[tilespmem:$0x1F780] =	vst v63  }
0x7d: {  	_ =	swait.ge [sflag:s23], $0x3000  }
0x7e: {  	[sflag:s23] =	ssyncset.done $0x0  }
0x7f: {  	[sflag:s23] =	ssyncadd.s32 $0xFFFFD000  }
0x80: {  	[spmem:s10] =	stream.linear.scatter [tilespmem:s22], [sflag:$0x7], $0x3000, $0x38;
	[tilespmem:$0x1F780] =	vst v63  }
0x81: {  	_ =	swait.ge [sflag:s23], $0x3000  }
0x82: {  	[sflag:s23] =	ssyncset.done $0x0  }
0x83: {  	[sflag:s23] =	ssyncadd.s32 $0xFFFFD000  }
0x84: {  	[spmem:s11] =	stream.linear.scatter [tilespmem:s22], [sflag:$0x7], $0x3000, $0x38;
	[tilespmem:$0x1F780] =	vst v63  }
0x85: {  	_ =	swait.ge [sflag:s23], $0x3000  }
0x86: {  	[sflag:s23] =	ssyncset.done $0x0  }
0x87: {  	[sflag:s23] =	ssyncadd.s32 $0xFFFFD000  }
0x88: {  	[spmem:s12] =	stream.linear.scatter [tilespmem:s22], [sflag:$0x7], $0x1C00, $0x38;
	[tilespmem:$0x1F780] =	vst v63  }
0x89: {  	_ =	swait.ge [sflag:s23], $0x1C00  }
0x8a: {  	s19 =	simm.s32 $0x80;
	s20 =	simm.s32 $0x400;
	[sflag:s23] =	ssyncset.done $0x0  }
0x8b: {  	s21 =	simm.s32 $0x1CC00;
	s18 =	rddreg [dreg:$0x6];
	[sflag:s23] =	ssyncadd.s32 $0xFFFFE400  }
0x8c: {  	[tilespmem:s21], [sflag:$0x7] =	stream.strided.gather [hbm4b:s18+s19], $0x2780, s20, s19, $0x38;
	[tilespmem:$0x1F780] =	vst v63  }
0x8d: {  	_ =	swait.ge [sflag:s23], $0x2780  }
0x8e: {  	[sflag:s23] =	ssyncset.done $0x0  }
0x8f: {  	[sflag:s23] =	ssyncadd.s32 $0xFFFFD880  }
0x90: {  	v0 =	vld [tilespmem:$0x1CC00];
	_ =	sdelay $0x1  }
0x91: {  	v1 =	vld [tilespmem:$0x1CC10];
	_ =	sdelay $0x1  }
0x92: {  	v2 =	vld [tilespmem:$0x1CC20]  }
0x93: {  	v3 =	vand.u32 $0x3FFF, v0  }
0x94: {  	v17 =	vld [tilespmem:$0x1CC30];
	v0 =	vshrl.u32 v0, $0xE;
	[tilespmem:$0x1F380] =	vst v3  }
0x95: {  	v18 =	vand.u32 $0x3FFF, v1;
	[tilespmem:$0x1F580] =	vst v0  }
0x96: {  	v20 =	vld [tilespmem:$0x1CC40];
	v19 =	vshrl.u32 v1, $0xE;
	[tilespmem:$0x1F390] =	vst v18  }
0x97: {  	v21 =	vand.u32 $0x3FFF, v2;
	[tilespmem:$0x1F590] =	vst v19  }
0x98: {  	v23 =	vld [tilespmem:$0x1CC50];
	v22 =	vshrl.u32 v2, $0xE;
	[tilespmem:$0x1F3A0] =	vst v21  }
0x99: {  	v24 =	vand.u32 $0x3FFF, v17;
	[tilespmem:$0x1F5A0] =	vst v22  }
0x9a: {  	v25 =	vshrl.u32 v17, $0xE;
	[tilespmem:$0x1F3B0] =	vst v24  }
0x9b: {  	v26 =	vand.u32 $0x3FFF, v20;
	[tilespmem:$0x1F5B0] =	vst v25  }
0x9c: {  	v27 =	vshrl.u32 v20, $0xE;
	[tilespmem:$0x1F3C0] =	vst v26  }
0x9d: {  	v28 =	vand.u32 $0x3FFF, v23;
	[tilespmem:$0x1F5C0] =	vst v27  }
0x9e: {  	v29 =	vshrl.u32 v23, $0xE;
	[tilespmem:$0x1F3D0] =	vst v28  }
0x9f: {  	[tilespmem:$0x1F5D0] =	vst v29  }
0xa0: {  	[tilespmem:s22], [sflag:$0x1] =	stream.indirect.gather [hbm4b:s1+s28], $0x80, s29, s28, $0xb8;
	[tilespmem:$0x1F780] =	vst v63  }
0xa1: {  	v30 =	vld [tilespmem:$0x1CC60];
	_ =	sdelay $0x1  }
0xa2: {  	v31 =	vld [tilespmem:$0x1CC70];
	_ =	sdelay $0x1  }
0xa3: {  	v32 =	vld [tilespmem:$0x1CC80]  }
0xa4: {  	v33 =	vand.u32 $0x3FFF, v30  }
0xa5: {  	v34 =	vld [tilespmem:$0x1CC90];
	v0 =	vshrl.u32 v30, $0xE;
	[tilespmem:$0x1F400] =	vst v33  }
0xa6: {  	v35 =	vand.u32 $0x3FFF, v31;
	[tilespmem:$0x1F600] =	vst v0  }
0xa7: {  	v37 =	vld [tilespmem:$0x1CCA0];
	v36 =	vshrl.u32 v31, $0xE;
	[tilespmem:$0x1F410] =	vst v35  }
0xa8: {  	v38 =	vand.u32 $0x3FFF, v32;
	[tilespmem:$0x1F610] =	vst v36  }
0xa9: {  	v40 =	vld [tilespmem:$0x1CCB0];
	v39 =	vshrl.u32 v32, $0xE;
	[tilespmem:$0x1F420] =	vst v38  }
0xaa: {  	v41 =	vand.u32 $0x3FFF, v34;
	[tilespmem:$0x1F620] =	vst v39  }
0xab: {  	v42 =	vshrl.u32 v34, $0xE;
	[tilespmem:$0x1F430] =	vst v41  }
0xac: {  	v43 =	vand.u32 $0x3FFF, v37;
	[tilespmem:$0x1F630] =	vst v42  }
0xad: {  	v44 =	vshrl.u32 v37, $0xE;
	[tilespmem:$0x1F440] =	vst v43  }
0xae: {  	v45 =	vand.u32 $0x3FFF, v40;
	[tilespmem:$0x1F640] =	vst v44  }
0xaf: {  	v46 =	vshrl.u32 v40, $0xE;
	[tilespmem:$0x1F450] =	vst v45  }
0xb0: {  	[tilespmem:$0x1F650] =	vst v46  }
0xb1: {  	[tilespmem:s31], [sflag:$0x2] =	stream.indirect.gather [hbm4b:s1+s28], $0x80, s30, s28, $0xb8;
	[tilespmem:$0x1F780] =	vst v63  }
0xb2: {  	v47 =	vld [tilespmem:$0x1CCC0];
	_ =	sdelay $0x1  }
0xb3: {  	v48 =	vld [tilespmem:$0x1CCD0];
	_ =	sdelay $0x1  }
0xb4: {  	v49 =	vld [tilespmem:$0x1CCE0]  }
0xb5: {  	v50 =	vand.u32 $0x3FFF, v47  }
0xb6: {  	v51 =	vld [tilespmem:$0x1CCF0];
	v0 =	vshrl.u32 v47, $0xE;
	[tilespmem:$0x1F480] =	vst v50  }
0xb7: {  	v52 =	vand.u32 $0x3FFF, v48;
	[tilespmem:$0x1F680] =	vst v0  }
0xb8: {  	v54 =	vld [tilespmem:$0x1CD00];
	v53 =	vshrl.u32 v48, $0xE;
	[tilespmem:$0x1F490] =	vst v52  }
0xb9: {  	v55 =	vand.u32 $0x3FFF, v49;
	[tilespmem:$0x1F690] =	vst v53  }
0xba: {  	v57 =	vld [tilespmem:$0x1CD10];
	v56 =	vshrl.u32 v49, $0xE;
	[tilespmem:$0x1F4A0] =	vst v55  }
0xbb: {  	v58 =	vand.u32 $0x3FFF, v51;
	[tilespmem:$0x1F6A0] =	vst v56  }
0xbc: {  	v59 =	vshrl.u32 v51, $0xE;
	[tilespmem:$0x1F4B0] =	vst v58  }
0xbd: {  	v60 =	vand.u32 $0x3FFF, v54;
	[tilespmem:$0x1F6B0] =	vst v59  }
0xbe: {  	v61 =	vshrl.u32 v54, $0xE;
	[tilespmem:$0x1F4C0] =	vst v60  }
0xbf: {  	v62 =	vand.u32 $0x3FFF, v57;
	[tilespmem:$0x1F6C0] =	vst v61  }
0xc0: {  	v63 =	vshrl.u32 v57, $0xE;
	[tilespmem:$0x1F4D0] =	vst v62  }
0xc1: {  	s21 =	simm.s32 $0x1F480;
	[tilespmem:$0x1F6D0] =	vst v63  }
0xc2: {  	[tilespmem:s3], [sflag:$0x3] =	stream.indirect.gather [hbm4b:s1+s28], $0x80, s21, s28, $0xb8;
	[tilespmem:$0x1F780] =	vst v63  }
0xc3: {  	s18 =	simm.s32 $0x0;
	[bflag:$0x0] =	sbarrier.arrive $0xFFFF  }
.LBB2_2:
0xc4: {  	_ =	swait.ge [sflag:s2], $0x3000  }
0xc5: {  	p0 =	seq.s32 s18, $0x0;
	[sflag:s2] =	ssyncset.done $0x0  }
0xc6: {  	s19 =	simm.s32 @!p0 $0x6;
	[sflag:s2] =	ssyncadd.s32 $0xFFFFD000  }
0xc7: {  	[spmem:s4] =	stream.indirect.scatter.add.f32 [tilespmem:s22], [sflag:$0x4], $0x80, s24, s28, $0xb8;
	[tilespmem:$0x1F780] =	vst v63  }
0xc8: {  	_ =	swait.ge @!p0 [sflag:s19], $0x3000  }
0xc9: {  	[sflag:s19] =	ssyncset.done @!p0 $0x0  }
0xca: {  	[sflag:s19] =	ssyncadd.s32 @!p0 $0xFFFFD000;
	s19 =	sshra.s32 @!p0 s18, $0x2  }
0xcb: {  	v0 =	vld @!p0 [tilespmem:s19+$0x1CCC0];
	_ =	sdelay $0x4  }
0xcc: {  	v1 =	vand.u32 @!p0 $0x3FFF, v0  }
0xcd: {  	v0 =	vshrl.u32 @!p0 v0, $0xE;
	[tilespmem:$0x1F480] =	vst @!p0 v1  }
0xce: {  	[tilespmem:$0x1F680] =	vst @!p0 v0  }
0xcf: {  	v0 =	vld @!p0 [tilespmem:s19+$0x1CCD0];
	_ =	sdelay $0x4  }
0xd0: {  	v1 =	vand.u32 @!p0 $0x3FFF, v0  }
0xd1: {  	v0 =	vshrl.u32 @!p0 v0, $0xE;
	[tilespmem:$0x1F490] =	vst @!p0 v1  }
0xd2: {  	[tilespmem:$0x1F690] =	vst @!p0 v0  }
0xd3: {  	v0 =	vld @!p0 [tilespmem:s19+$0x1CCE0];
	_ =	sdelay $0x4  }
0xd4: {  	v1 =	vand.u32 @!p0 $0x3FFF, v0  }
0xd5: {  	v0 =	vshrl.u32 @!p0 v0, $0xE;
	[tilespmem:$0x1F4A0] =	vst @!p0 v1  }
0xd6: {  	[tilespmem:$0x1F6A0] =	vst @!p0 v0  }
0xd7: {  	v0 =	vld @!p0 [tilespmem:s19+$0x1CCF0];
	_ =	sdelay $0x4  }
0xd8: {  	v1 =	vand.u32 @!p0 $0x3FFF, v0  }
0xd9: {  	v0 =	vshrl.u32 @!p0 v0, $0xE;
	[tilespmem:$0x1F4B0] =	vst @!p0 v1  }
0xda: {  	[tilespmem:$0x1F6B0] =	vst @!p0 v0  }
0xdb: {  	v0 =	vld @!p0 [tilespmem:s19+$0x1CD00];
	_ =	sdelay $0x4  }
0xdc: {  	v1 =	vand.u32 @!p0 $0x3FFF, v0  }
0xdd: {  	v0 =	vshrl.u32 @!p0 v0, $0xE;
	[tilespmem:$0x1F4C0] =	vst @!p0 v1  }
0xde: {  	[tilespmem:$0x1F6C0] =	vst @!p0 v0  }
0xdf: {  	v0 =	vld @!p0 [tilespmem:s19+$0x1CD10];
	_ =	sdelay $0x4  }
0xe0: {  	v1 =	vand.u32 @!p0 $0x3FFF, v0  }
0xe1: {  	v0 =	vshrl.u32 @!p0 v0, $0xE;
	[tilespmem:$0x1F4D0] =	vst @!p0 v1  }
0xe2: {  	s20 =	simm.s32 @!p0 $0x1F480;
	s21 =	simm.s32 @!p0 $0x19C00;
	s19 =	simm.s32 @!p0 $0x60;
	[tilespmem:$0x1F6D0] =	vst @!p0 v0  }
0xe3: {  	[tilespmem:s21], [sflag:$0x3] =	stream.indirect.gather @!p0 [hbm4b:s1+s19], $0x80, s20, s19, $0xb8;
	[tilespmem:$0x1F780] =	vst v63  }
0xe4: {  	p0 =	seq.s32 s18, $0x9900  }
.Ltmp2:
0xe5: {  	_ = 	snop;
	(pc) =	sbr.rel @p0 .LBB2_4-.Ltmp2, $4  }
0xe6: {  	_ =	swait.ge [sflag:s25], $0x3000  }
0xe7: {  	[sflag:s25] =	ssyncset.done $0x0  }
0xe8: {  	[sflag:s25] =	ssyncadd.s32 $0xFFFFD000  }
0xe9: {  	[spmem:s4] =	stream.indirect.scatter.add.f32 [tilespmem:s31], [sflag:$0x5], $0x80, s26, s28, $0xb8;
	[tilespmem:$0x1F780] =	vst v63  }
0xea: {  	_ =	swait.ge [sflag:s14], $0x3000  }
0xeb: {  	[sflag:s14] =	ssyncset.done $0x0  }
0xec: {  	s19 =	sshra.s32 s18, $0x2;
	[sflag:s14] =	ssyncadd.s32 $0xFFFFD000  }
0xed: {  	v0 =	vld [tilespmem:s19+$0x1CD20];
	_ =	sdelay $0x4  }
0xee: {  	v1 =	vand.u32 $0x3FFF, v0  }
0xef: {  	v0 =	vshrl.u32 v0, $0xE;
	[tilespmem:$0x1F380] =	vst v1  }
0xf0: {  	[tilespmem:$0x1F580] =	vst v0  }
0xf1: {  	v0 =	vld [tilespmem:s19+$0x1CD30];
	_ =	sdelay $0x4  }
0xf2: {  	v52 =	vand.u32 $0x3FFF, v0  }
0xf3: {  	v0 =	vshrl.u32 v0, $0xE;
	[tilespmem:$0x1F390] =	vst v52  }
0xf4: {  	[tilespmem:$0x1F590] =	vst v0  }
0xf5: {  	v0 =	vld [tilespmem:s19+$0x1CD40];
	_ =	sdelay $0x4  }
0xf6: {  	v53 =	vand.u32 $0x3FFF, v0  }
0xf7: {  	v0 =	vshrl.u32 v0, $0xE;
	[tilespmem:$0x1F3A0] =	vst v53  }
0xf8: {  	[tilespmem:$0x1F5A0] =	vst v0  }
0xf9: {  	v0 =	vld [tilespmem:s19+$0x1CD50];
	_ =	sdelay $0x4  }
0xfa: {  	v54 =	vand.u32 $0x3FFF, v0  }
0xfb: {  	v0 =	vshrl.u32 v0, $0xE;
	[tilespmem:$0x1F3B0] =	vst v54  }
0xfc: {  	[tilespmem:$0x1F5B0] =	vst v0  }
0xfd: {  	v0 =	vld [tilespmem:s19+$0x1CD60];
	_ =	sdelay $0x4  }
0xfe: {  	v55 =	vand.u32 $0x3FFF, v0  }
0xff: {  	v0 =	vshrl.u32 v0, $0xE;
	[tilespmem:$0x1F3C0] =	vst v55  }
0x100: {  	[tilespmem:$0x1F5C0] =	vst v0  }
0x101: {  	v0 =	vld [tilespmem:s19+$0x1CD70];
	_ =	sdelay $0x4  }
0x102: {  	v56 =	vand.u32 $0x3FFF, v0  }
0x103: {  	v0 =	vshrl.u32 v0, $0xE;
	[tilespmem:$0x1F3D0] =	vst v56  }
0x104: {  	[tilespmem:$0x1F5D0] =	vst v0  }
0x105: {  	[tilespmem:s22], [sflag:$0x1] =	stream.indirect.gather [hbm4b:s1+s28], $0x80, s29, s28, $0xb8;
	[tilespmem:$0x1F780] =	vst v63  }
0x106: {  	_ =	swait.ge [sflag:s0], $0x3000  }
0x107: {  	[sflag:s0] =	ssyncset.done $0x0  }
0x108: {  	[sflag:s0] =	ssyncadd.s32 $0xFFFFD000  }
0x109: {  	[spmem:s4] =	stream.indirect.scatter.add.f32 [tilespmem:s3], [sflag:$0x6], $0x80, s13, s28, $0xb8;
	[tilespmem:$0x1F780] =	vst v63  }
0x10a: {  	_ =	swait.ge [sflag:s15], $0x3000  }
0x10b: {  	[sflag:s15] =	ssyncset.done $0x0  }
0x10c: {  	[sflag:s15] =	ssyncadd.s32 $0xFFFFD000  }
0x10d: {  	v57 =	vld [tilespmem:s19+$0x1CD80];
	_ =	sdelay $0x4  }
0x10e: {  	v58 =	vand.u32 $0x3FFF, v57  }
0x10f: {  	v0 =	vshrl.u32 v57, $0xE;
	[tilespmem:$0x1F400] =	vst v58  }
0x110: {  	[tilespmem:$0x1F600] =	vst v0  }
0x111: {  	v0 =	vld [tilespmem:s19+$0x1CD90];
	_ =	sdelay $0x4  }
0x112: {  	v59 =	vand.u32 $0x3FFF, v0  }
0x113: {  	v0 =	vshrl.u32 v0, $0xE;
	[tilespmem:$0x1F410] =	vst v59  }
0x114: {  	[tilespmem:$0x1F610] =	vst v0  }
0x115: {  	v0 =	vld [tilespmem:s19+$0x1CDA0];
	_ =	sdelay $0x4  }
0x116: {  	v60 =	vand.u32 $0x3FFF, v0  }
0x117: {  	v0 =	vshrl.u32 v0, $0xE;
	[tilespmem:$0x1F420] =	vst v60  }
0x118: {  	[tilespmem:$0x1F620] =	vst v0  }
0x119: {  	v0 =	vld [tilespmem:s19+$0x1CDB0];
	_ =	sdelay $0x4  }
0x11a: {  	v61 =	vand.u32 $0x3FFF, v0  }
0x11b: {  	v0 =	vshrl.u32 v0, $0xE;
	[tilespmem:$0x1F430] =	vst v61  }
0x11c: {  	[tilespmem:$0x1F630] =	vst v0  }
0x11d: {  	v0 =	vld [tilespmem:s19+$0x1CDC0];
	_ =	sdelay $0x4  }
0x11e: {  	v62 =	vand.u32 $0x3FFF, v0  }
0x11f: {  	v0 =	vshrl.u32 v0, $0xE;
	[tilespmem:$0x1F440] =	vst v62  }
0x120: {  	[tilespmem:$0x1F640] =	vst v0  }
0x121: {  	v0 =	vld [tilespmem:s19+$0x1CDD0];
	_ =	sdelay $0x3  }
.Ltmp3:
0x122: {  	_ = 	snop;
	(pc) =	sbr.rel .LBB2_2-.Ltmp3, $4  }
0x123: {  	v63 =	vand.u32 $0x3FFF, v0  }
0x124: {  	v0 =	vshrl.u32 v0, $0xE;
	[tilespmem:$0x1F450] =	vst v63  }
0x125: {  	s18 =	sadd.s32 $0x480, s18;
	[tilespmem:$0x1F650] =	vst v0  }
0x126: {  	[tilespmem:s31], [sflag:$0x2] =	stream.indirect.gather [hbm4b:s1+s28], $0x80, s30, s28, $0xb8;
	[tilespmem:$0x1F780] =	vst v63  }
.LBB2_5:
0x127: {  	_ =	sfence.sel $0x180000  }
0x128: {  	[bflag:$0x0] =	sbarrier.arrive $0xFFFF  }
0x129: {  	_ =	strace $0x90000047  }
0x12a: {  	s0 =	stileid.u32;
	[bflag:$0x2] =	sbarrier.arrive $0xFFFF  }
0x12b: {  	p0 =	sne.s32 s0, $0x0;
	s0 =	rddreg [dreg:$0x5]  }
0x12c: {  	s0 =	sadd.s32 @!p0 $0x100000, s0  }
0x12d: {  	[sflag:s0] =	ssyncadd.tile.s32 @!p0 $0x1;
	_ =	shalt  }
.Lfunc_end2:
_tile_overlayer_lowered:
.L_overlay_start_2:
0x12e: {  	(tag) =	ssettag $0x2  }
0x12f: {  	s0 =	rddreg [dreg:$0x0];
	s2 =	stileid.u32  }
0x130: {  	s1 =	rddreg [dreg:$0x1];
	p0 =	sne.s32 s2, $0x0  }
0x131: {  	s3 =	rddreg [dreg:$0x2];
	[bflag:$0x3] =	sbarrier.arrive $0xFFFF;
	s2 =	simm.s32 @!p0 $0x1C07  }
0x132: {  	[timem:s3], [sflag:s2] =	dma.local @!p0 [hbm:s0], s1  }
0x133: {  	s0 =	simm.s32 @!p0 $0x7  }
0x134: {  	_ =	swait.ge @!p0 [sflag:s0], s1  }
0x135: {  	s1 =	ssub.s32 @!p0 $0x0, s1;
	[sflag:s0] =	ssyncset.done @!p0 $0x0  }
0x136: {  	[sflag:s0] =	ssyncadd.s32 @!p0 s1  }
0x137: {  	[bflag:$0x3] =	sbarrier.arrive $0xFFFF  }
0x138: {  	_ =	shalt  }

</sc_bundles>
